<compile_context>
chip_gen: v7x
topology: tpu7x:2x2x1
jax: 0.10.2.dev20260603
libtpu: 0.0.44.dev20260713+nightly
codegen_flags: <defaults>
</compile_context>

<pallas_src>
import functools

import jax
import jax.numpy as jnp
from jax import lax
from jax.experimental import pallas as pl
from jax.experimental.pallas import tpu as pltpu
from jax.experimental.pallas import tpu_sc as plsc


def _pooling_kernel(B, L, V, E, group):
  mesh = plsc.VectorSubcoreMesh(core_axis_name="c", subcore_axis_name="s")
  NC, NS = mesh.num_cores, mesh.num_subcores
  NW = NC * NS
  assert B % NW == 0 and E == 32 and L % 8 == 0
  b_per_w = B // NW
  GROUP = group
  CH = GROUP * L
  ngroups = b_per_w // GROUP
  assert b_per_w % GROUP == 0 and ngroups % 2 == 0
  chunks = []
  off = 0
  while off < CH:
    sz = min(128, CH - off)
    chunks.append((off, sz))
    off += sz
  assert all(o % 8 == 0 and s % 8 == 0 for o, s in chunks)

  @functools.partial(
      pl.kernel,
      out_type=jax.ShapeDtypeStruct((B, E), jnp.float32),
      mesh=mesh,
      scratch_types=[
          pltpu.VMEM((b_per_w * L,), jnp.int32),
          pltpu.VMEM((CH, E), jnp.float32),
          pltpu.VMEM((CH, E), jnp.float32),
          pltpu.VMEM((b_per_w, E), jnp.float32),
          pltpu.SemaphoreType.DMA,
          pltpu.SemaphoreType.DMA,
      ],
      compiler_params=pltpu.CompilerParams(use_tc_tiling_on_sc=False),
  )
  def kern(table_hbm, ids_hbm, pooled_hbm, ids_v, buf0, buf1, pooled_v,
           sem0, sem1):
    wid = lax.axis_index("s") * NC + lax.axis_index("c")
    base = wid * b_per_w

    pltpu.sync_copy(ids_hbm.at[pl.ds(base * L, b_per_w * L)], ids_v)

    def fire(g, buf, sem):
      gb = g * CH
      for o, s in chunks:
        pltpu.async_copy(table_hbm.at[ids_v.at[pl.ds(gb + o, s)]],
                         buf.at[pl.ds(o, s)], sem)

    def wait(buf, sem):
      pltpu.make_async_copy(table_hbm.at[pl.ds(0, CH)], buf, sem).wait()

    h = E // 2

    def acc_store(i, buf, row_off):
      zero = jnp.zeros((h,), jnp.float32)

      def body(r, carry):
        a0, a1, b0, b1, c0, c1, d0, d1 = carry
        rr = row_off + r * 4
        a0 = a0 + buf[rr, pl.ds(0, h)]
        a1 = a1 + buf[rr, pl.ds(h, h)]
        b0 = b0 + buf[rr + 1, pl.ds(0, h)]
        b1 = b1 + buf[rr + 1, pl.ds(h, h)]
        c0 = c0 + buf[rr + 2, pl.ds(0, h)]
        c1 = c1 + buf[rr + 2, pl.ds(h, h)]
        d0 = d0 + buf[rr + 3, pl.ds(0, h)]
        d1 = d1 + buf[rr + 3, pl.ds(h, h)]
        return (a0, a1, b0, b1, c0, c1, d0, d1)

      a0, a1, b0, b1, c0, c1, d0, d1 = lax.fori_loop(
          0, L // 4, body, (zero,) * 8)
      pooled_v[i, pl.ds(0, h)] = (a0 + b0) + (c0 + d0)
      pooled_v[i, pl.ds(h, h)] = (a1 + b1) + (c1 + d1)

    def acc_group(g, buf):
      for k in range(GROUP):
        acc_store(g * GROUP + k, buf, k * L)

    fire(0, buf0, sem0)
    fire(1, buf1, sem1)

    def outer(j, carry):
      g = j * 2
      wait(buf0, sem0)
      acc_group(g, buf0)
      fire(g + 2, buf0, sem0)
      wait(buf1, sem1)
      acc_group(g + 1, buf1)
      fire(g + 3, buf1, sem1)
      return carry

    lax.fori_loop(0, ngroups // 2 - 1, outer, 0)
    wait(buf0, sem0)
    acc_group(ngroups - 2, buf0)
    wait(buf1, sem1)
    acc_group(ngroups - 1, buf1)

    pltpu.sync_copy(pooled_v, pooled_hbm.at[pl.ds(base, b_per_w)])

  return kern


def _proj_body(p_ref, wt_ref, b_ref, o_ref):
  o_ref[...] = (
      jnp.dot(p_ref[...], wt_ref[...], preferred_element_type=jnp.float32)
      + b_ref[...])


def kernel(input_ids, table, W, b):
  B, L = input_ids.shape
  V, E = table.shape
  C = W.shape[0]
  ids_flat = input_ids.reshape(B * L).astype(jnp.int32)

  pooled = _pooling_kernel(B, L, V, E, 4)(table, ids_flat)

  wt = W.T.astype(jnp.float32)
  bias = (jnp.float32(L) * b).reshape(1, C)
  out = pl.pallas_call(
      _proj_body,
      out_shape=jax.ShapeDtypeStruct((B, C), jnp.float32),
  )(pooled, wt, bias)
  return out

# --- scband reference (transcript-rebuilt; emitter-appended) ---
"""Pipeline reference for scband-logistic-regression-12781822673114 (READ-ONLY COPY).

The authoritative reference and input builder live on the scoring server;
editing this copy changes nothing except your own understanding.
"""

import jax, jax.numpy as jnp
import numpy as np

VOCAB = 1000000
EMBED = 32
NCLS = 2
PAD = 0
B = 4096
L = 200

def setup_inputs(seed: int = 0) -> dict:
    key = jax.random.key(seed)
    k1, k2, k3, k4 = jax.random.split(key, 4)
    input_ids = jax.random.randint(k1, (B, L), 0, VOCAB, dtype=jnp.int64 if jax.config.jax_enable_x64 else jnp.int32).astype(jnp.int32)
    table = jax.random.normal(k2, (VOCAB, EMBED), dtype=jnp.float32) * 0.02
    table = table.at[PAD].set(0.0)  # padding_idx row is zeros
    W = jax.random.normal(k3, (NCLS, EMBED), dtype=jnp.float32) * (1.0 / np.sqrt(EMBED))
    b = jax.random.normal(k4, (NCLS,), dtype=jnp.float32) * 0.01
    return {"input_ids": input_ids, "table": table, "W": W, "b": b}

def reference(input_ids, table, W, b):
    # embedding lookup (gather)
    embed = jnp.take(table, input_ids, axis=0)           # [B, L, EMBED]
    out = jnp.einsum('ble,ce->blc', embed, W) + b        # Linear: [B, L, NCLS]
    out = out.sum(axis=1)                                # sum over sequence -> [B, NCLS]
    return out

if __name__ == "__main__":
    import jax
    _d = setup_inputs()
    print(jax.jit(kernel)(*tuple(_d.values())))

</pallas_src>

<mosaic_0001>
#map = affine_map<(d0, d1) -> (0, 0)>
#map1 = affine_map<(d0, d1) -> (0)>
module attributes {stable_mosaic.version = 14 : i64} {
  func.func @kern(%arg0: i32, %arg1: i32, %arg2: memref<1000000x32xf32, #tpu.memory_space<hbm>>, %arg3: memref<819200xi32, #tpu.memory_space<hbm>>, %arg4: memref<4096x32xf32, #tpu.memory_space<hbm>>, %arg5: memref<25600xi32, #tpu.memory_space<vmem>>, %arg6: memref<800x32xf32, #tpu.memory_space<vmem>>, %arg7: memref<800x32xf32, #tpu.memory_space<vmem>>, %arg8: memref<128x32xf32, #tpu.memory_space<vmem>>, %arg9: memref<!tpu.dma_semaphore, #tpu.memory_space<semaphore_mem>>, %arg10: memref<!tpu.dma_semaphore, #tpu.memory_space<semaphore_mem>>) attributes {dimension_semantics = [#tpu.dimension_semantics<core_parallel>, #tpu.dimension_semantics<subcore_parallel>], iteration_bounds = array<i64: 2, 16>, scalar_prefetch = 0 : i64, scratch_operands = 6 : i64, tpu.core_type = #tpu.core_type<sc_vector_subcore>, window_params = [{transform_indices = #map}, {transform_indices = #map1}, {transform_indices = #map}]} {
    %mul3A = arith.constant 2 : i32
    %mul3A_0 = arith.muli %arg1, %mul3A : i32
    %add3A = arith.addi %mul3A_0, %arg0 : i32
    %mul3A_1 = arith.constant 128 : i32
    %mul3A_2 = arith.muli %add3A, %mul3A_1 : i32
    %mul3A_3 = arith.constant 200 : i32
    %mul3A_4 = arith.muli %mul3A_2, %mul3A_3 : i32
    "tpu.region"() ({
      %run_scoped3A = tpu.sem_alloc : memref<!tpu.dma_semaphore, #tpu.memory_space<semaphore_mem>>
      %dma_start3A_338 = tpu.memref_slice %arg3[%mul3A_4] : memref<819200xi32, #tpu.memory_space<hbm>> -> memref<25600xi32, #tpu.memory_space<hbm>>
      %dma_start3A_339 = tpu.memref_slice %arg3[%mul3A_4] : memref<819200xi32, #tpu.memory_space<hbm>> -> memref<25600xi32, #tpu.memory_space<hbm>>
      tpu.enqueue_dma source(%dma_start3A_339 : memref<25600xi32, #tpu.memory_space<hbm>>) target(%arg5 : memref<25600xi32, #tpu.memory_space<vmem>>) target_semaphore(%run_scoped3A : memref<!tpu.dma_semaphore, #tpu.memory_space<semaphore_mem>>)
      %dma_wait3A_340 = tpu.memref_slice %arg3[%mul3A_4] : memref<819200xi32, #tpu.memory_space<hbm>> -> memref<25600xi32, #tpu.memory_space<hbm>>
      %dma_wait3A_341 = tpu.memref_slice %arg3[%mul3A_4] : memref<819200xi32, #tpu.memory_space<hbm>> -> memref<25600xi32, #tpu.memory_space<hbm>>
      tpu.wait_dma2 semaphore(%run_scoped3A : memref<!tpu.dma_semaphore, #tpu.memory_space<semaphore_mem>>) src(%dma_wait3A_341 : memref<25600xi32, #tpu.memory_space<hbm>>) dst(%arg5 : memref<25600xi32, #tpu.memory_space<vmem>>)
      tpu.yield
    }) : () -> ()
    %dma_start3A = arith.constant 0 : i32
    %dma_start3A_5 = arith.constant 0 : i32
    %dma_start3A_6 = tpu.memref_slice %arg6[%dma_start3A, %dma_start3A_5] : memref<800x32xf32, #tpu.memory_space<vmem>> -> memref<128x32xf32, #tpu.memory_space<vmem>>
    %dma_start3A_7 = arith.constant 0 : i32
    %dma_start3A_8 = tpu.memref_slice %arg5[%dma_start3A_7] : memref<25600xi32, #tpu.memory_space<vmem>> -> memref<128xi32, #tpu.memory_space<vmem>>
    %dma_start3A_9 = arith.constant 0 : i32
    %dma_start3A_10 = arith.constant 0 : i32
    %dma_start3A_11 = tpu.memref_slice %arg2[%dma_start3A_9, %dma_start3A_10] : memref<1000000x32xf32, #tpu.memory_space<hbm>> -> memref<1000000x32xf32, #tpu.memory_space<hbm>>
    tpu.enqueue_indirect_dma source(%dma_start3A_11 : memref<1000000x32xf32, #tpu.memory_space<hbm>>) target(%dma_start3A_6 : memref<128x32xf32, #tpu.memory_space<vmem>>) offsets(%dma_start3A_8 : memref<128xi32, #tpu.memory_space<vmem>>) semaphore(%arg9 : memref<!tpu.dma_semaphore, #tpu.memory_space<semaphore_mem>>)
    %dma_start3A_12 = arith.constant 128 : i32
    %dma_start3A_13 = arith.constant 0 : i32
    %dma_start3A_14 = tpu.memref_slice %arg6[%dma_start3A_12, %dma_start3A_13] : memref<800x32xf32, #tpu.memory_space<vmem>> -> memref<128x32xf32, #tpu.memory_space<vmem>>
    %dma_start3A_15 = arith.constant 128 : i32
    %dma_start3A_16 = tpu.memref_slice %arg5[%dma_start3A_15] : memref<25600xi32, #tpu.memory_space<vmem>> -> memref<128xi32, #tpu.memory_space<vmem>>
    %dma_start3A_17 = arith.constant 0 : i32
    %dma_start3A_18 = arith.constant 0 : i32
    %dma_start3A_19 = tpu.memref_slice %arg2[%dma_start3A_17, %dma_start3A_18] : memref<1000000x32xf32, #tpu.memory_space<hbm>> -> memref<1000000x32xf32, #tpu.memory_space<hbm>>
    tpu.enqueue_indirect_dma source(%dma_start3A_19 : memref<1000000x32xf32, #tpu.memory_space<hbm>>) target(%dma_start3A_14 : memref<128x32xf32, #tpu.memory_space<vmem>>) offsets(%dma_start3A_16 : memref<128xi32, #tpu.memory_space<vmem>>) semaphore(%arg9 : memref<!tpu.dma_semaphore, #tpu.memory_space<semaphore_mem>>)
    %dma_start3A_20 = arith.constant 256 : i32
    %dma_start3A_21 = arith.constant 0 : i32
    %dma_start3A_22 = tpu.memref_slice %arg6[%dma_start3A_20, %dma_start3A_21] : memref<800x32xf32, #tpu.memory_space<vmem>> -> memref<128x32xf32, #tpu.memory_space<vmem>>
    %dma_start3A_23 = arith.constant 256 : i32
    %dma_start3A_24 = tpu.memref_slice %arg5[%dma_start3A_23] : memref<25600xi32, #tpu.memory_space<vmem>> -> memref<128xi32, #tpu.memory_space<vmem>>
    %dma_start3A_25 = arith.constant 0 : i32
    %dma_start3A_26 = arith.constant 0 : i32
    %dma_start3A_27 = tpu.memref_slice %arg2[%dma_start3A_25, %dma_start3A_26] : memref<1000000x32xf32, #tpu.memory_space<hbm>> -> memref<1000000x32xf32, #tpu.memory_space<hbm>>
    tpu.enqueue_indirect_dma source(%dma_start3A_27 : memref<1000000x32xf32, #tpu.memory_space<hbm>>) target(%dma_start3A_22 : memref<128x32xf32, #tpu.memory_space<vmem>>) offsets(%dma_start3A_24 : memref<128xi32, #tpu.memory_space<vmem>>) semaphore(%arg9 : memref<!tpu.dma_semaphore, #tpu.memory_space<semaphore_mem>>)
    %dma_start3A_28 = arith.constant 384 : i32
    %dma_start3A_29 = arith.constant 0 : i32
    %dma_start3A_30 = tpu.memref_slice %arg6[%dma_start3A_28, %dma_start3A_29] : memref<800x32xf32, #tpu.memory_space<vmem>> -> memref<128x32xf32, #tpu.memory_space<vmem>>
    %dma_start3A_31 = arith.constant 384 : i32
    %dma_start3A_32 = tpu.memref_slice %arg5[%dma_start3A_31] : memref<25600xi32, #tpu.memory_space<vmem>> -> memref<128xi32, #tpu.memory_space<vmem>>
    %dma_start3A_33 = arith.constant 0 : i32
    %dma_start3A_34 = arith.constant 0 : i32
    %dma_start3A_35 = tpu.memref_slice %arg2[%dma_start3A_33, %dma_start3A_34] : memref<1000000x32xf32, #tpu.memory_space<hbm>> -> memref<1000000x32xf32, #tpu.memory_space<hbm>>
    tpu.enqueue_indirect_dma source(%dma_start3A_35 : memref<1000000x32xf32, #tpu.memory_space<hbm>>) target(%dma_start3A_30 : memref<128x32xf32, #tpu.memory_space<vmem>>) offsets(%dma_start3A_32 : memref<128xi32, #tpu.memory_space<vmem>>) semaphore(%arg9 : memref<!tpu.dma_semaphore, #tpu.memory_space<semaphore_mem>>)
    %dma_start3A_36 = arith.constant 512 : i32
    %dma_start3A_37 = arith.constant 0 : i32
    %dma_start3A_38 = tpu.memref_slice %arg6[%dma_start3A_36, %dma_start3A_37] : memref<800x32xf32, #tpu.memory_space<vmem>> -> memref<128x32xf32, #tpu.memory_space<vmem>>
    %dma_start3A_39 = arith.constant 512 : i32
    %dma_start3A_40 = tpu.memref_slice %arg5[%dma_start3A_39] : memref<25600xi32, #tpu.memory_space<vmem>> -> memref<128xi32, #tpu.memory_space<vmem>>
    %dma_start3A_41 = arith.constant 0 : i32
    %dma_start3A_42 = arith.constant 0 : i32
    %dma_start3A_43 = tpu.memref_slice %arg2[%dma_start3A_41, %dma_start3A_42] : memref<1000000x32xf32, #tpu.memory_space<hbm>> -> memref<1000000x32xf32, #tpu.memory_space<hbm>>
    tpu.enqueue_indirect_dma source(%dma_start3A_43 : memref<1000000x32xf32, #tpu.memory_space<hbm>>) target(%dma_start3A_38 : memref<128x32xf32, #tpu.memory_space<vmem>>) offsets(%dma_start3A_40 : memref<128xi32, #tpu.memory_space<vmem>>) semaphore(%arg9 : memref<!tpu.dma_semaphore, #tpu.memory_space<semaphore_mem>>)
    %dma_start3A_44 = arith.constant 640 : i32
    %dma_start3A_45 = arith.constant 0 : i32
    %dma_start3A_46 = tpu.memref_slice %arg6[%dma_start3A_44, %dma_start3A_45] : memref<800x32xf32, #tpu.memory_space<vmem>> -> memref<128x32xf32, #tpu.memory_space<vmem>>
    %dma_start3A_47 = arith.constant 640 : i32
    %dma_start3A_48 = tpu.memref_slice %arg5[%dma_start3A_47] : memref<25600xi32, #tpu.memory_space<vmem>> -> memref<128xi32, #tpu.memory_space<vmem>>
    %dma_start3A_49 = arith.constant 0 : i32
    %dma_start3A_50 = arith.constant 0 : i32
    %dma_start3A_51 = tpu.memref_slice %arg2[%dma_start3A_49, %dma_start3A_50] : memref<1000000x32xf32, #tpu.memory_space<hbm>> -> memref<1000000x32xf32, #tpu.memory_space<hbm>>
    tpu.enqueue_indirect_dma source(%dma_start3A_51 : memref<1000000x32xf32, #tpu.memory_space<hbm>>) target(%dma_start3A_46 : memref<128x32xf32, #tpu.memory_space<vmem>>) offsets(%dma_start3A_48 : memref<128xi32, #tpu.memory_space<vmem>>) semaphore(%arg9 : memref<!tpu.dma_semaphore, #tpu.memory_space<semaphore_mem>>)
    %dma_start3A_52 = arith.constant 768 : i32
    %dma_start3A_53 = arith.constant 0 : i32
    %dma_start3A_54 = tpu.memref_slice %arg6[%dma_start3A_52, %dma_start3A_53] : memref<800x32xf32, #tpu.memory_space<vmem>> -> memref<32x32xf32, #tpu.memory_space<vmem>>
    %dma_start3A_55 = arith.constant 768 : i32
    %dma_start3A_56 = tpu.memref_slice %arg5[%dma_start3A_55] : memref<25600xi32, #tpu.memory_space<vmem>> -> memref<32xi32, #tpu.memory_space<vmem>>
    %dma_start3A_57 = arith.constant 0 : i32
    %dma_start3A_58 = arith.constant 0 : i32
    %dma_start3A_59 = tpu.memref_slice %arg2[%dma_start3A_57, %dma_start3A_58] : memref<1000000x32xf32, #tpu.memory_space<hbm>> -> memref<1000000x32xf32, #tpu.memory_space<hbm>>
    tpu.enqueue_indirect_dma source(%dma_start3A_59 : memref<1000000x32xf32, #tpu.memory_space<hbm>>) target(%dma_start3A_54 : memref<32x32xf32, #tpu.memory_space<vmem>>) offsets(%dma_start3A_56 : memref<32xi32, #tpu.memory_space<vmem>>) semaphore(%arg9 : memref<!tpu.dma_semaphore, #tpu.memory_space<semaphore_mem>>)
    %dma_start3A_60 = arith.constant 0 : i32
    %dma_start3A_61 = arith.constant 0 : i32
    %dma_start3A_62 = tpu.memref_slice %arg7[%dma_start3A_60, %dma_start3A_61] : memref<800x32xf32, #tpu.memory_space<vmem>> -> memref<128x32xf32, #tpu.memory_space<vmem>>
    %dma_start3A_63 = arith.constant 800 : i32
    %dma_start3A_64 = tpu.memref_slice %arg5[%dma_start3A_63] : memref<25600xi32, #tpu.memory_space<vmem>> -> memref<128xi32, #tpu.memory_space<vmem>>
    %dma_start3A_65 = arith.constant 0 : i32
    %dma_start3A_66 = arith.constant 0 : i32
    %dma_start3A_67 = tpu.memref_slice %arg2[%dma_start3A_65, %dma_start3A_66] : memref<1000000x32xf32, #tpu.memory_space<hbm>> -> memref<1000000x32xf32, #tpu.memory_space<hbm>>
    tpu.enqueue_indirect_dma source(%dma_start3A_67 : memref<1000000x32xf32, #tpu.memory_space<hbm>>) target(%dma_start3A_62 : memref<128x32xf32, #tpu.memory_space<vmem>>) offsets(%dma_start3A_64 : memref<128xi32, #tpu.memory_space<vmem>>) semaphore(%arg10 : memref<!tpu.dma_semaphore, #tpu.memory_space<semaphore_mem>>)
    %dma_start3A_68 = arith.constant 128 : i32
    %dma_start3A_69 = arith.constant 0 : i32
    %dma_start3A_70 = tpu.memref_slice %arg7[%dma_start3A_68, %dma_start3A_69] : memref<800x32xf32, #tpu.memory_space<vmem>> -> memref<128x32xf32, #tpu.memory_space<vmem>>
    %dma_start3A_71 = arith.constant 928 : i32
    %dma_start3A_72 = tpu.memref_slice %arg5[%dma_start3A_71] : memref<25600xi32, #tpu.memory_space<vmem>> -> memref<128xi32, #tpu.memory_space<vmem>>
    %dma_start3A_73 = arith.constant 0 : i32
    %dma_start3A_74 = arith.constant 0 : i32
    %dma_start3A_75 = tpu.memref_slice %arg2[%dma_start3A_73, %dma_start3A_74] : memref<1000000x32xf32, #tpu.memory_space<hbm>> -> memref<1000000x32xf32, #tpu.memory_space<hbm>>
    tpu.enqueue_indirect_dma source(%dma_start3A_75 : memref<1000000x32xf32, #tpu.memory_space<hbm>>) target(%dma_start3A_70 : memref<128x32xf32, #tpu.memory_space<vmem>>) offsets(%dma_start3A_72 : memref<128xi32, #tpu.memory_space<vmem>>) semaphore(%arg10 : memref<!tpu.dma_semaphore, #tpu.memory_space<semaphore_mem>>)
    %dma_start3A_76 = arith.constant 256 : i32
    %dma_start3A_77 = arith.constant 0 : i32
    %dma_start3A_78 = tpu.memref_slice %arg7[%dma_start3A_76, %dma_start3A_77] : memref<800x32xf32, #tpu.memory_space<vmem>> -> memref<128x32xf32, #tpu.memory_space<vmem>>
    %dma_start3A_79 = arith.constant 1056 : i32
    %dma_start3A_80 = tpu.memref_slice %arg5[%dma_start3A_79] : memref<25600xi32, #tpu.memory_space<vmem>> -> memref<128xi32, #tpu.memory_space<vmem>>
    %dma_start3A_81 = arith.constant 0 : i32
    %dma_start3A_82 = arith.constant 0 : i32
    %dma_start3A_83 = tpu.memref_slice %arg2[%dma_start3A_81, %dma_start3A_82] : memref<1000000x32xf32, #tpu.memory_space<hbm>> -> memref<1000000x32xf32, #tpu.memory_space<hbm>>
    tpu.enqueue_indirect_dma source(%dma_start3A_83 : memref<1000000x32xf32, #tpu.memory_space<hbm>>) target(%dma_start3A_78 : memref<128x32xf32, #tpu.memory_space<vmem>>) offsets(%dma_start3A_80 : memref<128xi32, #tpu.memory_space<vmem>>) semaphore(%arg10 : memref<!tpu.dma_semaphore, #tpu.memory_space<semaphore_mem>>)
    %dma_start3A_84 = arith.constant 384 : i32
    %dma_start3A_85 = arith.constant 0 : i32
    %dma_start3A_86 = tpu.memref_slice %arg7[%dma_start3A_84, %dma_start3A_85] : memref<800x32xf32, #tpu.memory_space<vmem>> -> memref<128x32xf32, #tpu.memory_space<vmem>>
    %dma_start3A_87 = arith.constant 1184 : i32
    %dma_start3A_88 = tpu.memref_slice %arg5[%dma_start3A_87] : memref<25600xi32, #tpu.memory_space<vmem>> -> memref<128xi32, #tpu.memory_space<vmem>>
    %dma_start3A_89 = arith.constant 0 : i32
    %dma_start3A_90 = arith.constant 0 : i32
    %dma_start3A_91 = tpu.memref_slice %arg2[%dma_start3A_89, %dma_start3A_90] : memref<1000000x32xf32, #tpu.memory_space<hbm>> -> memref<1000000x32xf32, #tpu.memory_space<hbm>>
    tpu.enqueue_indirect_dma source(%dma_start3A_91 : memref<1000000x32xf32, #tpu.memory_space<hbm>>) target(%dma_start3A_86 : memref<128x32xf32, #tpu.memory_space<vmem>>) offsets(%dma_start3A_88 : memref<128xi32, #tpu.memory_space<vmem>>) semaphore(%arg10 : memref<!tpu.dma_semaphore, #tpu.memory_space<semaphore_mem>>)
    %dma_start3A_92 = arith.constant 512 : i32
    %dma_start3A_93 = arith.constant 0 : i32
    %dma_start3A_94 = tpu.memref_slice %arg7[%dma_start3A_92, %dma_start3A_93] : memref<800x32xf32, #tpu.memory_space<vmem>> -> memref<128x32xf32, #tpu.memory_space<vmem>>
    %dma_start3A_95 = arith.constant 1312 : i32
    %dma_start3A_96 = tpu.memref_slice %arg5[%dma_start3A_95] : memref<25600xi32, #tpu.memory_space<vmem>> -> memref<128xi32, #tpu.memory_space<vmem>>
    %dma_start3A_97 = arith.constant 0 : i32
    %dma_start3A_98 = arith.constant 0 : i32
    %dma_start3A_99 = tpu.memref_slice %arg2[%dma_start3A_97, %dma_start3A_98] : memref<1000000x32xf32, #tpu.memory_space<hbm>> -> memref<1000000x32xf32, #tpu.memory_space<hbm>>
    tpu.enqueue_indirect_dma source(%dma_start3A_99 : memref<1000000x32xf32, #tpu.memory_space<hbm>>) target(%dma_start3A_94 : memref<128x32xf32, #tpu.memory_space<vmem>>) offsets(%dma_start3A_96 : memref<128xi32, #tpu.memory_space<vmem>>) semaphore(%arg10 : memref<!tpu.dma_semaphore, #tpu.memory_space<semaphore_mem>>)
    %dma_start3A_100 = arith.constant 640 : i32
    %dma_start3A_101 = arith.constant 0 : i32
    %dma_start3A_102 = tpu.memref_slice %arg7[%dma_start3A_100, %dma_start3A_101] : memref<800x32xf32, #tpu.memory_space<vmem>> -> memref<128x32xf32, #tpu.memory_space<vmem>>
    %dma_start3A_103 = arith.constant 1440 : i32
    %dma_start3A_104 = tpu.memref_slice %arg5[%dma_start3A_103] : memref<25600xi32, #tpu.memory_space<vmem>> -> memref<128xi32, #tpu.memory_space<vmem>>
    %dma_start3A_105 = arith.constant 0 : i32
    %dma_start3A_106 = arith.constant 0 : i32
    %dma_start3A_107 = tpu.memref_slice %arg2[%dma_start3A_105, %dma_start3A_106] : memref<1000000x32xf32, #tpu.memory_space<hbm>> -> memref<1000000x32xf32, #tpu.memory_space<hbm>>
    tpu.enqueue_indirect_dma source(%dma_start3A_107 : memref<1000000x32xf32, #tpu.memory_space<hbm>>) target(%dma_start3A_102 : memref<128x32xf32, #tpu.memory_space<vmem>>) offsets(%dma_start3A_104 : memref<128xi32, #tpu.memory_space<vmem>>) semaphore(%arg10 : memref<!tpu.dma_semaphore, #tpu.memory_space<semaphore_mem>>)
    %dma_start3A_108 = arith.constant 768 : i32
    %dma_start3A_109 = arith.constant 0 : i32
    %dma_start3A_110 = tpu.memref_slice %arg7[%dma_start3A_108, %dma_start3A_109] : memref<800x32xf32, #tpu.memory_space<vmem>> -> memref<32x32xf32, #tpu.memory_space<vmem>>
    %dma_start3A_111 = arith.constant 1568 : i32
    %dma_start3A_112 = tpu.memref_slice %arg5[%dma_start3A_111] : memref<25600xi32, #tpu.memory_space<vmem>> -> memref<32xi32, #tpu.memory_space<vmem>>
    %dma_start3A_113 = arith.constant 0 : i32
    %dma_start3A_114 = arith.constant 0 : i32
    %dma_start3A_115 = tpu.memref_slice %arg2[%dma_start3A_113, %dma_start3A_114] : memref<1000000x32xf32, #tpu.memory_space<hbm>> -> memref<1000000x32xf32, #tpu.memory_space<hbm>>
    tpu.enqueue_indirect_dma source(%dma_start3A_115 : memref<1000000x32xf32, #tpu.memory_space<hbm>>) target(%dma_start3A_110 : memref<32x32xf32, #tpu.memory_space<vmem>>) offsets(%dma_start3A_112 : memref<32xi32, #tpu.memory_space<vmem>>) semaphore(%arg10 : memref<!tpu.dma_semaphore, #tpu.memory_space<semaphore_mem>>)
    %scan3A = arith.constant 0 : i32
    %scan3A_116 = arith.constant 0 : i32
    %scan3A_117 = arith.constant 15 : i32
    %scan3A_118 = arith.addi %scan3A_116, %scan3A_117 : i32
    %scan3A_119 = arith.constant 1 : i32
    scf.for %scan3A_338 = %scan3A_116 to %scan3A_118 step %scan3A_119  : i32 {
      %mul3A_339 = arith.constant 2 : i32
      %mul3A_340 = arith.muli %scan3A_338, %mul3A_339 : i32
      %dma_wait3A_341 = arith.constant 0 : i32
      %dma_wait3A_342 = arith.constant 0 : i32
      %dma_wait3A_343 = tpu.memref_slice %arg2[%dma_wait3A_341, %dma_wait3A_342] : memref<1000000x32xf32, #tpu.memory_space<hbm>> -> memref<800x32xf32, #tpu.memory_space<hbm>>
      %dma_wait3A_344 = arith.constant 0 : i32
      %dma_wait3A_345 = arith.constant 0 : i32
      %dma_wait3A_346 = tpu.memref_slice %arg2[%dma_wait3A_344, %dma_wait3A_345] : memref<1000000x32xf32, #tpu.memory_space<hbm>> -> memref<800x32xf32, #tpu.memory_space<hbm>>
      tpu.wait_dma2 semaphore(%arg9 : memref<!tpu.dma_semaphore, #tpu.memory_space<semaphore_mem>>) src(%dma_wait3A_346 : memref<800x32xf32, #tpu.memory_space<hbm>>) dst(%arg6 : memref<800x32xf32, #tpu.memory_space<vmem>>)
      %mul3A_347 = arith.constant 4 : i32
      %mul3A_348 = arith.muli %mul3A_340, %mul3A_347 : i32
      %add3A_349 = arith.constant 0 : i32
      %add3A_350 = arith.addi %mul3A_348, %add3A_349 : i32
      %broadcast_in_dim3A_351 = arith.constant 0.000000e+00 : f32
      %broadcast_in_dim3A_352 = vector.broadcast %broadcast_in_dim3A_351 : f32 to vector<16xf32>
      %scan3A_353 = arith.constant 0 : i32
      %scan3A_354 = arith.constant 50 : i32
      %scan3A_355 = arith.addi %scan3A_353, %scan3A_354 : i32
      %scan3A_356 = arith.constant 1 : i32
      %scan3A_357:8 = scf.for %scan3A_713 = %scan3A_353 to %scan3A_355 step %scan3A_356 iter_args(%scan3A_714 = %broadcast_in_dim3A_352, %scan3A_715 = %broadcast_in_dim3A_352, %scan3A_716 = %broadcast_in_dim3A_352, %scan3A_717 = %broadcast_in_dim3A_352, %scan3A_718 = %broadcast_in_dim3A_352, %scan3A_719 = %broadcast_in_dim3A_352, %scan3A_720 = %broadcast_in_dim3A_352, %scan3A_721 = %broadcast_in_dim3A_352) -> (vector<16xf32>, vector<16xf32>, vector<16xf32>, vector<16xf32>, vector<16xf32>, vector<16xf32>, vector<16xf32>, vector<16xf32>)  : i32 {
        %mul3A_722 = arith.constant 4 : i32
        %mul3A_723 = arith.muli %scan3A_713, %mul3A_722 : i32
        %add3A_724 = arith.constant 0 : i32
        %add3A_725 = arith.addi %add3A_724, %mul3A_723 : i32
        %get3A = arith.index_cast %add3A_725 : i32 to index
        %get3A_726 = arith.constant 0 : index
        %get3A_727 = tpu.vector_load %arg6[%get3A, %get3A_726] {strides = array<i32>} : memref<800x32xf32, #tpu.memory_space<vmem>>, vector<1x16xf32>,
        %get3A_728 = vector.shape_cast %get3A_727 : vector<1x16xf32> to vector<16xf32>
        %add3A_729 = arith.addf %scan3A_714, %get3A_728 : vector<16xf32>
        %get3A_730 = arith.index_cast %add3A_725 : i32 to index
        %get3A_731 = arith.constant 16 : index
        %get3A_732 = tpu.vector_load %arg6[%get3A_730, %get3A_731] {strides = array<i32>} : memref<800x32xf32, #tpu.memory_space<vmem>>, vector<1x16xf32>,
        %get3A_733 = vector.shape_cast %get3A_732 : vector<1x16xf32> to vector<16xf32>
        %add3A_734 = arith.addf %scan3A_715, %get3A_733 : vector<16xf32>
        %add3A_735 = arith.constant 1 : i32
        %add3A_736 = arith.addi %add3A_725, %add3A_735 : i32
        %get3A_737 = arith.index_cast %add3A_736 : i32 to index
        %get3A_738 = arith.constant 0 : index
        %get3A_739 = tpu.vector_load %arg6[%get3A_737, %get3A_738] {strides = array<i32>} : memref<800x32xf32, #tpu.memory_space<vmem>>, vector<1x16xf32>,
        %get3A_740 = vector.shape_cast %get3A_739 : vector<1x16xf32> to vector<16xf32>
        %add3A_741 = arith.addf %scan3A_716, %get3A_740 : vector<16xf32>
        %add3A_742 = arith.constant 1 : i32
        %add3A_743 = arith.addi %add3A_725, %add3A_742 : i32
        %get3A_744 = arith.index_cast %add3A_743 : i32 to index
        %get3A_745 = arith.constant 16 : index
        %get3A_746 = tpu.vector_load %arg6[%get3A_744, %get3A_745] {strides = array<i32>} : memref<800x32xf32, #tpu.memory_space<vmem>>, vector<1x16xf32>,
        %get3A_747 = vector.shape_cast %get3A_746 : vector<1x16xf32> to vector<16xf32>
        %add3A_748 = arith.addf %scan3A_717, %get3A_747 : vector<16xf32>
        %add3A_749 = arith.constant 2 : i32
        %add3A_750 = arith.addi %add3A_725, %add3A_749 : i32
        %get3A_751 = arith.index_cast %add3A_750 : i32 to index
        %get3A_752 = arith.constant 0 : index
        %get3A_753 = tpu.vector_load %arg6[%get3A_751, %get3A_752] {strides = array<i32>} : memref<800x32xf32, #tpu.memory_space<vmem>>, vector<1x16xf32>,
        %get3A_754 = vector.shape_cast %get3A_753 : vector<1x16xf32> to vector<16xf32>
        %add3A_755 = arith.addf %scan3A_718, %get3A_754 : vector<16xf32>
        %add3A_756 = arith.constant 2 : i32
        %add3A_757 = arith.addi %add3A_725, %add3A_756 : i32
        %get3A_758 = arith.index_cast %add3A_757 : i32 to index
        %get3A_759 = arith.constant 16 : index
        %get3A_760 = tpu.vector_load %arg6[%get3A_758, %get3A_759] {strides = array<i32>} : memref<800x32xf32, #tpu.memory_space<vmem>>, vector<1x16xf32>,
        %get3A_761 = vector.shape_cast %get3A_760 : vector<1x16xf32> to vector<16xf32>
        %add3A_762 = arith.addf %scan3A_719, %get3A_761 : vector<16xf32>
        %add3A_763 = arith.constant 3 : i32
        %add3A_764 = arith.addi %add3A_725, %add3A_763 : i32
        %get3A_765 = arith.index_cast %add3A_764 : i32 to index
        %get3A_766 = arith.constant 0 : index
        %get3A_767 = tpu.vector_load %arg6[%get3A_765, %get3A_766] {strides = array<i32>} : memref<800x32xf32, #tpu.memory_space<vmem>>, vector<1x16xf32>,
        %get3A_768 = vector.shape_cast %get3A_767 : vector<1x16xf32> to vector<16xf32>
        %add3A_769 = arith.addf %scan3A_720, %get3A_768 : vector<16xf32>
        %add3A_770 = arith.constant 3 : i32
        %add3A_771 = arith.addi %add3A_725, %add3A_770 : i32
        %get3A_772 = arith.index_cast %add3A_771 : i32 to index
        %get3A_773 = arith.constant 16 : index
        %get3A_774 = tpu.vector_load %arg6[%get3A_772, %get3A_773] {strides = array<i32>} : memref<800x32xf32, #tpu.memory_space<vmem>>, vector<1x16xf32>,
        %get3A_775 = vector.shape_cast %get3A_774 : vector<1x16xf32> to vector<16xf32>
        %add3A_776 = arith.addf %scan3A_721, %get3A_775 : vector<16xf32>
        scf.yield %add3A_729, %add3A_734, %add3A_741, %add3A_748, %add3A_755, %add3A_762, %add3A_769, %add3A_776 : vector<16xf32>, vector<16xf32>, vector<16xf32>, vector<16xf32>, vector<16xf32>, vector<16xf32>, vector<16xf32>, vector<16xf32>
      }
      %scan3A_358 = arith.constant 50 : i32
      %add3A_359 = arith.addf %scan3A_357#0, %scan3A_357#2 : vector<16xf32>
      %add3A_360 = arith.addf %scan3A_357#4, %scan3A_357#6 : vector<16xf32>
      %add3A_361 = arith.addf %add3A_359, %add3A_360 : vector<16xf32>
      %swap3A_362 = arith.index_cast %add3A_350 : i32 to index
      %swap3A_363 = arith.constant 0 : index
      %swap3A_364 = tpu.vector_load %arg8[%swap3A_362, %swap3A_363] {strides = array<i32>} : memref<128x32xf32, #tpu.memory_space<vmem>>, vector<1x16xf32>,
      %swap3A_365 = vector.shape_cast %swap3A_364 : vector<1x16xf32> to vector<16xf32>
      %swap3A_366 = vector.shape_cast %add3A_361 : vector<16xf32> to vector<1x16xf32>
      tpu.vector_store %arg8[%swap3A_362, %swap3A_363], %swap3A_366 {strides = array<i32>} : memref<128x32xf32, #tpu.memory_space<vmem>>, vector<1x16xf32>,
      %add3A_367 = arith.addf %scan3A_357#1, %scan3A_357#3 : vector<16xf32>
      %add3A_368 = arith.addf %scan3A_357#5, %scan3A_357#7 : vector<16xf32>
      %add3A_369 = arith.addf %add3A_367, %add3A_368 : vector<16xf32>
      %swap3A_370 = arith.index_cast %add3A_350 : i32 to index
      %swap3A_371 = arith.constant 16 : index
      %swap3A_372 = tpu.vector_load %arg8[%swap3A_370, %swap3A_371] {strides = array<i32>} : memref<128x32xf32, #tpu.memory_space<vmem>>, vector<1x16xf32>,
      %swap3A_373 = vector.shape_cast %swap3A_372 : vector<1x16xf32> to vector<16xf32>
      %swap3A_374 = vector.shape_cast %add3A_369 : vector<16xf32> to vector<1x16xf32>
      tpu.vector_store %arg8[%swap3A_370, %swap3A_371], %swap3A_374 {strides = array<i32>} : memref<128x32xf32, #tpu.memory_space<vmem>>, vector<1x16xf32>,
      %mul3A_375 = arith.constant 4 : i32
      %mul3A_376 = arith.muli %mul3A_340, %mul3A_375 : i32
      %add3A_377 = arith.constant 1 : i32
      %add3A_378 = arith.addi %mul3A_376, %add3A_377 : i32
      %broadcast_in_dim3A_379 = arith.constant 0.000000e+00 : f32
      %broadcast_in_dim3A_380 = vector.broadcast %broadcast_in_dim3A_379 : f32 to vector<16xf32>
      %scan3A_381 = arith.constant 0 : i32
      %scan3A_382 = arith.constant 50 : i32
      %scan3A_383 = arith.addi %scan3A_381, %scan3A_382 : i32
      %scan3A_384 = arith.constant 1 : i32
      %scan3A_385:8 = scf.for %scan3A_713 = %scan3A_381 to %scan3A_383 step %scan3A_384 iter_args(%scan3A_714 = %broadcast_in_dim3A_380, %scan3A_715 = %broadcast_in_dim3A_380, %scan3A_716 = %broadcast_in_dim3A_380, %scan3A_717 = %broadcast_in_dim3A_380, %scan3A_718 = %broadcast_in_dim3A_380, %scan3A_719 = %broadcast_in_dim3A_380, %scan3A_720 = %broadcast_in_dim3A_380, %scan3A_721 = %broadcast_in_dim3A_380) -> (vector<16xf32>, vector<16xf32>, vector<16xf32>, vector<16xf32>, vector<16xf32>, vector<16xf32>, vector<16xf32>, vector<16xf32>)  : i32 {
        %mul3A_722 = arith.constant 4 : i32
        %mul3A_723 = arith.muli %scan3A_713, %mul3A_722 : i32
        %add3A_724 = arith.constant 200 : i32
        %add3A_725 = arith.addi %add3A_724, %mul3A_723 : i32
        %get3A = arith.index_cast %add3A_725 : i32 to index
        %get3A_726 = arith.constant 0 : index
        %get3A_727 = tpu.vector_load %arg6[%get3A, %get3A_726] {strides = array<i32>} : memref<800x32xf32, #tpu.memory_space<vmem>>, vector<1x16xf32>,
        %get3A_728 = vector.shape_cast %get3A_727 : vector<1x16xf32> to vector<16xf32>
        %add3A_729 = arith.addf %scan3A_714, %get3A_728 : vector<16xf32>
        %get3A_730 = arith.index_cast %add3A_725 : i32 to index
        %get3A_731 = arith.constant 16 : index
        %get3A_732 = tpu.vector_load %arg6[%get3A_730, %get3A_731] {strides = array<i32>} : memref<800x32xf32, #tpu.memory_space<vmem>>, vector<1x16xf32>,
        %get3A_733 = vector.shape_cast %get3A_732 : vector<1x16xf32> to vector<16xf32>
        %add3A_734 = arith.addf %scan3A_715, %get3A_733 : vector<16xf32>
        %add3A_735 = arith.constant 1 : i32
        %add3A_736 = arith.addi %add3A_725, %add3A_735 : i32
        %get3A_737 = arith.index_cast %add3A_736 : i32 to index
        %get3A_738 = arith.constant 0 : index
        %get3A_739 = tpu.vector_load %arg6[%get3A_737, %get3A_738] {strides = array<i32>} : memref<800x32xf32, #tpu.memory_space<vmem>>, vector<1x16xf32>,
        %get3A_740 = vector.shape_cast %get3A_739 : vector<1x16xf32> to vector<16xf32>
        %add3A_741 = arith.addf %scan3A_716, %get3A_740 : vector<16xf32>
        %add3A_742 = arith.constant 1 : i32
        %add3A_743 = arith.addi %add3A_725, %add3A_742 : i32
        %get3A_744 = arith.index_cast %add3A_743 : i32 to index
        %get3A_745 = arith.constant 16 : index
        %get3A_746 = tpu.vector_load %arg6[%get3A_744, %get3A_745] {strides = array<i32>} : memref<800x32xf32, #tpu.memory_space<vmem>>, vector<1x16xf32>,
        %get3A_747 = vector.shape_cast %get3A_746 : vector<1x16xf32> to vector<16xf32>
        %add3A_748 = arith.addf %scan3A_717, %get3A_747 : vector<16xf32>
        %add3A_749 = arith.constant 2 : i32
        %add3A_750 = arith.addi %add3A_725, %add3A_749 : i32
        %get3A_751 = arith.index_cast %add3A_750 : i32 to index
        %get3A_752 = arith.constant 0 : index
        %get3A_753 = tpu.vector_load %arg6[%get3A_751, %get3A_752] {strides = array<i32>} : memref<800x32xf32, #tpu.memory_space<vmem>>, vector<1x16xf32>,
        %get3A_754 = vector.shape_cast %get3A_753 : vector<1x16xf32> to vector<16xf32>
        %add3A_755 = arith.addf %scan3A_718, %get3A_754 : vector<16xf32>
        %add3A_756 = arith.constant 2 : i32
        %add3A_757 = arith.addi %add3A_725, %add3A_756 : i32
        %get3A_758 = arith.index_cast %add3A_757 : i32 to index
        %get3A_759 = arith.constant 16 : index
        %get3A_760 = tpu.vector_load %arg6[%get3A_758, %get3A_759] {strides = array<i32>} : memref<800x32xf32, #tpu.memory_space<vmem>>, vector<1x16xf32>,
        %get3A_761 = vector.shape_cast %get3A_760 : vector<1x16xf32> to vector<16xf32>
        %add3A_762 = arith.addf %scan3A_719, %get3A_761 : vector<16xf32>
        %add3A_763 = arith.constant 3 : i32
        %add3A_764 = arith.addi %add3A_725, %add3A_763 : i32
        %get3A_765 = arith.index_cast %add3A_764 : i32 to index
        %get3A_766 = arith.constant 0 : index
        %get3A_767 = tpu.vector_load %arg6[%get3A_765, %get3A_766] {strides = array<i32>} : memref<800x32xf32, #tpu.memory_space<vmem>>, vector<1x16xf32>,
        %get3A_768 = vector.shape_cast %get3A_767 : vector<1x16xf32> to vector<16xf32>
        %add3A_769 = arith.addf %scan3A_720, %get3A_768 : vector<16xf32>
        %add3A_770 = arith.constant 3 : i32
        %add3A_771 = arith.addi %add3A_725, %add3A_770 : i32
        %get3A_772 = arith.index_cast %add3A_771 : i32 to index
        %get3A_773 = arith.constant 16 : index
        %get3A_774 = tpu.vector_load %arg6[%get3A_772, %get3A_773] {strides = array<i32>} : memref<800x32xf32, #tpu.memory_space<vmem>>, vector<1x16xf32>,
        %get3A_775 = vector.shape_cast %get3A_774 : vector<1x16xf32> to vector<16xf32>
        %add3A_776 = arith.addf %scan3A_721, %get3A_775 : vector<16xf32>
        scf.yield %add3A_729, %add3A_734, %add3A_741, %add3A_748, %add3A_755, %add3A_762, %add3A_769, %add3A_776 : vector<16xf32>, vector<16xf32>, vector<16xf32>, vector<16xf32>, vector<16xf32>, vector<16xf32>, vector<16xf32>, vector<16xf32>
      }
      %scan3A_386 = arith.constant 50 : i32
      %add3A_387 = arith.addf %scan3A_385#0, %scan3A_385#2 : vector<16xf32>
      %add3A_388 = arith.addf %scan3A_385#4, %scan3A_385#6 : vector<16xf32>
      %add3A_389 = arith.addf %add3A_387, %add3A_388 : vector<16xf32>
      %swap3A_390 = arith.index_cast %add3A_378 : i32 to index
      %swap3A_391 = arith.constant 0 : index
      %swap3A_392 = tpu.vector_load %arg8[%swap3A_390, %swap3A_391] {strides = array<i32>} : memref<128x32xf32, #tpu.memory_space<vmem>>, vector<1x16xf32>,
      %swap3A_393 = vector.shape_cast %swap3A_392 : vector<1x16xf32> to vector<16xf32>
      %swap3A_394 = vector.shape_cast %add3A_389 : vector<16xf32> to vector<1x16xf32>
      tpu.vector_store %arg8[%swap3A_390, %swap3A_391], %swap3A_394 {strides = array<i32>} : memref<128x32xf32, #tpu.memory_space<vmem>>, vector<1x16xf32>,
      %add3A_395 = arith.addf %scan3A_385#1, %scan3A_385#3 : vector<16xf32>
      %add3A_396 = arith.addf %scan3A_385#5, %scan3A_385#7 : vector<16xf32>
      %add3A_397 = arith.addf %add3A_395, %add3A_396 : vector<16xf32>
      %swap3A_398 = arith.index_cast %add3A_378 : i32 to index
      %swap3A_399 = arith.constant 16 : index
      %swap3A_400 = tpu.vector_load %arg8[%swap3A_398, %swap3A_399] {strides = array<i32>} : memref<128x32xf32, #tpu.memory_space<vmem>>, vector<1x16xf32>,
      %swap3A_401 = vector.shape_cast %swap3A_400 : vector<1x16xf32> to vector<16xf32>
      %swap3A_402 = vector.shape_cast %add3A_397 : vector<16xf32> to vector<1x16xf32>
      tpu.vector_store %arg8[%swap3A_398, %swap3A_399], %swap3A_402 {strides = array<i32>} : memref<128x32xf32, #tpu.memory_space<vmem>>, vector<1x16xf32>,
      %mul3A_403 = arith.constant 4 : i32
      %mul3A_404 = arith.muli %mul3A_340, %mul3A_403 : i32
      %add3A_405 = arith.constant 2 : i32
      %add3A_406 = arith.addi %mul3A_404, %add3A_405 : i32
      %broadcast_in_dim3A_407 = arith.constant 0.000000e+00 : f32
      %broadcast_in_dim3A_408 = vector.broadcast %broadcast_in_dim3A_407 : f32 to vector<16xf32>
      %scan3A_409 = arith.constant 0 : i32
      %scan3A_410 = arith.constant 50 : i32
      %scan3A_411 = arith.addi %scan3A_409, %scan3A_410 : i32
      %scan3A_412 = arith.constant 1 : i32
      %scan3A_413:8 = scf.for %scan3A_713 = %scan3A_409 to %scan3A_411 step %scan3A_412 iter_args(%scan3A_714 = %broadcast_in_dim3A_408, %scan3A_715 = %broadcast_in_dim3A_408, %scan3A_716 = %broadcast_in_dim3A_408, %scan3A_717 = %broadcast_in_dim3A_408, %scan3A_718 = %broadcast_in_dim3A_408, %scan3A_719 = %broadcast_in_dim3A_408, %scan3A_720 = %broadcast_in_dim3A_408, %scan3A_721 = %broadcast_in_dim3A_408) -> (vector<16xf32>, vector<16xf32>, vector<16xf32>, vector<16xf32>, vector<16xf32>, vector<16xf32>, vector<16xf32>, vector<16xf32>)  : i32 {
        %mul3A_722 = arith.constant 4 : i32
        %mul3A_723 = arith.muli %scan3A_713, %mul3A_722 : i32
        %add3A_724 = arith.constant 400 : i32
        %add3A_725 = arith.addi %add3A_724, %mul3A_723 : i32
        %get3A = arith.index_cast %add3A_725 : i32 to index
        %get3A_726 = arith.constant 0 : index
        %get3A_727 = tpu.vector_load %arg6[%get3A, %get3A_726] {strides = array<i32>} : memref<800x32xf32, #tpu.memory_space<vmem>>, vector<1x16xf32>,
        %get3A_728 = vector.shape_cast %get3A_727 : vector<1x16xf32> to vector<16xf32>
        %add3A_729 = arith.addf %scan3A_714, %get3A_728 : vector<16xf32>
        %get3A_730 = arith.index_cast %add3A_725 : i32 to index
        %get3A_731 = arith.constant 16 : index
        %get3A_732 = tpu.vector_load %arg6[%get3A_730, %get3A_731] {strides = array<i32>} : memref<800x32xf32, #tpu.memory_space<vmem>>, vector<1x16xf32>,
        %get3A_733 = vector.shape_cast %get3A_732 : vector<1x16xf32> to vector<16xf32>
        %add3A_734 = arith.addf %scan3A_715, %get3A_733 : vector<16xf32>
        %add3A_735 = arith.constant 1 : i32
        %add3A_736 = arith.addi %add3A_725, %add3A_735 : i32
        %get3A_737 = arith.index_cast %add3A_736 : i32 to index
        %get3A_738 = arith.constant 0 : index
        %get3A_739 = tpu.vector_load %arg6[%get3A_737, %get3A_738] {strides = array<i32>} : memref<800x32xf32, #tpu.memory_space<vmem>>, vector<1x16xf32>,
        %get3A_740 = vector.shape_cast %get3A_739 : vector<1x16xf32> to vector<16xf32>
        %add3A_741 = arith.addf %scan3A_716, %get3A_740 : vector<16xf32>
        %add3A_742 = arith.constant 1 : i32
        %add3A_743 = arith.addi %add3A_725, %add3A_742 : i32
        %get3A_744 = arith.index_cast %add3A_743 : i32 to index
        %get3A_745 = arith.constant 16 : index
        %get3A_746 = tpu.vector_load %arg6[%get3A_744, %get3A_745] {strides = array<i32>} : memref<800x32xf32, #tpu.memory_space<vmem>>, vector<1x16xf32>,
        %get3A_747 = vector.shape_cast %get3A_746 : vector<1x16xf32> to vector<16xf32>
        %add3A_748 = arith.addf %scan3A_717, %get3A_747 : vector<16xf32>
        %add3A_749 = arith.constant 2 : i32
        %add3A_750 = arith.addi %add3A_725, %add3A_749 : i32
        %get3A_751 = arith.index_cast %add3A_750 : i32 to index
        %get3A_752 = arith.constant 0 : index
        %get3A_753 = tpu.vector_load %arg6[%get3A_751, %get3A_752] {strides = array<i32>} : memref<800x32xf32, #tpu.memory_space<vmem>>, vector<1x16xf32>,
        %get3A_754 = vector.shape_cast %get3A_753 : vector<1x16xf32> to vector<16xf32>
        %add3A_755 = arith.addf %scan3A_718, %get3A_754 : vector<16xf32>
        %add3A_756 = arith.constant 2 : i32
        %add3A_757 = arith.addi %add3A_725, %add3A_756 : i32
        %get3A_758 = arith.index_cast %add3A_757 : i32 to index
        %get3A_759 = arith.constant 16 : index
        %get3A_760 = tpu.vector_load %arg6[%get3A_758, %get3A_759] {strides = array<i32>} : memref<800x32xf32, #tpu.memory_space<vmem>>, vector<1x16xf32>,
        %get3A_761 = vector.shape_cast %get3A_760 : vector<1x16xf32> to vector<16xf32>
        %add3A_762 = arith.addf %scan3A_719, %get3A_761 : vector<16xf32>
        %add3A_763 = arith.constant 3 : i32
        %add3A_764 = arith.addi %add3A_725, %add3A_763 : i32
        %get3A_765 = arith.index_cast %add3A_764 : i32 to index
        %get3A_766 = arith.constant 0 : index
        %get3A_767 = tpu.vector_load %arg6[%get3A_765, %get3A_766] {strides = array<i32>} : memref<800x32xf32, #tpu.memory_space<vmem>>, vector<1x16xf32>,
        %get3A_768 = vector.shape_cast %get3A_767 : vector<1x16xf32> to vector<16xf32>
        %add3A_769 = arith.addf %scan3A_720, %get3A_768 : vector<16xf32>
        %add3A_770 = arith.constant 3 : i32
        %add3A_771 = arith.addi %add3A_725, %add3A_770 : i32
        %get3A_772 = arith.index_cast %add3A_771 : i32 to index
        %get3A_773 = arith.constant 16 : index
        %get3A_774 = tpu.vector_load %arg6[%get3A_772, %get3A_773] {strides = array<i32>} : memref<800x32xf32, #tpu.memory_space<vmem>>, vector<1x16xf32>,
        %get3A_775 = vector.shape_cast %get3A_774 : vector<1x16xf32> to vector<16xf32>
        %add3A_776 = arith.addf %scan3A_721, %get3A_775 : vector<16xf32>
        scf.yield %add3A_729, %add3A_734, %add3A_741, %add3A_748, %add3A_755, %add3A_762, %add3A_769, %add3A_776 : vector<16xf32>, vector<16xf32>, vector<16xf32>, vector<16xf32>, vector<16xf32>, vector<16xf32>, vector<16xf32>, vector<16xf32>
      }
      %scan3A_414 = arith.constant 50 : i32
      %add3A_415 = arith.addf %scan3A_413#0, %scan3A_413#2 : vector<16xf32>
      %add3A_416 = arith.addf %scan3A_413#4, %scan3A_413#6 : vector<16xf32>
      %add3A_417 = arith.addf %add3A_415, %add3A_416 : vector<16xf32>
      %swap3A_418 = arith.index_cast %add3A_406 : i32 to index
      %swap3A_419 = arith.constant 0 : index
      %swap3A_420 = tpu.vector_load %arg8[%swap3A_418, %swap3A_419] {strides = array<i32>} : memref<128x32xf32, #tpu.memory_space<vmem>>, vector<1x16xf32>,
      %swap3A_421 = vector.shape_cast %swap3A_420 : vector<1x16xf32> to vector<16xf32>
      %swap3A_422 = vector.shape_cast %add3A_417 : vector<16xf32> to vector<1x16xf32>
      tpu.vector_store %arg8[%swap3A_418, %swap3A_419], %swap3A_422 {strides = array<i32>} : memref<128x32xf32, #tpu.memory_space<vmem>>, vector<1x16xf32>,
      %add3A_423 = arith.addf %scan3A_413#1, %scan3A_413#3 : vector<16xf32>
      %add3A_424 = arith.addf %scan3A_413#5, %scan3A_413#7 : vector<16xf32>
      %add3A_425 = arith.addf %add3A_423, %add3A_424 : vector<16xf32>
      %swap3A_426 = arith.index_cast %add3A_406 : i32 to index
      %swap3A_427 = arith.constant 16 : index
      %swap3A_428 = tpu.vector_load %arg8[%swap3A_426, %swap3A_427] {strides = array<i32>} : memref<128x32xf32, #tpu.memory_space<vmem>>, vector<1x16xf32>,
      %swap3A_429 = vector.shape_cast %swap3A_428 : vector<1x16xf32> to vector<16xf32>
      %swap3A_430 = vector.shape_cast %add3A_425 : vector<16xf32> to vector<1x16xf32>
      tpu.vector_store %arg8[%swap3A_426, %swap3A_427], %swap3A_430 {strides = array<i32>} : memref<128x32xf32, #tpu.memory_space<vmem>>, vector<1x16xf32>,
      %mul3A_431 = arith.constant 4 : i32
      %mul3A_432 = arith.muli %mul3A_340, %mul3A_431 : i32
      %add3A_433 = arith.constant 3 : i32
      %add3A_434 = arith.addi %mul3A_432, %add3A_433 : i32
      %broadcast_in_dim3A_435 = arith.constant 0.000000e+00 : f32
      %broadcast_in_dim3A_436 = vector.broadcast %broadcast_in_dim3A_435 : f32 to vector<16xf32>
      %scan3A_437 = arith.constant 0 : i32
      %scan3A_438 = arith.constant 50 : i32
      %scan3A_439 = arith.addi %scan3A_437, %scan3A_438 : i32
      %scan3A_440 = arith.constant 1 : i32
      %scan3A_441:8 = scf.for %scan3A_713 = %scan3A_437 to %scan3A_439 step %scan3A_440 iter_args(%scan3A_714 = %broadcast_in_dim3A_436, %scan3A_715 = %broadcast_in_dim3A_436, %scan3A_716 = %broadcast_in_dim3A_436, %scan3A_717 = %broadcast_in_dim3A_436, %scan3A_718 = %broadcast_in_dim3A_436, %scan3A_719 = %broadcast_in_dim3A_436, %scan3A_720 = %broadcast_in_dim3A_436, %scan3A_721 = %broadcast_in_dim3A_436) -> (vector<16xf32>, vector<16xf32>, vector<16xf32>, vector<16xf32>, vector<16xf32>, vector<16xf32>, vector<16xf32>, vector<16xf32>)  : i32 {
        %mul3A_722 = arith.constant 4 : i32
        %mul3A_723 = arith.muli %scan3A_713, %mul3A_722 : i32
        %add3A_724 = arith.constant 600 : i32
        %add3A_725 = arith.addi %add3A_724, %mul3A_723 : i32
        %get3A = arith.index_cast %add3A_725 : i32 to index
        %get3A_726 = arith.constant 0 : index
        %get3A_727 = tpu.vector_load %arg6[%get3A, %get3A_726] {strides = array<i32>} : memref<800x32xf32, #tpu.memory_space<vmem>>, vector<1x16xf32>,
        %get3A_728 = vector.shape_cast %get3A_727 : vector<1x16xf32> to vector<16xf32>
        %add3A_729 = arith.addf %scan3A_714, %get3A_728 : vector<16xf32>
        %get3A_730 = arith.index_cast %add3A_725 : i32 to index
        %get3A_731 = arith.constant 16 : index
        %get3A_732 = tpu.vector_load %arg6[%get3A_730, %get3A_731] {strides = array<i32>} : memref<800x32xf32, #tpu.memory_space<vmem>>, vector<1x16xf32>,
        %get3A_733 = vector.shape_cast %get3A_732 : vector<1x16xf32> to vector<16xf32>
        %add3A_734 = arith.addf %scan3A_715, %get3A_733 : vector<16xf32>
        %add3A_735 = arith.constant 1 : i32
        %add3A_736 = arith.addi %add3A_725, %add3A_735 : i32
        %get3A_737 = arith.index_cast %add3A_736 : i32 to index
        %get3A_738 = arith.constant 0 : index
        %get3A_739 = tpu.vector_load %arg6[%get3A_737, %get3A_738] {strides = array<i32>} : memref<800x32xf32, #tpu.memory_space<vmem>>, vector<1x16xf32>,
        %get3A_740 = vector.shape_cast %get3A_739 : vector<1x16xf32> to vector<16xf32>
        %add3A_741 = arith.addf %scan3A_716, %get3A_740 : vector<16xf32>
        %add3A_742 = arith.constant 1 : i32
        %add3A_743 = arith.addi %add3A_725, %add3A_742 : i32
        %get3A_744 = arith.index_cast %add3A_743 : i32 to index
        %get3A_745 = arith.constant 16 : index
        %get3A_746 = tpu.vector_load %arg6[%get3A_744, %get3A_745] {strides = array<i32>} : memref<800x32xf32, #tpu.memory_space<vmem>>, vector<1x16xf32>,
        %get3A_747 = vector.shape_cast %get3A_746 : vector<1x16xf32> to vector<16xf32>
        %add3A_748 = arith.addf %scan3A_717, %get3A_747 : vector<16xf32>
        %add3A_749 = arith.constant 2 : i32
        %add3A_750 = arith.addi %add3A_725, %add3A_749 : i32
        %get3A_751 = arith.index_cast %add3A_750 : i32 to index
        %get3A_752 = arith.constant 0 : index
        %get3A_753 = tpu.vector_load %arg6[%get3A_751, %get3A_752] {strides = array<i32>} : memref<800x32xf32, #tpu.memory_space<vmem>>, vector<1x16xf32>,
        %get3A_754 = vector.shape_cast %get3A_753 : vector<1x16xf32> to vector<16xf32>
        %add3A_755 = arith.addf %scan3A_718, %get3A_754 : vector<16xf32>
        %add3A_756 = arith.constant 2 : i32
        %add3A_757 = arith.addi %add3A_725, %add3A_756 : i32
        %get3A_758 = arith.index_cast %add3A_757 : i32 to index
        %get3A_759 = arith.constant 16 : index
        %get3A_760 = tpu.vector_load %arg6[%get3A_758, %get3A_759] {strides = array<i32>} : memref<800x32xf32, #tpu.memory_space<vmem>>, vector<1x16xf32>,
        %get3A_761 = vector.shape_cast %get3A_760 : vector<1x16xf32> to vector<16xf32>
        %add3A_762 = arith.addf %scan3A_719, %get3A_761 : vector<16xf32>
        %add3A_763 = arith.constant 3 : i32
        %add3A_764 = arith.addi %add3A_725, %add3A_763 : i32
        %get3A_765 = arith.index_cast %add3A_764 : i32 to index
        %get3A_766 = arith.constant 0 : index
        %get3A_767 = tpu.vector_load %arg6[%get3A_765, %get3A_766] {strides = array<i32>} : memref<800x32xf32, #tpu.memory_space<vmem>>, vector<1x16xf32>,
        %get3A_768 = vector.shape_cast %get3A_767 : vector<1x16xf32> to vector<16xf32>
        %add3A_769 = arith.addf %scan3A_720, %get3A_768 : vector<16xf32>
        %add3A_770 = arith.constant 3 : i32
        %add3A_771 = arith.addi %add3A_725, %add3A_770 : i32
        %get3A_772 = arith.index_cast %add3A_771 : i32 to index
        %get3A_773 = arith.constant 16 : index
        %get3A_774 = tpu.vector_load %arg6[%get3A_772, %get3A_773] {strides = array<i32>} : memref<800x32xf32, #tpu.memory_space<vmem>>, vector<1x16xf32>,
        %get3A_775 = vector.shape_cast %get3A_774 : vector<1x16xf32> to vector<16xf32>
        %add3A_776 = arith.addf %scan3A_721, %get3A_775 : vector<16xf32>
        scf.yield %add3A_729, %add3A_734, %add3A_741, %add3A_748, %add3A_755, %add3A_762, %add3A_769, %add3A_776 : vector<16xf32>, vector<16xf32>, vector<16xf32>, vector<16xf32>, vector<16xf32>, vector<16xf32>, vector<16xf32>, vector<16xf32>
      }
      %scan3A_442 = arith.constant 50 : i32
      %add3A_443 = arith.addf %scan3A_441#0, %scan3A_441#2 : vector<16xf32>
      %add3A_444 = arith.addf %scan3A_441#4, %scan3A_441#6 : vector<16xf32>
      %add3A_445 = arith.addf %add3A_443, %add3A_444 : vector<16xf32>
      %swap3A_446 = arith.index_cast %add3A_434 : i32 to index
      %swap3A_447 = arith.constant 0 : index
      %swap3A_448 = tpu.vector_load %arg8[%swap3A_446, %swap3A_447] {strides = array<i32>} : memref<128x32xf32, #tpu.memory_space<vmem>>, vector<1x16xf32>,
      %swap3A_449 = vector.shape_cast %swap3A_448 : vector<1x16xf32> to vector<16xf32>
      %swap3A_450 = vector.shape_cast %add3A_445 : vector<16xf32> to vector<1x16xf32>
      tpu.vector_store %arg8[%swap3A_446, %swap3A_447], %swap3A_450 {strides = array<i32>} : memref<128x32xf32, #tpu.memory_space<vmem>>, vector<1x16xf32>,
      %add3A_451 = arith.addf %scan3A_441#1, %scan3A_441#3 : vector<16xf32>
      %add3A_452 = arith.addf %scan3A_441#5, %scan3A_441#7 : vector<16xf32>
      %add3A_453 = arith.addf %add3A_451, %add3A_452 : vector<16xf32>
      %swap3A_454 = arith.index_cast %add3A_434 : i32 to index
      %swap3A_455 = arith.constant 16 : index
      %swap3A_456 = tpu.vector_load %arg8[%swap3A_454, %swap3A_455] {strides = array<i32>} : memref<128x32xf32, #tpu.memory_space<vmem>>, vector<1x16xf32>,
      %swap3A_457 = vector.shape_cast %swap3A_456 : vector<1x16xf32> to vector<16xf32>
      %swap3A_458 = vector.shape_cast %add3A_453 : vector<16xf32> to vector<1x16xf32>
      tpu.vector_store %arg8[%swap3A_454, %swap3A_455], %swap3A_458 {strides = array<i32>} : memref<128x32xf32, #tpu.memory_space<vmem>>, vector<1x16xf32>,
      %add3A_459 = arith.constant 2 : i32
      %add3A_460 = arith.addi %mul3A_340, %add3A_459 : i32
      %mul3A_461 = arith.constant 800 : i32
      %mul3A_462 = arith.muli %add3A_460, %mul3A_461 : i32
      %add3A_463 = arith.constant 0 : i32
      %add3A_464 = arith.addi %mul3A_462, %add3A_463 : i32
      %dma_start3A_465 = arith.constant 0 : i32
      %dma_start3A_466 = arith.constant 0 : i32
      %dma_start3A_467 = tpu.memref_slice %arg6[%dma_start3A_465, %dma_start3A_466] : memref<800x32xf32, #tpu.memory_space<vmem>> -> memref<128x32xf32, #tpu.memory_space<vmem>>
      %dma_start3A_468 = tpu.memref_slice %arg5[%add3A_464] : memref<25600xi32, #tpu.memory_space<vmem>> -> memref<128xi32, #tpu.memory_space<vmem>>
      %dma_start3A_469 = arith.constant 0 : i32
      %dma_start3A_470 = arith.constant 0 : i32
      %dma_start3A_471 = tpu.memref_slice %arg2[%dma_start3A_469, %dma_start3A_470] : memref<1000000x32xf32, #tpu.memory_space<hbm>> -> memref<1000000x32xf32, #tpu.memory_space<hbm>>
      tpu.enqueue_indirect_dma source(%dma_start3A_471 : memref<1000000x32xf32, #tpu.memory_space<hbm>>) target(%dma_start3A_467 : memref<128x32xf32, #tpu.memory_space<vmem>>) offsets(%dma_start3A_468 : memref<128xi32, #tpu.memory_space<vmem>>) semaphore(%arg9 : memref<!tpu.dma_semaphore, #tpu.memory_space<semaphore_mem>>)
      %add3A_472 = arith.constant 128 : i32
      %add3A_473 = arith.addi %mul3A_462, %add3A_472 : i32
      %dma_start3A_474 = arith.constant 128 : i32
      %dma_start3A_475 = arith.constant 0 : i32
      %dma_start3A_476 = tpu.memref_slice %arg6[%dma_start3A_474, %dma_start3A_475] : memref<800x32xf32, #tpu.memory_space<vmem>> -> memref<128x32xf32, #tpu.memory_space<vmem>>
      %dma_start3A_477 = tpu.memref_slice %arg5[%add3A_473] : memref<25600xi32, #tpu.memory_space<vmem>> -> memref<128xi32, #tpu.memory_space<vmem>>
      %dma_start3A_478 = arith.constant 0 : i32
      %dma_start3A_479 = arith.constant 0 : i32
      %dma_start3A_480 = tpu.memref_slice %arg2[%dma_start3A_478, %dma_start3A_479] : memref<1000000x32xf32, #tpu.memory_space<hbm>> -> memref<1000000x32xf32, #tpu.memory_space<hbm>>
      tpu.enqueue_indirect_dma source(%dma_start3A_480 : memref<1000000x32xf32, #tpu.memory_space<hbm>>) target(%dma_start3A_476 : memref<128x32xf32, #tpu.memory_space<vmem>>) offsets(%dma_start3A_477 : memref<128xi32, #tpu.memory_space<vmem>>) semaphore(%arg9 : memref<!tpu.dma_semaphore, #tpu.memory_space<semaphore_mem>>)
      %add3A_481 = arith.constant 256 : i32
      %add3A_482 = arith.addi %mul3A_462, %add3A_481 : i32
      %dma_start3A_483 = arith.constant 256 : i32
      %dma_start3A_484 = arith.constant 0 : i32
      %dma_start3A_485 = tpu.memref_slice %arg6[%dma_start3A_483, %dma_start3A_484] : memref<800x32xf32, #tpu.memory_space<vmem>> -> memref<128x32xf32, #tpu.memory_space<vmem>>
      %dma_start3A_486 = tpu.memref_slice %arg5[%add3A_482] : memref<25600xi32, #tpu.memory_space<vmem>> -> memref<128xi32, #tpu.memory_space<vmem>>
      %dma_start3A_487 = arith.constant 0 : i32
      %dma_start3A_488 = arith.constant 0 : i32
      %dma_start3A_489 = tpu.memref_slice %arg2[%dma_start3A_487, %dma_start3A_488] : memref<1000000x32xf32, #tpu.memory_space<hbm>> -> memref<1000000x32xf32, #tpu.memory_space<hbm>>
      tpu.enqueue_indirect_dma source(%dma_start3A_489 : memref<1000000x32xf32, #tpu.memory_space<hbm>>) target(%dma_start3A_485 : memref<128x32xf32, #tpu.memory_space<vmem>>) offsets(%dma_start3A_486 : memref<128xi32, #tpu.memory_space<vmem>>) semaphore(%arg9 : memref<!tpu.dma_semaphore, #tpu.memory_space<semaphore_mem>>)
      %add3A_490 = arith.constant 384 : i32
      %add3A_491 = arith.addi %mul3A_462, %add3A_490 : i32
      %dma_start3A_492 = arith.constant 384 : i32
      %dma_start3A_493 = arith.constant 0 : i32
      %dma_start3A_494 = tpu.memref_slice %arg6[%dma_start3A_492, %dma_start3A_493] : memref<800x32xf32, #tpu.memory_space<vmem>> -> memref<128x32xf32, #tpu.memory_space<vmem>>
      %dma_start3A_495 = tpu.memref_slice %arg5[%add3A_491] : memref<25600xi32, #tpu.memory_space<vmem>> -> memref<128xi32, #tpu.memory_space<vmem>>
      %dma_start3A_496 = arith.constant 0 : i32
      %dma_start3A_497 = arith.constant 0 : i32
      %dma_start3A_498 = tpu.memref_slice %arg2[%dma_start3A_496, %dma_start3A_497] : memref<1000000x32xf32, #tpu.memory_space<hbm>> -> memref<1000000x32xf32, #tpu.memory_space<hbm>>
      tpu.enqueue_indirect_dma source(%dma_start3A_498 : memref<1000000x32xf32, #tpu.memory_space<hbm>>) target(%dma_start3A_494 : memref<128x32xf32, #tpu.memory_space<vmem>>) offsets(%dma_start3A_495 : memref<128xi32, #tpu.memory_space<vmem>>) semaphore(%arg9 : memref<!tpu.dma_semaphore, #tpu.memory_space<semaphore_mem>>)
      %add3A_499 = arith.constant 512 : i32
      %add3A_500 = arith.addi %mul3A_462, %add3A_499 : i32
      %dma_start3A_501 = arith.constant 512 : i32
      %dma_start3A_502 = arith.constant 0 : i32
      %dma_start3A_503 = tpu.memref_slice %arg6[%dma_start3A_501, %dma_start3A_502] : memref<800x32xf32, #tpu.memory_space<vmem>> -> memref<128x32xf32, #tpu.memory_space<vmem>>
      %dma_start3A_504 = tpu.memref_slice %arg5[%add3A_500] : memref<25600xi32, #tpu.memory_space<vmem>> -> memref<128xi32, #tpu.memory_space<vmem>>
      %dma_start3A_505 = arith.constant 0 : i32
      %dma_start3A_506 = arith.constant 0 : i32
      %dma_start3A_507 = tpu.memref_slice %arg2[%dma_start3A_505, %dma_start3A_506] : memref<1000000x32xf32, #tpu.memory_space<hbm>> -> memref<1000000x32xf32, #tpu.memory_space<hbm>>
      tpu.enqueue_indirect_dma source(%dma_start3A_507 : memref<1000000x32xf32, #tpu.memory_space<hbm>>) target(%dma_start3A_503 : memref<128x32xf32, #tpu.memory_space<vmem>>) offsets(%dma_start3A_504 : memref<128xi32, #tpu.memory_space<vmem>>) semaphore(%arg9 : memref<!tpu.dma_semaphore, #tpu.memory_space<semaphore_mem>>)
      %add3A_508 = arith.constant 640 : i32
      %add3A_509 = arith.addi %mul3A_462, %add3A_508 : i32
      %dma_start3A_510 = arith.constant 640 : i32
      %dma_start3A_511 = arith.constant 0 : i32
      %dma_start3A_512 = tpu.memref_slice %arg6[%dma_start3A_510, %dma_start3A_511] : memref<800x32xf32, #tpu.memory_space<vmem>> -> memref<128x32xf32, #tpu.memory_space<vmem>>
      %dma_start3A_513 = tpu.memref_slice %arg5[%add3A_509] : memref<25600xi32, #tpu.memory_space<vmem>> -> memref<128xi32, #tpu.memory_space<vmem>>
      %dma_start3A_514 = arith.constant 0 : i32
      %dma_start3A_515 = arith.constant 0 : i32
      %dma_start3A_516 = tpu.memref_slice %arg2[%dma_start3A_514, %dma_start3A_515] : memref<1000000x32xf32, #tpu.memory_space<hbm>> -> memref<1000000x32xf32, #tpu.memory_space<hbm>>
      tpu.enqueue_indirect_dma source(%dma_start3A_516 : memref<1000000x32xf32, #tpu.memory_space<hbm>>) target(%dma_start3A_512 : memref<128x32xf32, #tpu.memory_space<vmem>>) offsets(%dma_start3A_513 : memref<128xi32, #tpu.memory_space<vmem>>) semaphore(%arg9 : memref<!tpu.dma_semaphore, #tpu.memory_space<semaphore_mem>>)
      %add3A_517 = arith.constant 768 : i32
      %add3A_518 = arith.addi %mul3A_462, %add3A_517 : i32
      %dma_start3A_519 = arith.constant 768 : i32
      %dma_start3A_520 = arith.constant 0 : i32
      %dma_start3A_521 = tpu.memref_slice %arg6[%dma_start3A_519, %dma_start3A_520] : memref<800x32xf32, #tpu.memory_space<vmem>> -> memref<32x32xf32, #tpu.memory_space<vmem>>
      %dma_start3A_522 = tpu.memref_slice %arg5[%add3A_518] : memref<25600xi32, #tpu.memory_space<vmem>> -> memref<32xi32, #tpu.memory_space<vmem>>
      %dma_start3A_523 = arith.constant 0 : i32
      %dma_start3A_524 = arith.constant 0 : i32
      %dma_start3A_525 = tpu.memref_slice %arg2[%dma_start3A_523, %dma_start3A_524] : memref<1000000x32xf32, #tpu.memory_space<hbm>> -> memref<1000000x32xf32, #tpu.memory_space<hbm>>
      tpu.enqueue_indirect_dma source(%dma_start3A_525 : memref<1000000x32xf32, #tpu.memory_space<hbm>>) target(%dma_start3A_521 : memref<32x32xf32, #tpu.memory_space<vmem>>) offsets(%dma_start3A_522 : memref<32xi32, #tpu.memory_space<vmem>>) semaphore(%arg9 : memref<!tpu.dma_semaphore, #tpu.memory_space<semaphore_mem>>)
      %dma_wait3A_526 = arith.constant 0 : i32
      %dma_wait3A_527 = arith.constant 0 : i32
      %dma_wait3A_528 = tpu.memref_slice %arg2[%dma_wait3A_526, %dma_wait3A_527] : memref<1000000x32xf32, #tpu.memory_space<hbm>> -> memref<800x32xf32, #tpu.memory_space<hbm>>
      %dma_wait3A_529 = arith.constant 0 : i32
      %dma_wait3A_530 = arith.constant 0 : i32
      %dma_wait3A_531 = tpu.memref_slice %arg2[%dma_wait3A_529, %dma_wait3A_530] : memref<1000000x32xf32, #tpu.memory_space<hbm>> -> memref<800x32xf32, #tpu.memory_space<hbm>>
      tpu.wait_dma2 semaphore(%arg10 : memref<!tpu.dma_semaphore, #tpu.memory_space<semaphore_mem>>) src(%dma_wait3A_531 : memref<800x32xf32, #tpu.memory_space<hbm>>) dst(%arg7 : memref<800x32xf32, #tpu.memory_space<vmem>>)
      %add3A_532 = arith.constant 1 : i32
      %add3A_533 = arith.addi %mul3A_340, %add3A_532 : i32
      %mul3A_534 = arith.constant 4 : i32
      %mul3A_535 = arith.muli %add3A_533, %mul3A_534 : i32
      %add3A_536 = arith.constant 0 : i32
      %add3A_537 = arith.addi %mul3A_535, %add3A_536 : i32
      %broadcast_in_dim3A_538 = arith.constant 0.000000e+00 : f32
      %broadcast_in_dim3A_539 = vector.broadcast %broadcast_in_dim3A_538 : f32 to vector<16xf32>
      %scan3A_540 = arith.constant 0 : i32
      %scan3A_541 = arith.constant 50 : i32
      %scan3A_542 = arith.addi %scan3A_540, %scan3A_541 : i32
      %scan3A_543 = arith.constant 1 : i32
      %scan3A_544:8 = scf.for %scan3A_713 = %scan3A_540 to %scan3A_542 step %scan3A_543 iter_args(%scan3A_714 = %broadcast_in_dim3A_539, %scan3A_715 = %broadcast_in_dim3A_539, %scan3A_716 = %broadcast_in_dim3A_539, %scan3A_717 = %broadcast_in_dim3A_539, %scan3A_718 = %broadcast_in_dim3A_539, %scan3A_719 = %broadcast_in_dim3A_539, %scan3A_720 = %broadcast_in_dim3A_539, %scan3A_721 = %broadcast_in_dim3A_539) -> (vector<16xf32>, vector<16xf32>, vector<16xf32>, vector<16xf32>, vector<16xf32>, vector<16xf32>, vector<16xf32>, vector<16xf32>)  : i32 {
        %mul3A_722 = arith.constant 4 : i32
        %mul3A_723 = arith.muli %scan3A_713, %mul3A_722 : i32
        %add3A_724 = arith.constant 0 : i32
        %add3A_725 = arith.addi %add3A_724, %mul3A_723 : i32
        %get3A = arith.index_cast %add3A_725 : i32 to index
        %get3A_726 = arith.constant 0 : index
        %get3A_727 = tpu.vector_load %arg7[%get3A, %get3A_726] {strides = array<i32>} : memref<800x32xf32, #tpu.memory_space<vmem>>, vector<1x16xf32>,
        %get3A_728 = vector.shape_cast %get3A_727 : vector<1x16xf32> to vector<16xf32>
        %add3A_729 = arith.addf %scan3A_714, %get3A_728 : vector<16xf32>
        %get3A_730 = arith.index_cast %add3A_725 : i32 to index
        %get3A_731 = arith.constant 16 : index
        %get3A_732 = tpu.vector_load %arg7[%get3A_730, %get3A_731] {strides = array<i32>} : memref<800x32xf32, #tpu.memory_space<vmem>>, vector<1x16xf32>,
        %get3A_733 = vector.shape_cast %get3A_732 : vector<1x16xf32> to vector<16xf32>
        %add3A_734 = arith.addf %scan3A_715, %get3A_733 : vector<16xf32>
        %add3A_735 = arith.constant 1 : i32
        %add3A_736 = arith.addi %add3A_725, %add3A_735 : i32
        %get3A_737 = arith.index_cast %add3A_736 : i32 to index
        %get3A_738 = arith.constant 0 : index
        %get3A_739 = tpu.vector_load %arg7[%get3A_737, %get3A_738] {strides = array<i32>} : memref<800x32xf32, #tpu.memory_space<vmem>>, vector<1x16xf32>,
        %get3A_740 = vector.shape_cast %get3A_739 : vector<1x16xf32> to vector<16xf32>
        %add3A_741 = arith.addf %scan3A_716, %get3A_740 : vector<16xf32>
        %add3A_742 = arith.constant 1 : i32
        %add3A_743 = arith.addi %add3A_725, %add3A_742 : i32
        %get3A_744 = arith.index_cast %add3A_743 : i32 to index
        %get3A_745 = arith.constant 16 : index
        %get3A_746 = tpu.vector_load %arg7[%get3A_744, %get3A_745] {strides = array<i32>} : memref<800x32xf32, #tpu.memory_space<vmem>>, vector<1x16xf32>,
        %get3A_747 = vector.shape_cast %get3A_746 : vector<1x16xf32> to vector<16xf32>
        %add3A_748 = arith.addf %scan3A_717, %get3A_747 : vector<16xf32>
        %add3A_749 = arith.constant 2 : i32
        %add3A_750 = arith.addi %add3A_725, %add3A_749 : i32
        %get3A_751 = arith.index_cast %add3A_750 : i32 to index
        %get3A_752 = arith.constant 0 : index
        %get3A_753 = tpu.vector_load %arg7[%get3A_751, %get3A_752] {strides = array<i32>} : memref<800x32xf32, #tpu.memory_space<vmem>>, vector<1x16xf32>,
        %get3A_754 = vector.shape_cast %get3A_753 : vector<1x16xf32> to vector<16xf32>
        %add3A_755 = arith.addf %scan3A_718, %get3A_754 : vector<16xf32>
        %add3A_756 = arith.constant 2 : i32
        %add3A_757 = arith.addi %add3A_725, %add3A_756 : i32
        %get3A_758 = arith.index_cast %add3A_757 : i32 to index
        %get3A_759 = arith.constant 16 : index
        %get3A_760 = tpu.vector_load %arg7[%get3A_758, %get3A_759] {strides = array<i32>} : memref<800x32xf32, #tpu.memory_space<vmem>>, vector<1x16xf32>,
        %get3A_761 = vector.shape_cast %get3A_760 : vector<1x16xf32> to vector<16xf32>
        %add3A_762 = arith.addf %scan3A_719, %get3A_761 : vector<16xf32>
        %add3A_763 = arith.constant 3 : i32
        %add3A_764 = arith.addi %add3A_725, %add3A_763 : i32
        %get3A_765 = arith.index_cast %add3A_764 : i32 to index
        %get3A_766 = arith.constant 0 : index
        %get3A_767 = tpu.vector_load %arg7[%get3A_765, %get3A_766] {strides = array<i32>} : memref<800x32xf32, #tpu.memory_space<vmem>>, vector<1x16xf32>,
        %get3A_768 = vector.shape_cast %get3A_767 : vector<1x16xf32> to vector<16xf32>
        %add3A_769 = arith.addf %scan3A_720, %get3A_768 : vector<16xf32>
        %add3A_770 = arith.constant 3 : i32
        %add3A_771 = arith.addi %add3A_725, %add3A_770 : i32
        %get3A_772 = arith.index_cast %add3A_771 : i32 to index
        %get3A_773 = arith.constant 16 : index
        %get3A_774 = tpu.vector_load %arg7[%get3A_772, %get3A_773] {strides = array<i32>} : memref<800x32xf32, #tpu.memory_space<vmem>>, vector<1x16xf32>,
        %get3A_775 = vector.shape_cast %get3A_774 : vector<1x16xf32> to vector<16xf32>
        %add3A_776 = arith.addf %scan3A_721, %get3A_775 : vector<16xf32>
        scf.yield %add3A_729, %add3A_734, %add3A_741, %add3A_748, %add3A_755, %add3A_762, %add3A_769, %add3A_776 : vector<16xf32>, vector<16xf32>, vector<16xf32>, vector<16xf32>, vector<16xf32>, vector<16xf32>, vector<16xf32>, vector<16xf32>
      }
      %scan3A_545 = arith.constant 50 : i32
      %add3A_546 = arith.addf %scan3A_544#0, %scan3A_544#2 : vector<16xf32>
      %add3A_547 = arith.addf %scan3A_544#4, %scan3A_544#6 : vector<16xf32>
      %add3A_548 = arith.addf %add3A_546, %add3A_547 : vector<16xf32>
      %swap3A_549 = arith.index_cast %add3A_537 : i32 to index
      %swap3A_550 = arith.constant 0 : index
      %swap3A_551 = tpu.vector_load %arg8[%swap3A_549, %swap3A_550] {strides = array<i32>} : memref<128x32xf32, #tpu.memory_space<vmem>>, vector<1x16xf32>,
      %swap3A_552 = vector.shape_cast %swap3A_551 : vector<1x16xf32> to vector<16xf32>
      %swap3A_553 = vector.shape_cast %add3A_548 : vector<16xf32> to vector<1x16xf32>
      tpu.vector_store %arg8[%swap3A_549, %swap3A_550], %swap3A_553 {strides = array<i32>} : memref<128x32xf32, #tpu.memory_space<vmem>>, vector<1x16xf32>,
      %add3A_554 = arith.addf %scan3A_544#1, %scan3A_544#3 : vector<16xf32>
      %add3A_555 = arith.addf %scan3A_544#5, %scan3A_544#7 : vector<16xf32>
      %add3A_556 = arith.addf %add3A_554, %add3A_555 : vector<16xf32>
      %swap3A_557 = arith.index_cast %add3A_537 : i32 to index
      %swap3A_558 = arith.constant 16 : index
      %swap3A_559 = tpu.vector_load %arg8[%swap3A_557, %swap3A_558] {strides = array<i32>} : memref<128x32xf32, #tpu.memory_space<vmem>>, vector<1x16xf32>,
      %swap3A_560 = vector.shape_cast %swap3A_559 : vector<1x16xf32> to vector<16xf32>
      %swap3A_561 = vector.shape_cast %add3A_556 : vector<16xf32> to vector<1x16xf32>
      tpu.vector_store %arg8[%swap3A_557, %swap3A_558], %swap3A_561 {strides = array<i32>} : memref<128x32xf32, #tpu.memory_space<vmem>>, vector<1x16xf32>,
      %mul3A_562 = arith.constant 4 : i32
      %mul3A_563 = arith.muli %add3A_533, %mul3A_562 : i32
      %add3A_564 = arith.constant 1 : i32
      %add3A_565 = arith.addi %mul3A_563, %add3A_564 : i32
      %broadcast_in_dim3A_566 = arith.constant 0.000000e+00 : f32
      %broadcast_in_dim3A_567 = vector.broadcast %broadcast_in_dim3A_566 : f32 to vector<16xf32>
      %scan3A_568 = arith.constant 0 : i32
      %scan3A_569 = arith.constant 50 : i32
      %scan3A_570 = arith.addi %scan3A_568, %scan3A_569 : i32
      %scan3A_571 = arith.constant 1 : i32
      %scan3A_572:8 = scf.for %scan3A_713 = %scan3A_568 to %scan3A_570 step %scan3A_571 iter_args(%scan3A_714 = %broadcast_in_dim3A_567, %scan3A_715 = %broadcast_in_dim3A_567, %scan3A_716 = %broadcast_in_dim3A_567, %scan3A_717 = %broadcast_in_dim3A_567, %scan3A_718 = %broadcast_in_dim3A_567, %scan3A_719 = %broadcast_in_dim3A_567, %scan3A_720 = %broadcast_in_dim3A_567, %scan3A_721 = %broadcast_in_dim3A_567) -> (vector<16xf32>, vector<16xf32>, vector<16xf32>, vector<16xf32>, vector<16xf32>, vector<16xf32>, vector<16xf32>, vector<16xf32>)  : i32 {
        %mul3A_722 = arith.constant 4 : i32
        %mul3A_723 = arith.muli %scan3A_713, %mul3A_722 : i32
        %add3A_724 = arith.constant 200 : i32
        %add3A_725 = arith.addi %add3A_724, %mul3A_723 : i32
        %get3A = arith.index_cast %add3A_725 : i32 to index
        %get3A_726 = arith.constant 0 : index
        %get3A_727 = tpu.vector_load %arg7[%get3A, %get3A_726] {strides = array<i32>} : memref<800x32xf32, #tpu.memory_space<vmem>>, vector<1x16xf32>,
        %get3A_728 = vector.shape_cast %get3A_727 : vector<1x16xf32> to vector<16xf32>
        %add3A_729 = arith.addf %scan3A_714, %get3A_728 : vector<16xf32>
        %get3A_730 = arith.index_cast %add3A_725 : i32 to index
        %get3A_731 = arith.constant 16 : index
        %get3A_732 = tpu.vector_load %arg7[%get3A_730, %get3A_731] {strides = array<i32>} : memref<800x32xf32, #tpu.memory_space<vmem>>, vector<1x16xf32>,
        %get3A_733 = vector.shape_cast %get3A_732 : vector<1x16xf32> to vector<16xf32>
        %add3A_734 = arith.addf %scan3A_715, %get3A_733 : vector<16xf32>
        %add3A_735 = arith.constant 1 : i32
        %add3A_736 = arith.addi %add3A_725, %add3A_735 : i32
        %get3A_737 = arith.index_cast %add3A_736 : i32 to index
        %get3A_738 = arith.constant 0 : index
        %get3A_739 = tpu.vector_load %arg7[%get3A_737, %get3A_738] {strides = array<i32>} : memref<800x32xf32, #tpu.memory_space<vmem>>, vector<1x16xf32>,
        %get3A_740 = vector.shape_cast %get3A_739 : vector<1x16xf32> to vector<16xf32>
        %add3A_741 = arith.addf %scan3A_716, %get3A_740 : vector<16xf32>
        %add3A_742 = arith.constant 1 : i32
        %add3A_743 = arith.addi %add3A_725, %add3A_742 : i32
        %get3A_744 = arith.index_cast %add3A_743 : i32 to index
        %get3A_745 = arith.constant 16 : index
        %get3A_746 = tpu.vector_load %arg7[%get3A_744, %get3A_745] {strides = array<i32>} : memref<800x32xf32, #tpu.memory_space<vmem>>, vector<1x16xf32>,
        %get3A_747 = vector.shape_cast %get3A_746 : vector<1x16xf32> to vector<16xf32>
        %add3A_748 = arith.addf %scan3A_717, %get3A_747 : vector<16xf32>
        %add3A_749 = arith.constant 2 : i32
        %add3A_750 = arith.addi %add3A_725, %add3A_749 : i32
        %get3A_751 = arith.index_cast %add3A_750 : i32 to index
        %get3A_752 = arith.constant 0 : index
        %get3A_753 = tpu.vector_load %arg7[%get3A_751, %get3A_752] {strides = array<i32>} : memref<800x32xf32, #tpu.memory_space<vmem>>, vector<1x16xf32>,
        %get3A_754 = vector.shape_cast %get3A_753 : vector<1x16xf32> to vector<16xf32>
        %add3A_755 = arith.addf %scan3A_718, %get3A_754 : vector<16xf32>
        %add3A_756 = arith.constant 2 : i32
        %add3A_757 = arith.addi %add3A_725, %add3A_756 : i32
        %get3A_758 = arith.index_cast %add3A_757 : i32 to index
        %get3A_759 = arith.constant 16 : index
        %get3A_760 = tpu.vector_load %arg7[%get3A_758, %get3A_759] {strides = array<i32>} : memref<800x32xf32, #tpu.memory_space<vmem>>, vector<1x16xf32>,
        %get3A_761 = vector.shape_cast %get3A_760 : vector<1x16xf32> to vector<16xf32>
        %add3A_762 = arith.addf %scan3A_719, %get3A_761 : vector<16xf32>
        %add3A_763 = arith.constant 3 : i32
        %add3A_764 = arith.addi %add3A_725, %add3A_763 : i32
        %get3A_765 = arith.index_cast %add3A_764 : i32 to index
        %get3A_766 = arith.constant 0 : index
        %get3A_767 = tpu.vector_load %arg7[%get3A_765, %get3A_766] {strides = array<i32>} : memref<800x32xf32, #tpu.memory_space<vmem>>, vector<1x16xf32>,
        %get3A_768 = vector.shape_cast %get3A_767 : vector<1x16xf32> to vector<16xf32>
        %add3A_769 = arith.addf %scan3A_720, %get3A_768 : vector<16xf32>
        %add3A_770 = arith.constant 3 : i32
        %add3A_771 = arith.addi %add3A_725, %add3A_770 : i32
        %get3A_772 = arith.index_cast %add3A_771 : i32 to index
        %get3A_773 = arith.constant 16 : index
        %get3A_774 = tpu.vector_load %arg7[%get3A_772, %get3A_773] {strides = array<i32>} : memref<800x32xf32, #tpu.memory_space<vmem>>, vector<1x16xf32>,
        %get3A_775 = vector.shape_cast %get3A_774 : vector<1x16xf32> to vector<16xf32>
        %add3A_776 = arith.addf %scan3A_721, %get3A_775 : vector<16xf32>
        scf.yield %add3A_729, %add3A_734, %add3A_741, %add3A_748, %add3A_755, %add3A_762, %add3A_769, %add3A_776 : vector<16xf32>, vector<16xf32>, vector<16xf32>, vector<16xf32>, vector<16xf32>, vector<16xf32>, vector<16xf32>, vector<16xf32>
      }
      %scan3A_573 = arith.constant 50 : i32
      %add3A_574 = arith.addf %scan3A_572#0, %scan3A_572#2 : vector<16xf32>
      %add3A_575 = arith.addf %scan3A_572#4, %scan3A_572#6 : vector<16xf32>
      %add3A_576 = arith.addf %add3A_574, %add3A_575 : vector<16xf32>
      %swap3A_577 = arith.index_cast %add3A_565 : i32 to index
      %swap3A_578 = arith.constant 0 : index
      %swap3A_579 = tpu.vector_load %arg8[%swap3A_577, %swap3A_578] {strides = array<i32>} : memref<128x32xf32, #tpu.memory_space<vmem>>, vector<1x16xf32>,
      %swap3A_580 = vector.shape_cast %swap3A_579 : vector<1x16xf32> to vector<16xf32>
      %swap3A_581 = vector.shape_cast %add3A_576 : vector<16xf32> to vector<1x16xf32>
      tpu.vector_store %arg8[%swap3A_577, %swap3A_578], %swap3A_581 {strides = array<i32>} : memref<128x32xf32, #tpu.memory_space<vmem>>, vector<1x16xf32>,
      %add3A_582 = arith.addf %scan3A_572#1, %scan3A_572#3 : vector<16xf32>
      %add3A_583 = arith.addf %scan3A_572#5, %scan3A_572#7 : vector<16xf32>
      %add3A_584 = arith.addf %add3A_582, %add3A_583 : vector<16xf32>
      %swap3A_585 = arith.index_cast %add3A_565 : i32 to index
      %swap3A_586 = arith.constant 16 : index
      %swap3A_587 = tpu.vector_load %arg8[%swap3A_585, %swap3A_586] {strides = array<i32>} : memref<128x32xf32, #tpu.memory_space<vmem>>, vector<1x16xf32>,
      %swap3A_588 = vector.shape_cast %swap3A_587 : vector<1x16xf32> to vector<16xf32>
      %swap3A_589 = vector.shape_cast %add3A_584 : vector<16xf32> to vector<1x16xf32>
      tpu.vector_store %arg8[%swap3A_585, %swap3A_586], %swap3A_589 {strides = array<i32>} : memref<128x32xf32, #tpu.memory_space<vmem>>, vector<1x16xf32>,
      %mul3A_590 = arith.constant 4 : i32
      %mul3A_591 = arith.muli %add3A_533, %mul3A_590 : i32
      %add3A_592 = arith.constant 2 : i32
      %add3A_593 = arith.addi %mul3A_591, %add3A_592 : i32
      %broadcast_in_dim3A_594 = arith.constant 0.000000e+00 : f32
      %broadcast_in_dim3A_595 = vector.broadcast %broadcast_in_dim3A_594 : f32 to vector<16xf32>
      %scan3A_596 = arith.constant 0 : i32
      %scan3A_597 = arith.constant 50 : i32
      %scan3A_598 = arith.addi %scan3A_596, %scan3A_597 : i32
      %scan3A_599 = arith.constant 1 : i32
      %scan3A_600:8 = scf.for %scan3A_713 = %scan3A_596 to %scan3A_598 step %scan3A_599 iter_args(%scan3A_714 = %broadcast_in_dim3A_595, %scan3A_715 = %broadcast_in_dim3A_595, %scan3A_716 = %broadcast_in_dim3A_595, %scan3A_717 = %broadcast_in_dim3A_595, %scan3A_718 = %broadcast_in_dim3A_595, %scan3A_719 = %broadcast_in_dim3A_595, %scan3A_720 = %broadcast_in_dim3A_595, %scan3A_721 = %broadcast_in_dim3A_595) -> (vector<16xf32>, vector<16xf32>, vector<16xf32>, vector<16xf32>, vector<16xf32>, vector<16xf32>, vector<16xf32>, vector<16xf32>)  : i32 {
        %mul3A_722 = arith.constant 4 : i32
        %mul3A_723 = arith.muli %scan3A_713, %mul3A_722 : i32
        %add3A_724 = arith.constant 400 : i32
        %add3A_725 = arith.addi %add3A_724, %mul3A_723 : i32
        %get3A = arith.index_cast %add3A_725 : i32 to index
        %get3A_726 = arith.constant 0 : index
        %get3A_727 = tpu.vector_load %arg7[%get3A, %get3A_726] {strides = array<i32>} : memref<800x32xf32, #tpu.memory_space<vmem>>, vector<1x16xf32>,
        %get3A_728 = vector.shape_cast %get3A_727 : vector<1x16xf32> to vector<16xf32>
        %add3A_729 = arith.addf %scan3A_714, %get3A_728 : vector<16xf32>
        %get3A_730 = arith.index_cast %add3A_725 : i32 to index
        %get3A_731 = arith.constant 16 : index
        %get3A_732 = tpu.vector_load %arg7[%get3A_730, %get3A_731] {strides = array<i32>} : memref<800x32xf32, #tpu.memory_space<vmem>>, vector<1x16xf32>,
        %get3A_733 = vector.shape_cast %get3A_732 : vector<1x16xf32> to vector<16xf32>
        %add3A_734 = arith.addf %scan3A_715, %get3A_733 : vector<16xf32>
        %add3A_735 = arith.constant 1 : i32
        %add3A_736 = arith.addi %add3A_725, %add3A_735 : i32
        %get3A_737 = arith.index_cast %add3A_736 : i32 to index
        %get3A_738 = arith.constant 0 : index
        %get3A_739 = tpu.vector_load %arg7[%get3A_737, %get3A_738] {strides = array<i32>} : memref<800x32xf32, #tpu.memory_space<vmem>>, vector<1x16xf32>,
        %get3A_740 = vector.shape_cast %get3A_739 : vector<1x16xf32> to vector<16xf32>
        %add3A_741 = arith.addf %scan3A_716, %get3A_740 : vector<16xf32>
        %add3A_742 = arith.constant 1 : i32
        %add3A_743 = arith.addi %add3A_725, %add3A_742 : i32
        %get3A_744 = arith.index_cast %add3A_743 : i32 to index
        %get3A_745 = arith.constant 16 : index
        %get3A_746 = tpu.vector_load %arg7[%get3A_744, %get3A_745] {strides = array<i32>} : memref<800x32xf32, #tpu.memory_space<vmem>>, vector<1x16xf32>,
        %get3A_747 = vector.shape_cast %get3A_746 : vector<1x16xf32> to vector<16xf32>
        %add3A_748 = arith.addf %scan3A_717, %get3A_747 : vector<16xf32>
        %add3A_749 = arith.constant 2 : i32
        %add3A_750 = arith.addi %add3A_725, %add3A_749 : i32
        %get3A_751 = arith.index_cast %add3A_750 : i32 to index
        %get3A_752 = arith.constant 0 : index
        %get3A_753 = tpu.vector_load %arg7[%get3A_751, %get3A_752] {strides = array<i32>} : memref<800x32xf32, #tpu.memory_space<vmem>>, vector<1x16xf32>,
        %get3A_754 = vector.shape_cast %get3A_753 : vector<1x16xf32> to vector<16xf32>
        %add3A_755 = arith.addf %scan3A_718, %get3A_754 : vector<16xf32>
        %add3A_756 = arith.constant 2 : i32
        %add3A_757 = arith.addi %add3A_725, %add3A_756 : i32
        %get3A_758 = arith.index_cast %add3A_757 : i32 to index
        %get3A_759 = arith.constant 16 : index
        %get3A_760 = tpu.vector_load %arg7[%get3A_758, %get3A_759] {strides = array<i32>} : memref<800x32xf32, #tpu.memory_space<vmem>>, vector<1x16xf32>,
        %get3A_761 = vector.shape_cast %get3A_760 : vector<1x16xf32> to vector<16xf32>
        %add3A_762 = arith.addf %scan3A_719, %get3A_761 : vector<16xf32>
        %add3A_763 = arith.constant 3 : i32
        %add3A_764 = arith.addi %add3A_725, %add3A_763 : i32
        %get3A_765 = arith.index_cast %add3A_764 : i32 to index
        %get3A_766 = arith.constant 0 : index
        %get3A_767 = tpu.vector_load %arg7[%get3A_765, %get3A_766] {strides = array<i32>} : memref<800x32xf32, #tpu.memory_space<vmem>>, vector<1x16xf32>,
        %get3A_768 = vector.shape_cast %get3A_767 : vector<1x16xf32> to vector<16xf32>
        %add3A_769 = arith.addf %scan3A_720, %get3A_768 : vector<16xf32>
        %add3A_770 = arith.constant 3 : i32
        %add3A_771 = arith.addi %add3A_725, %add3A_770 : i32
        %get3A_772 = arith.index_cast %add3A_771 : i32 to index
        %get3A_773 = arith.constant 16 : index
        %get3A_774 = tpu.vector_load %arg7[%get3A_772, %get3A_773] {strides = array<i32>} : memref<800x32xf32, #tpu.memory_space<vmem>>, vector<1x16xf32>,
        %get3A_775 = vector.shape_cast %get3A_774 : vector<1x16xf32> to vector<16xf32>
        %add3A_776 = arith.addf %scan3A_721, %get3A_775 : vector<16xf32>
        scf.yield %add3A_729, %add3A_734, %add3A_741, %add3A_748, %add3A_755, %add3A_762, %add3A_769, %add3A_776 : vector<16xf32>, vector<16xf32>, vector<16xf32>, vector<16xf32>, vector<16xf32>, vector<16xf32>, vector<16xf32>, vector<16xf32>
      }
      %scan3A_601 = arith.constant 50 : i32
      %add3A_602 = arith.addf %scan3A_600#0, %scan3A_600#2 : vector<16xf32>
      %add3A_603 = arith.addf %scan3A_600#4, %scan3A_600#6 : vector<16xf32>
      %add3A_604 = arith.addf %add3A_602, %add3A_603 : vector<16xf32>
      %swap3A_605 = arith.index_cast %add3A_593 : i32 to index
      %swap3A_606 = arith.constant 0 : index
      %swap3A_607 = tpu.vector_load %arg8[%swap3A_605, %swap3A_606] {strides = array<i32>} : memref<128x32xf32, #tpu.memory_space<vmem>>, vector<1x16xf32>,
      %swap3A_608 = vector.shape_cast %swap3A_607 : vector<1x16xf32> to vector<16xf32>
      %swap3A_609 = vector.shape_cast %add3A_604 : vector<16xf32> to vector<1x16xf32>
      tpu.vector_store %arg8[%swap3A_605, %swap3A_606], %swap3A_609 {strides = array<i32>} : memref<128x32xf32, #tpu.memory_space<vmem>>, vector<1x16xf32>,
      %add3A_610 = arith.addf %scan3A_600#1, %scan3A_600#3 : vector<16xf32>
      %add3A_611 = arith.addf %scan3A_600#5, %scan3A_600#7 : vector<16xf32>
      %add3A_612 = arith.addf %add3A_610, %add3A_611 : vector<16xf32>
      %swap3A_613 = arith.index_cast %add3A_593 : i32 to index
      %swap3A_614 = arith.constant 16 : index
      %swap3A_615 = tpu.vector_load %arg8[%swap3A_613, %swap3A_614] {strides = array<i32>} : memref<128x32xf32, #tpu.memory_space<vmem>>, vector<1x16xf32>,
      %swap3A_616 = vector.shape_cast %swap3A_615 : vector<1x16xf32> to vector<16xf32>
      %swap3A_617 = vector.shape_cast %add3A_612 : vector<16xf32> to vector<1x16xf32>
      tpu.vector_store %arg8[%swap3A_613, %swap3A_614], %swap3A_617 {strides = array<i32>} : memref<128x32xf32, #tpu.memory_space<vmem>>, vector<1x16xf32>,
      %mul3A_618 = arith.constant 4 : i32
      %mul3A_619 = arith.muli %add3A_533, %mul3A_618 : i32
      %add3A_620 = arith.constant 3 : i32
      %add3A_621 = arith.addi %mul3A_619, %add3A_620 : i32
      %broadcast_in_dim3A_622 = arith.constant 0.000000e+00 : f32
      %broadcast_in_dim3A_623 = vector.broadcast %broadcast_in_dim3A_622 : f32 to vector<16xf32>
      %scan3A_624 = arith.constant 0 : i32
      %scan3A_625 = arith.constant 50 : i32
      %scan3A_626 = arith.addi %scan3A_624, %scan3A_625 : i32
      %scan3A_627 = arith.constant 1 : i32
      %scan3A_628:8 = scf.for %scan3A_713 = %scan3A_624 to %scan3A_626 step %scan3A_627 iter_args(%scan3A_714 = %broadcast_in_dim3A_623, %scan3A_715 = %broadcast_in_dim3A_623, %scan3A_716 = %broadcast_in_dim3A_623, %scan3A_717 = %broadcast_in_dim3A_623, %scan3A_718 = %broadcast_in_dim3A_623, %scan3A_719 = %broadcast_in_dim3A_623, %scan3A_720 = %broadcast_in_dim3A_623, %scan3A_721 = %broadcast_in_dim3A_623) -> (vector<16xf32>, vector<16xf32>, vector<16xf32>, vector<16xf32>, vector<16xf32>, vector<16xf32>, vector<16xf32>, vector<16xf32>)  : i32 {
        %mul3A_722 = arith.constant 4 : i32
        %mul3A_723 = arith.muli %scan3A_713, %mul3A_722 : i32
        %add3A_724 = arith.constant 600 : i32
        %add3A_725 = arith.addi %add3A_724, %mul3A_723 : i32
        %get3A = arith.index_cast %add3A_725 : i32 to index
        %get3A_726 = arith.constant 0 : index
        %get3A_727 = tpu.vector_load %arg7[%get3A, %get3A_726] {strides = array<i32>} : memref<800x32xf32, #tpu.memory_space<vmem>>, vector<1x16xf32>,
        %get3A_728 = vector.shape_cast %get3A_727 : vector<1x16xf32> to vector<16xf32>
        %add3A_729 = arith.addf %scan3A_714, %get3A_728 : vector<16xf32>
        %get3A_730 = arith.index_cast %add3A_725 : i32 to index
        %get3A_731 = arith.constant 16 : index
        %get3A_732 = tpu.vector_load %arg7[%get3A_730, %get3A_731] {strides = array<i32>} : memref<800x32xf32, #tpu.memory_space<vmem>>, vector<1x16xf32>,
        %get3A_733 = vector.shape_cast %get3A_732 : vector<1x16xf32> to vector<16xf32>
        %add3A_734 = arith.addf %scan3A_715, %get3A_733 : vector<16xf32>
        %add3A_735 = arith.constant 1 : i32
        %add3A_736 = arith.addi %add3A_725, %add3A_735 : i32
        %get3A_737 = arith.index_cast %add3A_736 : i32 to index
        %get3A_738 = arith.constant 0 : index
        %get3A_739 = tpu.vector_load %arg7[%get3A_737, %get3A_738] {strides = array<i32>} : memref<800x32xf32, #tpu.memory_space<vmem>>, vector<1x16xf32>,
        %get3A_740 = vector.shape_cast %get3A_739 : vector<1x16xf32> to vector<16xf32>
        %add3A_741 = arith.addf %scan3A_716, %get3A_740 : vector<16xf32>
        %add3A_742 = arith.constant 1 : i32
        %add3A_743 = arith.addi %add3A_725, %add3A_742 : i32
        %get3A_744 = arith.index_cast %add3A_743 : i32 to index
        %get3A_745 = arith.constant 16 : index
        %get3A_746 = tpu.vector_load %arg7[%get3A_744, %get3A_745] {strides = array<i32>} : memref<800x32xf32, #tpu.memory_space<vmem>>, vector<1x16xf32>,
        %get3A_747 = vector.shape_cast %get3A_746 : vector<1x16xf32> to vector<16xf32>
        %add3A_748 = arith.addf %scan3A_717, %get3A_747 : vector<16xf32>
        %add3A_749 = arith.constant 2 : i32
        %add3A_750 = arith.addi %add3A_725, %add3A_749 : i32
        %get3A_751 = arith.index_cast %add3A_750 : i32 to index
        %get3A_752 = arith.constant 0 : index
        %get3A_753 = tpu.vector_load %arg7[%get3A_751, %get3A_752] {strides = array<i32>} : memref<800x32xf32, #tpu.memory_space<vmem>>, vector<1x16xf32>,
        %get3A_754 = vector.shape_cast %get3A_753 : vector<1x16xf32> to vector<16xf32>
        %add3A_755 = arith.addf %scan3A_718, %get3A_754 : vector<16xf32>
        %add3A_756 = arith.constant 2 : i32
        %add3A_757 = arith.addi %add3A_725, %add3A_756 : i32
        %get3A_758 = arith.index_cast %add3A_757 : i32 to index
        %get3A_759 = arith.constant 16 : index
        %get3A_760 = tpu.vector_load %arg7[%get3A_758, %get3A_759] {strides = array<i32>} : memref<800x32xf32, #tpu.memory_space<vmem>>, vector<1x16xf32>,
        %get3A_761 = vector.shape_cast %get3A_760 : vector<1x16xf32> to vector<16xf32>
        %add3A_762 = arith.addf %scan3A_719, %get3A_761 : vector<16xf32>
        %add3A_763 = arith.constant 3 : i32
        %add3A_764 = arith.addi %add3A_725, %add3A_763 : i32
        %get3A_765 = arith.index_cast %add3A_764 : i32 to index
        %get3A_766 = arith.constant 0 : index
        %get3A_767 = tpu.vector_load %arg7[%get3A_765, %get3A_766] {strides = array<i32>} : memref<800x32xf32, #tpu.memory_space<vmem>>, vector<1x16xf32>,
        %get3A_768 = vector.shape_cast %get3A_767 : vector<1x16xf32> to vector<16xf32>
        %add3A_769 = arith.addf %scan3A_720, %get3A_768 : vector<16xf32>
        %add3A_770 = arith.constant 3 : i32
        %add3A_771 = arith.addi %add3A_725, %add3A_770 : i32
        %get3A_772 = arith.index_cast %add3A_771 : i32 to index
        %get3A_773 = arith.constant 16 : index
        %get3A_774 = tpu.vector_load %arg7[%get3A_772, %get3A_773] {strides = array<i32>} : memref<800x32xf32, #tpu.memory_space<vmem>>, vector<1x16xf32>,
        %get3A_775 = vector.shape_cast %get3A_774 : vector<1x16xf32> to vector<16xf32>
        %add3A_776 = arith.addf %scan3A_721, %get3A_775 : vector<16xf32>
        scf.yield %add3A_729, %add3A_734, %add3A_741, %add3A_748, %add3A_755, %add3A_762, %add3A_769, %add3A_776 : vector<16xf32>, vector<16xf32>, vector<16xf32>, vector<16xf32>, vector<16xf32>, vector<16xf32>, vector<16xf32>, vector<16xf32>
      }
      %scan3A_629 = arith.constant 50 : i32
      %add3A_630 = arith.addf %scan3A_628#0, %scan3A_628#2 : vector<16xf32>
      %add3A_631 = arith.addf %scan3A_628#4, %scan3A_628#6 : vector<16xf32>
      %add3A_632 = arith.addf %add3A_630, %add3A_631 : vector<16xf32>
      %swap3A_633 = arith.index_cast %add3A_621 : i32 to index
      %swap3A_634 = arith.constant 0 : index
      %swap3A_635 = tpu.vector_load %arg8[%swap3A_633, %swap3A_634] {strides = array<i32>} : memref<128x32xf32, #tpu.memory_space<vmem>>, vector<1x16xf32>,
      %swap3A_636 = vector.shape_cast %swap3A_635 : vector<1x16xf32> to vector<16xf32>
      %swap3A_637 = vector.shape_cast %add3A_632 : vector<16xf32> to vector<1x16xf32>
      tpu.vector_store %arg8[%swap3A_633, %swap3A_634], %swap3A_637 {strides = array<i32>} : memref<128x32xf32, #tpu.memory_space<vmem>>, vector<1x16xf32>,
      %add3A_638 = arith.addf %scan3A_628#1, %scan3A_628#3 : vector<16xf32>
      %add3A_639 = arith.addf %scan3A_628#5, %scan3A_628#7 : vector<16xf32>
      %add3A_640 = arith.addf %add3A_638, %add3A_639 : vector<16xf32>
      %swap3A_641 = arith.index_cast %add3A_621 : i32 to index
      %swap3A_642 = arith.constant 16 : index
      %swap3A_643 = tpu.vector_load %arg8[%swap3A_641, %swap3A_642] {strides = array<i32>} : memref<128x32xf32, #tpu.memory_space<vmem>>, vector<1x16xf32>,
      %swap3A_644 = vector.shape_cast %swap3A_643 : vector<1x16xf32> to vector<16xf32>
      %swap3A_645 = vector.shape_cast %add3A_640 : vector<16xf32> to vector<1x16xf32>
      tpu.vector_store %arg8[%swap3A_641, %swap3A_642], %swap3A_645 {strides = array<i32>} : memref<128x32xf32, #tpu.memory_space<vmem>>, vector<1x16xf32>,
      %add3A_646 = arith.constant 3 : i32
      %add3A_647 = arith.addi %mul3A_340, %add3A_646 : i32
      %mul3A_648 = arith.constant 800 : i32
      %mul3A_649 = arith.muli %add3A_647, %mul3A_648 : i32
      %add3A_650 = arith.constant 0 : i32
      %add3A_651 = arith.addi %mul3A_649, %add3A_650 : i32
      %dma_start3A_652 = arith.constant 0 : i32
      %dma_start3A_653 = arith.constant 0 : i32
      %dma_start3A_654 = tpu.memref_slice %arg7[%dma_start3A_652, %dma_start3A_653] : memref<800x32xf32, #tpu.memory_space<vmem>> -> memref<128x32xf32, #tpu.memory_space<vmem>>
      %dma_start3A_655 = tpu.memref_slice %arg5[%add3A_651] : memref<25600xi32, #tpu.memory_space<vmem>> -> memref<128xi32, #tpu.memory_space<vmem>>
      %dma_start3A_656 = arith.constant 0 : i32
      %dma_start3A_657 = arith.constant 0 : i32
      %dma_start3A_658 = tpu.memref_slice %arg2[%dma_start3A_656, %dma_start3A_657] : memref<1000000x32xf32, #tpu.memory_space<hbm>> -> memref<1000000x32xf32, #tpu.memory_space<hbm>>
      tpu.enqueue_indirect_dma source(%dma_start3A_658 : memref<1000000x32xf32, #tpu.memory_space<hbm>>) target(%dma_start3A_654 : memref<128x32xf32, #tpu.memory_space<vmem>>) offsets(%dma_start3A_655 : memref<128xi32, #tpu.memory_space<vmem>>) semaphore(%arg10 : memref<!tpu.dma_semaphore, #tpu.memory_space<semaphore_mem>>)
      %add3A_659 = arith.constant 128 : i32
      %add3A_660 = arith.addi %mul3A_649, %add3A_659 : i32
      %dma_start3A_661 = arith.constant 128 : i32
      %dma_start3A_662 = arith.constant 0 : i32
      %dma_start3A_663 = tpu.memref_slice %arg7[%dma_start3A_661, %dma_start3A_662] : memref<800x32xf32, #tpu.memory_space<vmem>> -> memref<128x32xf32, #tpu.memory_space<vmem>>
      %dma_start3A_664 = tpu.memref_slice %arg5[%add3A_660] : memref<25600xi32, #tpu.memory_space<vmem>> -> memref<128xi32, #tpu.memory_space<vmem>>
      %dma_start3A_665 = arith.constant 0 : i32
      %dma_start3A_666 = arith.constant 0 : i32
      %dma_start3A_667 = tpu.memref_slice %arg2[%dma_start3A_665, %dma_start3A_666] : memref<1000000x32xf32, #tpu.memory_space<hbm>> -> memref<1000000x32xf32, #tpu.memory_space<hbm>>
      tpu.enqueue_indirect_dma source(%dma_start3A_667 : memref<1000000x32xf32, #tpu.memory_space<hbm>>) target(%dma_start3A_663 : memref<128x32xf32, #tpu.memory_space<vmem>>) offsets(%dma_start3A_664 : memref<128xi32, #tpu.memory_space<vmem>>) semaphore(%arg10 : memref<!tpu.dma_semaphore, #tpu.memory_space<semaphore_mem>>)
      %add3A_668 = arith.constant 256 : i32
      %add3A_669 = arith.addi %mul3A_649, %add3A_668 : i32
      %dma_start3A_670 = arith.constant 256 : i32
      %dma_start3A_671 = arith.constant 0 : i32
      %dma_start3A_672 = tpu.memref_slice %arg7[%dma_start3A_670, %dma_start3A_671] : memref<800x32xf32, #tpu.memory_space<vmem>> -> memref<128x32xf32, #tpu.memory_space<vmem>>
      %dma_start3A_673 = tpu.memref_slice %arg5[%add3A_669] : memref<25600xi32, #tpu.memory_space<vmem>> -> memref<128xi32, #tpu.memory_space<vmem>>
      %dma_start3A_674 = arith.constant 0 : i32
      %dma_start3A_675 = arith.constant 0 : i32
      %dma_start3A_676 = tpu.memref_slice %arg2[%dma_start3A_674, %dma_start3A_675] : memref<1000000x32xf32, #tpu.memory_space<hbm>> -> memref<1000000x32xf32, #tpu.memory_space<hbm>>
      tpu.enqueue_indirect_dma source(%dma_start3A_676 : memref<1000000x32xf32, #tpu.memory_space<hbm>>) target(%dma_start3A_672 : memref<128x32xf32, #tpu.memory_space<vmem>>) offsets(%dma_start3A_673 : memref<128xi32, #tpu.memory_space<vmem>>) semaphore(%arg10 : memref<!tpu.dma_semaphore, #tpu.memory_space<semaphore_mem>>)
      %add3A_677 = arith.constant 384 : i32
      %add3A_678 = arith.addi %mul3A_649, %add3A_677 : i32
      %dma_start3A_679 = arith.constant 384 : i32
      %dma_start3A_680 = arith.constant 0 : i32
      %dma_start3A_681 = tpu.memref_slice %arg7[%dma_start3A_679, %dma_start3A_680] : memref<800x32xf32, #tpu.memory_space<vmem>> -> memref<128x32xf32, #tpu.memory_space<vmem>>
      %dma_start3A_682 = tpu.memref_slice %arg5[%add3A_678] : memref<25600xi32, #tpu.memory_space<vmem>> -> memref<128xi32, #tpu.memory_space<vmem>>
      %dma_start3A_683 = arith.constant 0 : i32
      %dma_start3A_684 = arith.constant 0 : i32
      %dma_start3A_685 = tpu.memref_slice %arg2[%dma_start3A_683, %dma_start3A_684] : memref<1000000x32xf32, #tpu.memory_space<hbm>> -> memref<1000000x32xf32, #tpu.memory_space<hbm>>
      tpu.enqueue_indirect_dma source(%dma_start3A_685 : memref<1000000x32xf32, #tpu.memory_space<hbm>>) target(%dma_start3A_681 : memref<128x32xf32, #tpu.memory_space<vmem>>) offsets(%dma_start3A_682 : memref<128xi32, #tpu.memory_space<vmem>>) semaphore(%arg10 : memref<!tpu.dma_semaphore, #tpu.memory_space<semaphore_mem>>)
      %add3A_686 = arith.constant 512 : i32
      %add3A_687 = arith.addi %mul3A_649, %add3A_686 : i32
      %dma_start3A_688 = arith.constant 512 : i32
      %dma_start3A_689 = arith.constant 0 : i32
      %dma_start3A_690 = tpu.memref_slice %arg7[%dma_start3A_688, %dma_start3A_689] : memref<800x32xf32, #tpu.memory_space<vmem>> -> memref<128x32xf32, #tpu.memory_space<vmem>>
      %dma_start3A_691 = tpu.memref_slice %arg5[%add3A_687] : memref<25600xi32, #tpu.memory_space<vmem>> -> memref<128xi32, #tpu.memory_space<vmem>>
      %dma_start3A_692 = arith.constant 0 : i32
      %dma_start3A_693 = arith.constant 0 : i32
      %dma_start3A_694 = tpu.memref_slice %arg2[%dma_start3A_692, %dma_start3A_693] : memref<1000000x32xf32, #tpu.memory_space<hbm>> -> memref<1000000x32xf32, #tpu.memory_space<hbm>>
      tpu.enqueue_indirect_dma source(%dma_start3A_694 : memref<1000000x32xf32, #tpu.memory_space<hbm>>) target(%dma_start3A_690 : memref<128x32xf32, #tpu.memory_space<vmem>>) offsets(%dma_start3A_691 : memref<128xi32, #tpu.memory_space<vmem>>) semaphore(%arg10 : memref<!tpu.dma_semaphore, #tpu.memory_space<semaphore_mem>>)
      %add3A_695 = arith.constant 640 : i32
      %add3A_696 = arith.addi %mul3A_649, %add3A_695 : i32
      %dma_start3A_697 = arith.constant 640 : i32
      %dma_start3A_698 = arith.constant 0 : i32
      %dma_start3A_699 = tpu.memref_slice %arg7[%dma_start3A_697, %dma_start3A_698] : memref<800x32xf32, #tpu.memory_space<vmem>> -> memref<128x32xf32, #tpu.memory_space<vmem>>
      %dma_start3A_700 = tpu.memref_slice %arg5[%add3A_696] : memref<25600xi32, #tpu.memory_space<vmem>> -> memref<128xi32, #tpu.memory_space<vmem>>
      %dma_start3A_701 = arith.constant 0 : i32
      %dma_start3A_702 = arith.constant 0 : i32
      %dma_start3A_703 = tpu.memref_slice %arg2[%dma_start3A_701, %dma_start3A_702] : memref<1000000x32xf32, #tpu.memory_space<hbm>> -> memref<1000000x32xf32, #tpu.memory_space<hbm>>
      tpu.enqueue_indirect_dma source(%dma_start3A_703 : memref<1000000x32xf32, #tpu.memory_space<hbm>>) target(%dma_start3A_699 : memref<128x32xf32, #tpu.memory_space<vmem>>) offsets(%dma_start3A_700 : memref<128xi32, #tpu.memory_space<vmem>>) semaphore(%arg10 : memref<!tpu.dma_semaphore, #tpu.memory_space<semaphore_mem>>)
      %add3A_704 = arith.constant 768 : i32
      %add3A_705 = arith.addi %mul3A_649, %add3A_704 : i32
      %dma_start3A_706 = arith.constant 768 : i32
      %dma_start3A_707 = arith.constant 0 : i32
      %dma_start3A_708 = tpu.memref_slice %arg7[%dma_start3A_706, %dma_start3A_707] : memref<800x32xf32, #tpu.memory_space<vmem>> -> memref<32x32xf32, #tpu.memory_space<vmem>>
      %dma_start3A_709 = tpu.memref_slice %arg5[%add3A_705] : memref<25600xi32, #tpu.memory_space<vmem>> -> memref<32xi32, #tpu.memory_space<vmem>>
      %dma_start3A_710 = arith.constant 0 : i32
      %dma_start3A_711 = arith.constant 0 : i32
      %dma_start3A_712 = tpu.memref_slice %arg2[%dma_start3A_710, %dma_start3A_711] : memref<1000000x32xf32, #tpu.memory_space<hbm>> -> memref<1000000x32xf32, #tpu.memory_space<hbm>>
      tpu.enqueue_indirect_dma source(%dma_start3A_712 : memref<1000000x32xf32, #tpu.memory_space<hbm>>) target(%dma_start3A_708 : memref<32x32xf32, #tpu.memory_space<vmem>>) offsets(%dma_start3A_709 : memref<32xi32, #tpu.memory_space<vmem>>) semaphore(%arg10 : memref<!tpu.dma_semaphore, #tpu.memory_space<semaphore_mem>>)
    }
    %scan3A_120 = arith.constant 15 : i32
    %dma_wait3A = arith.constant 0 : i32
    %dma_wait3A_121 = arith.constant 0 : i32
    %dma_wait3A_122 = tpu.memref_slice %arg2[%dma_wait3A, %dma_wait3A_121] : memref<1000000x32xf32, #tpu.memory_space<hbm>> -> memref<800x32xf32, #tpu.memory_space<hbm>>
    %dma_wait3A_123 = arith.constant 0 : i32
    %dma_wait3A_124 = arith.constant 0 : i32
    %dma_wait3A_125 = tpu.memref_slice %arg2[%dma_wait3A_123, %dma_wait3A_124] : memref<1000000x32xf32, #tpu.memory_space<hbm>> -> memref<800x32xf32, #tpu.memory_space<hbm>>
    tpu.wait_dma2 semaphore(%arg9 : memref<!tpu.dma_semaphore, #tpu.memory_space<semaphore_mem>>) src(%dma_wait3A_125 : memref<800x32xf32, #tpu.memory_space<hbm>>) dst(%arg6 : memref<800x32xf32, #tpu.memory_space<vmem>>)
    %broadcast_in_dim3A = arith.constant 0.000000e+00 : f32
    %broadcast_in_dim3A_126 = vector.broadcast %broadcast_in_dim3A : f32 to vector<16xf32>
    %scan3A_127 = arith.constant 0 : i32
    %scan3A_128 = arith.constant 50 : i32
    %scan3A_129 = arith.addi %scan3A_127, %scan3A_128 : i32
    %scan3A_130 = arith.constant 1 : i32
    %scan3A_131:8 = scf.for %scan3A_338 = %scan3A_127 to %scan3A_129 step %scan3A_130 iter_args(%scan3A_339 = %broadcast_in_dim3A_126, %scan3A_340 = %broadcast_in_dim3A_126, %scan3A_341 = %broadcast_in_dim3A_126, %scan3A_342 = %broadcast_in_dim3A_126, %scan3A_343 = %broadcast_in_dim3A_126, %scan3A_344 = %broadcast_in_dim3A_126, %scan3A_345 = %broadcast_in_dim3A_126, %scan3A_346 = %broadcast_in_dim3A_126) -> (vector<16xf32>, vector<16xf32>, vector<16xf32>, vector<16xf32>, vector<16xf32>, vector<16xf32>, vector<16xf32>, vector<16xf32>)  : i32 {
      %mul3A_347 = arith.constant 4 : i32
      %mul3A_348 = arith.muli %scan3A_338, %mul3A_347 : i32
      %add3A_349 = arith.constant 0 : i32
      %add3A_350 = arith.addi %add3A_349, %mul3A_348 : i32
      %get3A = arith.index_cast %add3A_350 : i32 to index
      %get3A_351 = arith.constant 0 : index
      %get3A_352 = tpu.vector_load %arg6[%get3A, %get3A_351] {strides = array<i32>} : memref<800x32xf32, #tpu.memory_space<vmem>>, vector<1x16xf32>,
      %get3A_353 = vector.shape_cast %get3A_352 : vector<1x16xf32> to vector<16xf32>
      %add3A_354 = arith.addf %scan3A_339, %get3A_353 : vector<16xf32>
      %get3A_355 = arith.index_cast %add3A_350 : i32 to index
      %get3A_356 = arith.constant 16 : index
      %get3A_357 = tpu.vector_load %arg6[%get3A_355, %get3A_356] {strides = array<i32>} : memref<800x32xf32, #tpu.memory_space<vmem>>, vector<1x16xf32>,
      %get3A_358 = vector.shape_cast %get3A_357 : vector<1x16xf32> to vector<16xf32>
      %add3A_359 = arith.addf %scan3A_340, %get3A_358 : vector<16xf32>
      %add3A_360 = arith.constant 1 : i32
      %add3A_361 = arith.addi %add3A_350, %add3A_360 : i32
      %get3A_362 = arith.index_cast %add3A_361 : i32 to index
      %get3A_363 = arith.constant 0 : index
      %get3A_364 = tpu.vector_load %arg6[%get3A_362, %get3A_363] {strides = array<i32>} : memref<800x32xf32, #tpu.memory_space<vmem>>, vector<1x16xf32>,
      %get3A_365 = vector.shape_cast %get3A_364 : vector<1x16xf32> to vector<16xf32>
      %add3A_366 = arith.addf %scan3A_341, %get3A_365 : vector<16xf32>
      %add3A_367 = arith.constant 1 : i32
      %add3A_368 = arith.addi %add3A_350, %add3A_367 : i32
      %get3A_369 = arith.index_cast %add3A_368 : i32 to index
      %get3A_370 = arith.constant 16 : index
      %get3A_371 = tpu.vector_load %arg6[%get3A_369, %get3A_370] {strides = array<i32>} : memref<800x32xf32, #tpu.memory_space<vmem>>, vector<1x16xf32>,
      %get3A_372 = vector.shape_cast %get3A_371 : vector<1x16xf32> to vector<16xf32>
      %add3A_373 = arith.addf %scan3A_342, %get3A_372 : vector<16xf32>
      %add3A_374 = arith.constant 2 : i32
      %add3A_375 = arith.addi %add3A_350, %add3A_374 : i32
      %get3A_376 = arith.index_cast %add3A_375 : i32 to index
      %get3A_377 = arith.constant 0 : index
      %get3A_378 = tpu.vector_load %arg6[%get3A_376, %get3A_377] {strides = array<i32>} : memref<800x32xf32, #tpu.memory_space<vmem>>, vector<1x16xf32>,
      %get3A_379 = vector.shape_cast %get3A_378 : vector<1x16xf32> to vector<16xf32>
      %add3A_380 = arith.addf %scan3A_343, %get3A_379 : vector<16xf32>
      %add3A_381 = arith.constant 2 : i32
      %add3A_382 = arith.addi %add3A_350, %add3A_381 : i32
      %get3A_383 = arith.index_cast %add3A_382 : i32 to index
      %get3A_384 = arith.constant 16 : index
      %get3A_385 = tpu.vector_load %arg6[%get3A_383, %get3A_384] {strides = array<i32>} : memref<800x32xf32, #tpu.memory_space<vmem>>, vector<1x16xf32>,
      %get3A_386 = vector.shape_cast %get3A_385 : vector<1x16xf32> to vector<16xf32>
      %add3A_387 = arith.addf %scan3A_344, %get3A_386 : vector<16xf32>
      %add3A_388 = arith.constant 3 : i32
      %add3A_389 = arith.addi %add3A_350, %add3A_388 : i32
      %get3A_390 = arith.index_cast %add3A_389 : i32 to index
      %get3A_391 = arith.constant 0 : index
      %get3A_392 = tpu.vector_load %arg6[%get3A_390, %get3A_391] {strides = array<i32>} : memref<800x32xf32, #tpu.memory_space<vmem>>, vector<1x16xf32>,
      %get3A_393 = vector.shape_cast %get3A_392 : vector<1x16xf32> to vector<16xf32>
      %add3A_394 = arith.addf %scan3A_345, %get3A_393 : vector<16xf32>
      %add3A_395 = arith.constant 3 : i32
      %add3A_396 = arith.addi %add3A_350, %add3A_395 : i32
      %get3A_397 = arith.index_cast %add3A_396 : i32 to index
      %get3A_398 = arith.constant 16 : index
      %get3A_399 = tpu.vector_load %arg6[%get3A_397, %get3A_398] {strides = array<i32>} : memref<800x32xf32, #tpu.memory_space<vmem>>, vector<1x16xf32>,
      %get3A_400 = vector.shape_cast %get3A_399 : vector<1x16xf32> to vector<16xf32>
      %add3A_401 = arith.addf %scan3A_346, %get3A_400 : vector<16xf32>
      scf.yield %add3A_354, %add3A_359, %add3A_366, %add3A_373, %add3A_380, %add3A_387, %add3A_394, %add3A_401 : vector<16xf32>, vector<16xf32>, vector<16xf32>, vector<16xf32>, vector<16xf32>, vector<16xf32>, vector<16xf32>, vector<16xf32>
    }
    %scan3A_132 = arith.constant 50 : i32
    %add3A_133 = arith.addf %scan3A_131#0, %scan3A_131#2 : vector<16xf32>
    %add3A_134 = arith.addf %scan3A_131#4, %scan3A_131#6 : vector<16xf32>
    %add3A_135 = arith.addf %add3A_133, %add3A_134 : vector<16xf32>
    %swap3A = arith.constant 120 : i32
    %swap3A_136 = arith.index_cast %swap3A : i32 to index
    %swap3A_137 = arith.constant 0 : index
    %swap3A_138 = tpu.vector_load %arg8[%swap3A_136, %swap3A_137] {strides = array<i32>} : memref<128x32xf32, #tpu.memory_space<vmem>>, vector<1x16xf32>,
    %swap3A_139 = vector.shape_cast %swap3A_138 : vector<1x16xf32> to vector<16xf32>
    %swap3A_140 = vector.shape_cast %add3A_135 : vector<16xf32> to vector<1x16xf32>
    tpu.vector_store %arg8[%swap3A_136, %swap3A_137], %swap3A_140 {strides = array<i32>} : memref<128x32xf32, #tpu.memory_space<vmem>>, vector<1x16xf32>,
    %add3A_141 = arith.addf %scan3A_131#1, %scan3A_131#3 : vector<16xf32>
    %add3A_142 = arith.addf %scan3A_131#5, %scan3A_131#7 : vector<16xf32>
    %add3A_143 = arith.addf %add3A_141, %add3A_142 : vector<16xf32>
    %swap3A_144 = arith.constant 120 : i32
    %swap3A_145 = arith.index_cast %swap3A_144 : i32 to index
    %swap3A_146 = arith.constant 16 : index
    %swap3A_147 = tpu.vector_load %arg8[%swap3A_145, %swap3A_146] {strides = array<i32>} : memref<128x32xf32, #tpu.memory_space<vmem>>, vector<1x16xf32>,
    %swap3A_148 = vector.shape_cast %swap3A_147 : vector<1x16xf32> to vector<16xf32>
    %swap3A_149 = vector.shape_cast %add3A_143 : vector<16xf32> to vector<1x16xf32>
    tpu.vector_store %arg8[%swap3A_145, %swap3A_146], %swap3A_149 {strides = array<i32>} : memref<128x32xf32, #tpu.memory_space<vmem>>, vector<1x16xf32>,
    %broadcast_in_dim3A_150 = arith.constant 0.000000e+00 : f32
    %broadcast_in_dim3A_151 = vector.broadcast %broadcast_in_dim3A_150 : f32 to vector<16xf32>
    %scan3A_152 = arith.constant 0 : i32
    %scan3A_153 = arith.constant 50 : i32
    %scan3A_154 = arith.addi %scan3A_152, %scan3A_153 : i32
    %scan3A_155 = arith.constant 1 : i32
    %scan3A_156:8 = scf.for %scan3A_338 = %scan3A_152 to %scan3A_154 step %scan3A_155 iter_args(%scan3A_339 = %broadcast_in_dim3A_151, %scan3A_340 = %broadcast_in_dim3A_151, %scan3A_341 = %broadcast_in_dim3A_151, %scan3A_342 = %broadcast_in_dim3A_151, %scan3A_343 = %broadcast_in_dim3A_151, %scan3A_344 = %broadcast_in_dim3A_151, %scan3A_345 = %broadcast_in_dim3A_151, %scan3A_346 = %broadcast_in_dim3A_151) -> (vector<16xf32>, vector<16xf32>, vector<16xf32>, vector<16xf32>, vector<16xf32>, vector<16xf32>, vector<16xf32>, vector<16xf32>)  : i32 {
      %mul3A_347 = arith.constant 4 : i32
      %mul3A_348 = arith.muli %scan3A_338, %mul3A_347 : i32
      %add3A_349 = arith.constant 200 : i32
      %add3A_350 = arith.addi %add3A_349, %mul3A_348 : i32
      %get3A = arith.index_cast %add3A_350 : i32 to index
      %get3A_351 = arith.constant 0 : index
      %get3A_352 = tpu.vector_load %arg6[%get3A, %get3A_351] {strides = array<i32>} : memref<800x32xf32, #tpu.memory_space<vmem>>, vector<1x16xf32>,
      %get3A_353 = vector.shape_cast %get3A_352 : vector<1x16xf32> to vector<16xf32>
      %add3A_354 = arith.addf %scan3A_339, %get3A_353 : vector<16xf32>
      %get3A_355 = arith.index_cast %add3A_350 : i32 to index
      %get3A_356 = arith.constant 16 : index
      %get3A_357 = tpu.vector_load %arg6[%get3A_355, %get3A_356] {strides = array<i32>} : memref<800x32xf32, #tpu.memory_space<vmem>>, vector<1x16xf32>,
      %get3A_358 = vector.shape_cast %get3A_357 : vector<1x16xf32> to vector<16xf32>
      %add3A_359 = arith.addf %scan3A_340, %get3A_358 : vector<16xf32>
      %add3A_360 = arith.constant 1 : i32
      %add3A_361 = arith.addi %add3A_350, %add3A_360 : i32
      %get3A_362 = arith.index_cast %add3A_361 : i32 to index
      %get3A_363 = arith.constant 0 : index
      %get3A_364 = tpu.vector_load %arg6[%get3A_362, %get3A_363] {strides = array<i32>} : memref<800x32xf32, #tpu.memory_space<vmem>>, vector<1x16xf32>,
      %get3A_365 = vector.shape_cast %get3A_364 : vector<1x16xf32> to vector<16xf32>
      %add3A_366 = arith.addf %scan3A_341, %get3A_365 : vector<16xf32>
      %add3A_367 = arith.constant 1 : i32
      %add3A_368 = arith.addi %add3A_350, %add3A_367 : i32
      %get3A_369 = arith.index_cast %add3A_368 : i32 to index
      %get3A_370 = arith.constant 16 : index
      %get3A_371 = tpu.vector_load %arg6[%get3A_369, %get3A_370] {strides = array<i32>} : memref<800x32xf32, #tpu.memory_space<vmem>>, vector<1x16xf32>,
      %get3A_372 = vector.shape_cast %get3A_371 : vector<1x16xf32> to vector<16xf32>
      %add3A_373 = arith.addf %scan3A_342, %get3A_372 : vector<16xf32>
      %add3A_374 = arith.constant 2 : i32
      %add3A_375 = arith.addi %add3A_350, %add3A_374 : i32
      %get3A_376 = arith.index_cast %add3A_375 : i32 to index
      %get3A_377 = arith.constant 0 : index
      %get3A_378 = tpu.vector_load %arg6[%get3A_376, %get3A_377] {strides = array<i32>} : memref<800x32xf32, #tpu.memory_space<vmem>>, vector<1x16xf32>,
      %get3A_379 = vector.shape_cast %get3A_378 : vector<1x16xf32> to vector<16xf32>
      %add3A_380 = arith.addf %scan3A_343, %get3A_379 : vector<16xf32>
      %add3A_381 = arith.constant 2 : i32
      %add3A_382 = arith.addi %add3A_350, %add3A_381 : i32
      %get3A_383 = arith.index_cast %add3A_382 : i32 to index
      %get3A_384 = arith.constant 16 : index
      %get3A_385 = tpu.vector_load %arg6[%get3A_383, %get3A_384] {strides = array<i32>} : memref<800x32xf32, #tpu.memory_space<vmem>>, vector<1x16xf32>,
      %get3A_386 = vector.shape_cast %get3A_385 : vector<1x16xf32> to vector<16xf32>
      %add3A_387 = arith.addf %scan3A_344, %get3A_386 : vector<16xf32>
      %add3A_388 = arith.constant 3 : i32
      %add3A_389 = arith.addi %add3A_350, %add3A_388 : i32
      %get3A_390 = arith.index_cast %add3A_389 : i32 to index
      %get3A_391 = arith.constant 0 : index
      %get3A_392 = tpu.vector_load %arg6[%get3A_390, %get3A_391] {strides = array<i32>} : memref<800x32xf32, #tpu.memory_space<vmem>>, vector<1x16xf32>,
      %get3A_393 = vector.shape_cast %get3A_392 : vector<1x16xf32> to vector<16xf32>
      %add3A_394 = arith.addf %scan3A_345, %get3A_393 : vector<16xf32>
      %add3A_395 = arith.constant 3 : i32
      %add3A_396 = arith.addi %add3A_350, %add3A_395 : i32
      %get3A_397 = arith.index_cast %add3A_396 : i32 to index
      %get3A_398 = arith.constant 16 : index
      %get3A_399 = tpu.vector_load %arg6[%get3A_397, %get3A_398] {strides = array<i32>} : memref<800x32xf32, #tpu.memory_space<vmem>>, vector<1x16xf32>,
      %get3A_400 = vector.shape_cast %get3A_399 : vector<1x16xf32> to vector<16xf32>
      %add3A_401 = arith.addf %scan3A_346, %get3A_400 : vector<16xf32>
      scf.yield %add3A_354, %add3A_359, %add3A_366, %add3A_373, %add3A_380, %add3A_387, %add3A_394, %add3A_401 : vector<16xf32>, vector<16xf32>, vector<16xf32>, vector<16xf32>, vector<16xf32>, vector<16xf32>, vector<16xf32>, vector<16xf32>
    }
    %scan3A_157 = arith.constant 50 : i32
    %add3A_158 = arith.addf %scan3A_156#0, %scan3A_156#2 : vector<16xf32>
    %add3A_159 = arith.addf %scan3A_156#4, %scan3A_156#6 : vector<16xf32>
    %add3A_160 = arith.addf %add3A_158, %add3A_159 : vector<16xf32>
    %swap3A_161 = arith.constant 121 : i32
    %swap3A_162 = arith.index_cast %swap3A_161 : i32 to index
    %swap3A_163 = arith.constant 0 : index
    %swap3A_164 = tpu.vector_load %arg8[%swap3A_162, %swap3A_163] {strides = array<i32>} : memref<128x32xf32, #tpu.memory_space<vmem>>, vector<1x16xf32>,
    %swap3A_165 = vector.shape_cast %swap3A_164 : vector<1x16xf32> to vector<16xf32>
    %swap3A_166 = vector.shape_cast %add3A_160 : vector<16xf32> to vector<1x16xf32>
    tpu.vector_store %arg8[%swap3A_162, %swap3A_163], %swap3A_166 {strides = array<i32>} : memref<128x32xf32, #tpu.memory_space<vmem>>, vector<1x16xf32>,
    %add3A_167 = arith.addf %scan3A_156#1, %scan3A_156#3 : vector<16xf32>
    %add3A_168 = arith.addf %scan3A_156#5, %scan3A_156#7 : vector<16xf32>
    %add3A_169 = arith.addf %add3A_167, %add3A_168 : vector<16xf32>
    %swap3A_170 = arith.constant 121 : i32
    %swap3A_171 = arith.index_cast %swap3A_170 : i32 to index
    %swap3A_172 = arith.constant 16 : index
    %swap3A_173 = tpu.vector_load %arg8[%swap3A_171, %swap3A_172] {strides = array<i32>} : memref<128x32xf32, #tpu.memory_space<vmem>>, vector<1x16xf32>,
    %swap3A_174 = vector.shape_cast %swap3A_173 : vector<1x16xf32> to vector<16xf32>
    %swap3A_175 = vector.shape_cast %add3A_169 : vector<16xf32> to vector<1x16xf32>
    tpu.vector_store %arg8[%swap3A_171, %swap3A_172], %swap3A_175 {strides = array<i32>} : memref<128x32xf32, #tpu.memory_space<vmem>>, vector<1x16xf32>,
    %broadcast_in_dim3A_176 = arith.constant 0.000000e+00 : f32
    %broadcast_in_dim3A_177 = vector.broadcast %broadcast_in_dim3A_176 : f32 to vector<16xf32>
    %scan3A_178 = arith.constant 0 : i32
    %scan3A_179 = arith.constant 50 : i32
    %scan3A_180 = arith.addi %scan3A_178, %scan3A_179 : i32
    %scan3A_181 = arith.constant 1 : i32
    %scan3A_182:8 = scf.for %scan3A_338 = %scan3A_178 to %scan3A_180 step %scan3A_181 iter_args(%scan3A_339 = %broadcast_in_dim3A_177, %scan3A_340 = %broadcast_in_dim3A_177, %scan3A_341 = %broadcast_in_dim3A_177, %scan3A_342 = %broadcast_in_dim3A_177, %scan3A_343 = %broadcast_in_dim3A_177, %scan3A_344 = %broadcast_in_dim3A_177, %scan3A_345 = %broadcast_in_dim3A_177, %scan3A_346 = %broadcast_in_dim3A_177) -> (vector<16xf32>, vector<16xf32>, vector<16xf32>, vector<16xf32>, vector<16xf32>, vector<16xf32>, vector<16xf32>, vector<16xf32>)  : i32 {
      %mul3A_347 = arith.constant 4 : i32
      %mul3A_348 = arith.muli %scan3A_338, %mul3A_347 : i32
      %add3A_349 = arith.constant 400 : i32
      %add3A_350 = arith.addi %add3A_349, %mul3A_348 : i32
      %get3A = arith.index_cast %add3A_350 : i32 to index
      %get3A_351 = arith.constant 0 : index
      %get3A_352 = tpu.vector_load %arg6[%get3A, %get3A_351] {strides = array<i32>} : memref<800x32xf32, #tpu.memory_space<vmem>>, vector<1x16xf32>,
      %get3A_353 = vector.shape_cast %get3A_352 : vector<1x16xf32> to vector<16xf32>
      %add3A_354 = arith.addf %scan3A_339, %get3A_353 : vector<16xf32>
      %get3A_355 = arith.index_cast %add3A_350 : i32 to index
      %get3A_356 = arith.constant 16 : index
      %get3A_357 = tpu.vector_load %arg6[%get3A_355, %get3A_356] {strides = array<i32>} : memref<800x32xf32, #tpu.memory_space<vmem>>, vector<1x16xf32>,
      %get3A_358 = vector.shape_cast %get3A_357 : vector<1x16xf32> to vector<16xf32>
      %add3A_359 = arith.addf %scan3A_340, %get3A_358 : vector<16xf32>
      %add3A_360 = arith.constant 1 : i32
      %add3A_361 = arith.addi %add3A_350, %add3A_360 : i32
      %get3A_362 = arith.index_cast %add3A_361 : i32 to index
      %get3A_363 = arith.constant 0 : index
      %get3A_364 = tpu.vector_load %arg6[%get3A_362, %get3A_363] {strides = array<i32>} : memref<800x32xf32, #tpu.memory_space<vmem>>, vector<1x16xf32>,
      %get3A_365 = vector.shape_cast %get3A_364 : vector<1x16xf32> to vector<16xf32>
      %add3A_366 = arith.addf %scan3A_341, %get3A_365 : vector<16xf32>
      %add3A_367 = arith.constant 1 : i32
      %add3A_368 = arith.addi %add3A_350, %add3A_367 : i32
      %get3A_369 = arith.index_cast %add3A_368 : i32 to index
      %get3A_370 = arith.constant 16 : index
      %get3A_371 = tpu.vector_load %arg6[%get3A_369, %get3A_370] {strides = array<i32>} : memref<800x32xf32, #tpu.memory_space<vmem>>, vector<1x16xf32>,
      %get3A_372 = vector.shape_cast %get3A_371 : vector<1x16xf32> to vector<16xf32>
      %add3A_373 = arith.addf %scan3A_342, %get3A_372 : vector<16xf32>
      %add3A_374 = arith.constant 2 : i32
      %add3A_375 = arith.addi %add3A_350, %add3A_374 : i32
      %get3A_376 = arith.index_cast %add3A_375 : i32 to index
      %get3A_377 = arith.constant 0 : index
      %get3A_378 = tpu.vector_load %arg6[%get3A_376, %get3A_377] {strides = array<i32>} : memref<800x32xf32, #tpu.memory_space<vmem>>, vector<1x16xf32>,
      %get3A_379 = vector.shape_cast %get3A_378 : vector<1x16xf32> to vector<16xf32>
      %add3A_380 = arith.addf %scan3A_343, %get3A_379 : vector<16xf32>
      %add3A_381 = arith.constant 2 : i32
      %add3A_382 = arith.addi %add3A_350, %add3A_381 : i32
      %get3A_383 = arith.index_cast %add3A_382 : i32 to index
      %get3A_384 = arith.constant 16 : index
      %get3A_385 = tpu.vector_load %arg6[%get3A_383, %get3A_384] {strides = array<i32>} : memref<800x32xf32, #tpu.memory_space<vmem>>, vector<1x16xf32>,
      %get3A_386 = vector.shape_cast %get3A_385 : vector<1x16xf32> to vector<16xf32>
      %add3A_387 = arith.addf %scan3A_344, %get3A_386 : vector<16xf32>
      %add3A_388 = arith.constant 3 : i32
      %add3A_389 = arith.addi %add3A_350, %add3A_388 : i32
      %get3A_390 = arith.index_cast %add3A_389 : i32 to index
      %get3A_391 = arith.constant 0 : index
      %get3A_392 = tpu.vector_load %arg6[%get3A_390, %get3A_391] {strides = array<i32>} : memref<800x32xf32, #tpu.memory_space<vmem>>, vector<1x16xf32>,
      %get3A_393 = vector.shape_cast %get3A_392 : vector<1x16xf32> to vector<16xf32>
      %add3A_394 = arith.addf %scan3A_345, %get3A_393 : vector<16xf32>
      %add3A_395 = arith.constant 3 : i32
      %add3A_396 = arith.addi %add3A_350, %add3A_395 : i32
      %get3A_397 = arith.index_cast %add3A_396 : i32 to index
      %get3A_398 = arith.constant 16 : index
      %get3A_399 = tpu.vector_load %arg6[%get3A_397, %get3A_398] {strides = array<i32>} : memref<800x32xf32, #tpu.memory_space<vmem>>, vector<1x16xf32>,
      %get3A_400 = vector.shape_cast %get3A_399 : vector<1x16xf32> to vector<16xf32>
      %add3A_401 = arith.addf %scan3A_346, %get3A_400 : vector<16xf32>
      scf.yield %add3A_354, %add3A_359, %add3A_366, %add3A_373, %add3A_380, %add3A_387, %add3A_394, %add3A_401 : vector<16xf32>, vector<16xf32>, vector<16xf32>, vector<16xf32>, vector<16xf32>, vector<16xf32>, vector<16xf32>, vector<16xf32>
    }
    %scan3A_183 = arith.constant 50 : i32
    %add3A_184 = arith.addf %scan3A_182#0, %scan3A_182#2 : vector<16xf32>
    %add3A_185 = arith.addf %scan3A_182#4, %scan3A_182#6 : vector<16xf32>
    %add3A_186 = arith.addf %add3A_184, %add3A_185 : vector<16xf32>
    %swap3A_187 = arith.constant 122 : i32
    %swap3A_188 = arith.index_cast %swap3A_187 : i32 to index
    %swap3A_189 = arith.constant 0 : index
    %swap3A_190 = tpu.vector_load %arg8[%swap3A_188, %swap3A_189] {strides = array<i32>} : memref<128x32xf32, #tpu.memory_space<vmem>>, vector<1x16xf32>,
    %swap3A_191 = vector.shape_cast %swap3A_190 : vector<1x16xf32> to vector<16xf32>
    %swap3A_192 = vector.shape_cast %add3A_186 : vector<16xf32> to vector<1x16xf32>
    tpu.vector_store %arg8[%swap3A_188, %swap3A_189], %swap3A_192 {strides = array<i32>} : memref<128x32xf32, #tpu.memory_space<vmem>>, vector<1x16xf32>,
    %add3A_193 = arith.addf %scan3A_182#1, %scan3A_182#3 : vector<16xf32>
    %add3A_194 = arith.addf %scan3A_182#5, %scan3A_182#7 : vector<16xf32>
    %add3A_195 = arith.addf %add3A_193, %add3A_194 : vector<16xf32>
    %swap3A_196 = arith.constant 122 : i32
    %swap3A_197 = arith.index_cast %swap3A_196 : i32 to index
    %swap3A_198 = arith.constant 16 : index
    %swap3A_199 = tpu.vector_load %arg8[%swap3A_197, %swap3A_198] {strides = array<i32>} : memref<128x32xf32, #tpu.memory_space<vmem>>, vector<1x16xf32>,
    %swap3A_200 = vector.shape_cast %swap3A_199 : vector<1x16xf32> to vector<16xf32>
    %swap3A_201 = vector.shape_cast %add3A_195 : vector<16xf32> to vector<1x16xf32>
    tpu.vector_store %arg8[%swap3A_197, %swap3A_198], %swap3A_201 {strides = array<i32>} : memref<128x32xf32, #tpu.memory_space<vmem>>, vector<1x16xf32>,
    %broadcast_in_dim3A_202 = arith.constant 0.000000e+00 : f32
    %broadcast_in_dim3A_203 = vector.broadcast %broadcast_in_dim3A_202 : f32 to vector<16xf32>
    %scan3A_204 = arith.constant 0 : i32
    %scan3A_205 = arith.constant 50 : i32
    %scan3A_206 = arith.addi %scan3A_204, %scan3A_205 : i32
    %scan3A_207 = arith.constant 1 : i32
    %scan3A_208:8 = scf.for %scan3A_338 = %scan3A_204 to %scan3A_206 step %scan3A_207 iter_args(%scan3A_339 = %broadcast_in_dim3A_203, %scan3A_340 = %broadcast_in_dim3A_203, %scan3A_341 = %broadcast_in_dim3A_203, %scan3A_342 = %broadcast_in_dim3A_203, %scan3A_343 = %broadcast_in_dim3A_203, %scan3A_344 = %broadcast_in_dim3A_203, %scan3A_345 = %broadcast_in_dim3A_203, %scan3A_346 = %broadcast_in_dim3A_203) -> (vector<16xf32>, vector<16xf32>, vector<16xf32>, vector<16xf32>, vector<16xf32>, vector<16xf32>, vector<16xf32>, vector<16xf32>)  : i32 {
      %mul3A_347 = arith.constant 4 : i32
      %mul3A_348 = arith.muli %scan3A_338, %mul3A_347 : i32
      %add3A_349 = arith.constant 600 : i32
      %add3A_350 = arith.addi %add3A_349, %mul3A_348 : i32
      %get3A = arith.index_cast %add3A_350 : i32 to index
      %get3A_351 = arith.constant 0 : index
      %get3A_352 = tpu.vector_load %arg6[%get3A, %get3A_351] {strides = array<i32>} : memref<800x32xf32, #tpu.memory_space<vmem>>, vector<1x16xf32>,
      %get3A_353 = vector.shape_cast %get3A_352 : vector<1x16xf32> to vector<16xf32>
      %add3A_354 = arith.addf %scan3A_339, %get3A_353 : vector<16xf32>
      %get3A_355 = arith.index_cast %add3A_350 : i32 to index
      %get3A_356 = arith.constant 16 : index
      %get3A_357 = tpu.vector_load %arg6[%get3A_355, %get3A_356] {strides = array<i32>} : memref<800x32xf32, #tpu.memory_space<vmem>>, vector<1x16xf32>,
      %get3A_358 = vector.shape_cast %get3A_357 : vector<1x16xf32> to vector<16xf32>
      %add3A_359 = arith.addf %scan3A_340, %get3A_358 : vector<16xf32>
      %add3A_360 = arith.constant 1 : i32
      %add3A_361 = arith.addi %add3A_350, %add3A_360 : i32
      %get3A_362 = arith.index_cast %add3A_361 : i32 to index
      %get3A_363 = arith.constant 0 : index
      %get3A_364 = tpu.vector_load %arg6[%get3A_362, %get3A_363] {strides = array<i32>} : memref<800x32xf32, #tpu.memory_space<vmem>>, vector<1x16xf32>,
      %get3A_365 = vector.shape_cast %get3A_364 : vector<1x16xf32> to vector<16xf32>
      %add3A_366 = arith.addf %scan3A_341, %get3A_365 : vector<16xf32>
      %add3A_367 = arith.constant 1 : i32
      %add3A_368 = arith.addi %add3A_350, %add3A_367 : i32
      %get3A_369 = arith.index_cast %add3A_368 : i32 to index
      %get3A_370 = arith.constant 16 : index
      %get3A_371 = tpu.vector_load %arg6[%get3A_369, %get3A_370] {strides = array<i32>} : memref<800x32xf32, #tpu.memory_space<vmem>>, vector<1x16xf32>,
      %get3A_372 = vector.shape_cast %get3A_371 : vector<1x16xf32> to vector<16xf32>
      %add3A_373 = arith.addf %scan3A_342, %get3A_372 : vector<16xf32>
      %add3A_374 = arith.constant 2 : i32
      %add3A_375 = arith.addi %add3A_350, %add3A_374 : i32
      %get3A_376 = arith.index_cast %add3A_375 : i32 to index
      %get3A_377 = arith.constant 0 : index
      %get3A_378 = tpu.vector_load %arg6[%get3A_376, %get3A_377] {strides = array<i32>} : memref<800x32xf32, #tpu.memory_space<vmem>>, vector<1x16xf32>,
      %get3A_379 = vector.shape_cast %get3A_378 : vector<1x16xf32> to vector<16xf32>
      %add3A_380 = arith.addf %scan3A_343, %get3A_379 : vector<16xf32>
      %add3A_381 = arith.constant 2 : i32
      %add3A_382 = arith.addi %add3A_350, %add3A_381 : i32
      %get3A_383 = arith.index_cast %add3A_382 : i32 to index
      %get3A_384 = arith.constant 16 : index
      %get3A_385 = tpu.vector_load %arg6[%get3A_383, %get3A_384] {strides = array<i32>} : memref<800x32xf32, #tpu.memory_space<vmem>>, vector<1x16xf32>,
      %get3A_386 = vector.shape_cast %get3A_385 : vector<1x16xf32> to vector<16xf32>
      %add3A_387 = arith.addf %scan3A_344, %get3A_386 : vector<16xf32>
      %add3A_388 = arith.constant 3 : i32
      %add3A_389 = arith.addi %add3A_350, %add3A_388 : i32
      %get3A_390 = arith.index_cast %add3A_389 : i32 to index
      %get3A_391 = arith.constant 0 : index
      %get3A_392 = tpu.vector_load %arg6[%get3A_390, %get3A_391] {strides = array<i32>} : memref<800x32xf32, #tpu.memory_space<vmem>>, vector<1x16xf32>,
      %get3A_393 = vector.shape_cast %get3A_392 : vector<1x16xf32> to vector<16xf32>
      %add3A_394 = arith.addf %scan3A_345, %get3A_393 : vector<16xf32>
      %add3A_395 = arith.constant 3 : i32
      %add3A_396 = arith.addi %add3A_350, %add3A_395 : i32
      %get3A_397 = arith.index_cast %add3A_396 : i32 to index
      %get3A_398 = arith.constant 16 : index
      %get3A_399 = tpu.vector_load %arg6[%get3A_397, %get3A_398] {strides = array<i32>} : memref<800x32xf32, #tpu.memory_space<vmem>>, vector<1x16xf32>,
      %get3A_400 = vector.shape_cast %get3A_399 : vector<1x16xf32> to vector<16xf32>
      %add3A_401 = arith.addf %scan3A_346, %get3A_400 : vector<16xf32>
      scf.yield %add3A_354, %add3A_359, %add3A_366, %add3A_373, %add3A_380, %add3A_387, %add3A_394, %add3A_401 : vector<16xf32>, vector<16xf32>, vector<16xf32>, vector<16xf32>, vector<16xf32>, vector<16xf32>, vector<16xf32>, vector<16xf32>
    }
    %scan3A_209 = arith.constant 50 : i32
    %add3A_210 = arith.addf %scan3A_208#0, %scan3A_208#2 : vector<16xf32>
    %add3A_211 = arith.addf %scan3A_208#4, %scan3A_208#6 : vector<16xf32>
    %add3A_212 = arith.addf %add3A_210, %add3A_211 : vector<16xf32>
    %swap3A_213 = arith.constant 123 : i32
    %swap3A_214 = arith.index_cast %swap3A_213 : i32 to index
    %swap3A_215 = arith.constant 0 : index
    %swap3A_216 = tpu.vector_load %arg8[%swap3A_214, %swap3A_215] {strides = array<i32>} : memref<128x32xf32, #tpu.memory_space<vmem>>, vector<1x16xf32>,
    %swap3A_217 = vector.shape_cast %swap3A_216 : vector<1x16xf32> to vector<16xf32>
    %swap3A_218 = vector.shape_cast %add3A_212 : vector<16xf32> to vector<1x16xf32>
    tpu.vector_store %arg8[%swap3A_214, %swap3A_215], %swap3A_218 {strides = array<i32>} : memref<128x32xf32, #tpu.memory_space<vmem>>, vector<1x16xf32>,
    %add3A_219 = arith.addf %scan3A_208#1, %scan3A_208#3 : vector<16xf32>
    %add3A_220 = arith.addf %scan3A_208#5, %scan3A_208#7 : vector<16xf32>
    %add3A_221 = arith.addf %add3A_219, %add3A_220 : vector<16xf32>
    %swap3A_222 = arith.constant 123 : i32
    %swap3A_223 = arith.index_cast %swap3A_222 : i32 to index
    %swap3A_224 = arith.constant 16 : index
    %swap3A_225 = tpu.vector_load %arg8[%swap3A_223, %swap3A_224] {strides = array<i32>} : memref<128x32xf32, #tpu.memory_space<vmem>>, vector<1x16xf32>,
    %swap3A_226 = vector.shape_cast %swap3A_225 : vector<1x16xf32> to vector<16xf32>
    %swap3A_227 = vector.shape_cast %add3A_221 : vector<16xf32> to vector<1x16xf32>
    tpu.vector_store %arg8[%swap3A_223, %swap3A_224], %swap3A_227 {strides = array<i32>} : memref<128x32xf32, #tpu.memory_space<vmem>>, vector<1x16xf32>,
    %dma_wait3A_228 = arith.constant 0 : i32
    %dma_wait3A_229 = arith.constant 0 : i32
    %dma_wait3A_230 = tpu.memref_slice %arg2[%dma_wait3A_228, %dma_wait3A_229] : memref<1000000x32xf32, #tpu.memory_space<hbm>> -> memref<800x32xf32, #tpu.memory_space<hbm>>
    %dma_wait3A_231 = arith.constant 0 : i32
    %dma_wait3A_232 = arith.constant 0 : i32
    %dma_wait3A_233 = tpu.memref_slice %arg2[%dma_wait3A_231, %dma_wait3A_232] : memref<1000000x32xf32, #tpu.memory_space<hbm>> -> memref<800x32xf32, #tpu.memory_space<hbm>>
    tpu.wait_dma2 semaphore(%arg10 : memref<!tpu.dma_semaphore, #tpu.memory_space<semaphore_mem>>) src(%dma_wait3A_233 : memref<800x32xf32, #tpu.memory_space<hbm>>) dst(%arg7 : memref<800x32xf32, #tpu.memory_space<vmem>>)
    %broadcast_in_dim3A_234 = arith.constant 0.000000e+00 : f32
    %broadcast_in_dim3A_235 = vector.broadcast %broadcast_in_dim3A_234 : f32 to vector<16xf32>
    %scan3A_236 = arith.constant 0 : i32
    %scan3A_237 = arith.constant 50 : i32
    %scan3A_238 = arith.addi %scan3A_236, %scan3A_237 : i32
    %scan3A_239 = arith.constant 1 : i32
    %scan3A_240:8 = scf.for %scan3A_338 = %scan3A_236 to %scan3A_238 step %scan3A_239 iter_args(%scan3A_339 = %broadcast_in_dim3A_235, %scan3A_340 = %broadcast_in_dim3A_235, %scan3A_341 = %broadcast_in_dim3A_235, %scan3A_342 = %broadcast_in_dim3A_235, %scan3A_343 = %broadcast_in_dim3A_235, %scan3A_344 = %broadcast_in_dim3A_235, %scan3A_345 = %broadcast_in_dim3A_235, %scan3A_346 = %broadcast_in_dim3A_235) -> (vector<16xf32>, vector<16xf32>, vector<16xf32>, vector<16xf32>, vector<16xf32>, vector<16xf32>, vector<16xf32>, vector<16xf32>)  : i32 {
      %mul3A_347 = arith.constant 4 : i32
      %mul3A_348 = arith.muli %scan3A_338, %mul3A_347 : i32
      %add3A_349 = arith.constant 0 : i32
      %add3A_350 = arith.addi %add3A_349, %mul3A_348 : i32
      %get3A = arith.index_cast %add3A_350 : i32 to index
      %get3A_351 = arith.constant 0 : index
      %get3A_352 = tpu.vector_load %arg7[%get3A, %get3A_351] {strides = array<i32>} : memref<800x32xf32, #tpu.memory_space<vmem>>, vector<1x16xf32>,
      %get3A_353 = vector.shape_cast %get3A_352 : vector<1x16xf32> to vector<16xf32>
      %add3A_354 = arith.addf %scan3A_339, %get3A_353 : vector<16xf32>
      %get3A_355 = arith.index_cast %add3A_350 : i32 to index
      %get3A_356 = arith.constant 16 : index
      %get3A_357 = tpu.vector_load %arg7[%get3A_355, %get3A_356] {strides = array<i32>} : memref<800x32xf32, #tpu.memory_space<vmem>>, vector<1x16xf32>,
      %get3A_358 = vector.shape_cast %get3A_357 : vector<1x16xf32> to vector<16xf32>
      %add3A_359 = arith.addf %scan3A_340, %get3A_358 : vector<16xf32>
      %add3A_360 = arith.constant 1 : i32
      %add3A_361 = arith.addi %add3A_350, %add3A_360 : i32
      %get3A_362 = arith.index_cast %add3A_361 : i32 to index
      %get3A_363 = arith.constant 0 : index
      %get3A_364 = tpu.vector_load %arg7[%get3A_362, %get3A_363] {strides = array<i32>} : memref<800x32xf32, #tpu.memory_space<vmem>>, vector<1x16xf32>,
      %get3A_365 = vector.shape_cast %get3A_364 : vector<1x16xf32> to vector<16xf32>
      %add3A_366 = arith.addf %scan3A_341, %get3A_365 : vector<16xf32>
      %add3A_367 = arith.constant 1 : i32
      %add3A_368 = arith.addi %add3A_350, %add3A_367 : i32
      %get3A_369 = arith.index_cast %add3A_368 : i32 to index
      %get3A_370 = arith.constant 16 : index
      %get3A_371 = tpu.vector_load %arg7[%get3A_369, %get3A_370] {strides = array<i32>} : memref<800x32xf32, #tpu.memory_space<vmem>>, vector<1x16xf32>,
      %get3A_372 = vector.shape_cast %get3A_371 : vector<1x16xf32> to vector<16xf32>
      %add3A_373 = arith.addf %scan3A_342, %get3A_372 : vector<16xf32>
      %add3A_374 = arith.constant 2 : i32
      %add3A_375 = arith.addi %add3A_350, %add3A_374 : i32
      %get3A_376 = arith.index_cast %add3A_375 : i32 to index
      %get3A_377 = arith.constant 0 : index
      %get3A_378 = tpu.vector_load %arg7[%get3A_376, %get3A_377] {strides = array<i32>} : memref<800x32xf32, #tpu.memory_space<vmem>>, vector<1x16xf32>,
      %get3A_379 = vector.shape_cast %get3A_378 : vector<1x16xf32> to vector<16xf32>
      %add3A_380 = arith.addf %scan3A_343, %get3A_379 : vector<16xf32>
      %add3A_381 = arith.constant 2 : i32
      %add3A_382 = arith.addi %add3A_350, %add3A_381 : i32
      %get3A_383 = arith.index_cast %add3A_382 : i32 to index
      %get3A_384 = arith.constant 16 : index
      %get3A_385 = tpu.vector_load %arg7[%get3A_383, %get3A_384] {strides = array<i32>} : memref<800x32xf32, #tpu.memory_space<vmem>>, vector<1x16xf32>,
      %get3A_386 = vector.shape_cast %get3A_385 : vector<1x16xf32> to vector<16xf32>
      %add3A_387 = arith.addf %scan3A_344, %get3A_386 : vector<16xf32>
      %add3A_388 = arith.constant 3 : i32
      %add3A_389 = arith.addi %add3A_350, %add3A_388 : i32
      %get3A_390 = arith.index_cast %add3A_389 : i32 to index
      %get3A_391 = arith.constant 0 : index
      %get3A_392 = tpu.vector_load %arg7[%get3A_390, %get3A_391] {strides = array<i32>} : memref<800x32xf32, #tpu.memory_space<vmem>>, vector<1x16xf32>,
      %get3A_393 = vector.shape_cast %get3A_392 : vector<1x16xf32> to vector<16xf32>
      %add3A_394 = arith.addf %scan3A_345, %get3A_393 : vector<16xf32>
      %add3A_395 = arith.constant 3 : i32
      %add3A_396 = arith.addi %add3A_350, %add3A_395 : i32
      %get3A_397 = arith.index_cast %add3A_396 : i32 to index
      %get3A_398 = arith.constant 16 : index
      %get3A_399 = tpu.vector_load %arg7[%get3A_397, %get3A_398] {strides = array<i32>} : memref<800x32xf32, #tpu.memory_space<vmem>>, vector<1x16xf32>,
      %get3A_400 = vector.shape_cast %get3A_399 : vector<1x16xf32> to vector<16xf32>
      %add3A_401 = arith.addf %scan3A_346, %get3A_400 : vector<16xf32>
      scf.yield %add3A_354, %add3A_359, %add3A_366, %add3A_373, %add3A_380, %add3A_387, %add3A_394, %add3A_401 : vector<16xf32>, vector<16xf32>, vector<16xf32>, vector<16xf32>, vector<16xf32>, vector<16xf32>, vector<16xf32>, vector<16xf32>
    }
    %scan3A_241 = arith.constant 50 : i32
    %add3A_242 = arith.addf %scan3A_240#0, %scan3A_240#2 : vector<16xf32>
    %add3A_243 = arith.addf %scan3A_240#4, %scan3A_240#6 : vector<16xf32>
    %add3A_244 = arith.addf %add3A_242, %add3A_243 : vector<16xf32>
    %swap3A_245 = arith.constant 124 : i32
    %swap3A_246 = arith.index_cast %swap3A_245 : i32 to index
    %swap3A_247 = arith.constant 0 : index
    %swap3A_248 = tpu.vector_load %arg8[%swap3A_246, %swap3A_247] {strides = array<i32>} : memref<128x32xf32, #tpu.memory_space<vmem>>, vector<1x16xf32>,
    %swap3A_249 = vector.shape_cast %swap3A_248 : vector<1x16xf32> to vector<16xf32>
    %swap3A_250 = vector.shape_cast %add3A_244 : vector<16xf32> to vector<1x16xf32>
    tpu.vector_store %arg8[%swap3A_246, %swap3A_247], %swap3A_250 {strides = array<i32>} : memref<128x32xf32, #tpu.memory_space<vmem>>, vector<1x16xf32>,
    %add3A_251 = arith.addf %scan3A_240#1, %scan3A_240#3 : vector<16xf32>
    %add3A_252 = arith.addf %scan3A_240#5, %scan3A_240#7 : vector<16xf32>
    %add3A_253 = arith.addf %add3A_251, %add3A_252 : vector<16xf32>
    %swap3A_254 = arith.constant 124 : i32
    %swap3A_255 = arith.index_cast %swap3A_254 : i32 to index
    %swap3A_256 = arith.constant 16 : index
    %swap3A_257 = tpu.vector_load %arg8[%swap3A_255, %swap3A_256] {strides = array<i32>} : memref<128x32xf32, #tpu.memory_space<vmem>>, vector<1x16xf32>,
    %swap3A_258 = vector.shape_cast %swap3A_257 : vector<1x16xf32> to vector<16xf32>
    %swap3A_259 = vector.shape_cast %add3A_253 : vector<16xf32> to vector<1x16xf32>
    tpu.vector_store %arg8[%swap3A_255, %swap3A_256], %swap3A_259 {strides = array<i32>} : memref<128x32xf32, #tpu.memory_space<vmem>>, vector<1x16xf32>,
    %broadcast_in_dim3A_260 = arith.constant 0.000000e+00 : f32
    %broadcast_in_dim3A_261 = vector.broadcast %broadcast_in_dim3A_260 : f32 to vector<16xf32>
    %scan3A_262 = arith.constant 0 : i32
    %scan3A_263 = arith.constant 50 : i32
    %scan3A_264 = arith.addi %scan3A_262, %scan3A_263 : i32
    %scan3A_265 = arith.constant 1 : i32
    %scan3A_266:8 = scf.for %scan3A_338 = %scan3A_262 to %scan3A_264 step %scan3A_265 iter_args(%scan3A_339 = %broadcast_in_dim3A_261, %scan3A_340 = %broadcast_in_dim3A_261, %scan3A_341 = %broadcast_in_dim3A_261, %scan3A_342 = %broadcast_in_dim3A_261, %scan3A_343 = %broadcast_in_dim3A_261, %scan3A_344 = %broadcast_in_dim3A_261, %scan3A_345 = %broadcast_in_dim3A_261, %scan3A_346 = %broadcast_in_dim3A_261) -> (vector<16xf32>, vector<16xf32>, vector<16xf32>, vector<16xf32>, vector<16xf32>, vector<16xf32>, vector<16xf32>, vector<16xf32>)  : i32 {
      %mul3A_347 = arith.constant 4 : i32
      %mul3A_348 = arith.muli %scan3A_338, %mul3A_347 : i32
      %add3A_349 = arith.constant 200 : i32
      %add3A_350 = arith.addi %add3A_349, %mul3A_348 : i32
      %get3A = arith.index_cast %add3A_350 : i32 to index
      %get3A_351 = arith.constant 0 : index
      %get3A_352 = tpu.vector_load %arg7[%get3A, %get3A_351] {strides = array<i32>} : memref<800x32xf32, #tpu.memory_space<vmem>>, vector<1x16xf32>,
      %get3A_353 = vector.shape_cast %get3A_352 : vector<1x16xf32> to vector<16xf32>
      %add3A_354 = arith.addf %scan3A_339, %get3A_353 : vector<16xf32>
      %get3A_355 = arith.index_cast %add3A_350 : i32 to index
      %get3A_356 = arith.constant 16 : index
      %get3A_357 = tpu.vector_load %arg7[%get3A_355, %get3A_356] {strides = array<i32>} : memref<800x32xf32, #tpu.memory_space<vmem>>, vector<1x16xf32>,
      %get3A_358 = vector.shape_cast %get3A_357 : vector<1x16xf32> to vector<16xf32>
      %add3A_359 = arith.addf %scan3A_340, %get3A_358 : vector<16xf32>
      %add3A_360 = arith.constant 1 : i32
      %add3A_361 = arith.addi %add3A_350, %add3A_360 : i32
      %get3A_362 = arith.index_cast %add3A_361 : i32 to index
      %get3A_363 = arith.constant 0 : index
      %get3A_364 = tpu.vector_load %arg7[%get3A_362, %get3A_363] {strides = array<i32>} : memref<800x32xf32, #tpu.memory_space<vmem>>, vector<1x16xf32>,
      %get3A_365 = vector.shape_cast %get3A_364 : vector<1x16xf32> to vector<16xf32>
      %add3A_366 = arith.addf %scan3A_341, %get3A_365 : vector<16xf32>
      %add3A_367 = arith.constant 1 : i32
      %add3A_368 = arith.addi %add3A_350, %add3A_367 : i32
      %get3A_369 = arith.index_cast %add3A_368 : i32 to index
      %get3A_370 = arith.constant 16 : index
      %get3A_371 = tpu.vector_load %arg7[%get3A_369, %get3A_370] {strides = array<i32>} : memref<800x32xf32, #tpu.memory_space<vmem>>, vector<1x16xf32>,
      %get3A_372 = vector.shape_cast %get3A_371 : vector<1x16xf32> to vector<16xf32>
      %add3A_373 = arith.addf %scan3A_342, %get3A_372 : vector<16xf32>
      %add3A_374 = arith.constant 2 : i32
      %add3A_375 = arith.addi %add3A_350, %add3A_374 : i32
      %get3A_376 = arith.index_cast %add3A_375 : i32 to index
      %get3A_377 = arith.constant 0 : index
      %get3A_378 = tpu.vector_load %arg7[%get3A_376, %get3A_377] {strides = array<i32>} : memref<800x32xf32, #tpu.memory_space<vmem>>, vector<1x16xf32>,
      %get3A_379 = vector.shape_cast %get3A_378 : vector<1x16xf32> to vector<16xf32>
      %add3A_380 = arith.addf %scan3A_343, %get3A_379 : vector<16xf32>
      %add3A_381 = arith.constant 2 : i32
      %add3A_382 = arith.addi %add3A_350, %add3A_381 : i32
      %get3A_383 = arith.index_cast %add3A_382 : i32 to index
      %get3A_384 = arith.constant 16 : index
      %get3A_385 = tpu.vector_load %arg7[%get3A_383, %get3A_384] {strides = array<i32>} : memref<800x32xf32, #tpu.memory_space<vmem>>, vector<1x16xf32>,
      %get3A_386 = vector.shape_cast %get3A_385 : vector<1x16xf32> to vector<16xf32>
      %add3A_387 = arith.addf %scan3A_344, %get3A_386 : vector<16xf32>
      %add3A_388 = arith.constant 3 : i32
      %add3A_389 = arith.addi %add3A_350, %add3A_388 : i32
      %get3A_390 = arith.index_cast %add3A_389 : i32 to index
      %get3A_391 = arith.constant 0 : index
      %get3A_392 = tpu.vector_load %arg7[%get3A_390, %get3A_391] {strides = array<i32>} : memref<800x32xf32, #tpu.memory_space<vmem>>, vector<1x16xf32>,
      %get3A_393 = vector.shape_cast %get3A_392 : vector<1x16xf32> to vector<16xf32>
      %add3A_394 = arith.addf %scan3A_345, %get3A_393 : vector<16xf32>
      %add3A_395 = arith.constant 3 : i32
      %add3A_396 = arith.addi %add3A_350, %add3A_395 : i32
      %get3A_397 = arith.index_cast %add3A_396 : i32 to index
      %get3A_398 = arith.constant 16 : index
      %get3A_399 = tpu.vector_load %arg7[%get3A_397, %get3A_398] {strides = array<i32>} : memref<800x32xf32, #tpu.memory_space<vmem>>, vector<1x16xf32>,
      %get3A_400 = vector.shape_cast %get3A_399 : vector<1x16xf32> to vector<16xf32>
      %add3A_401 = arith.addf %scan3A_346, %get3A_400 : vector<16xf32>
      scf.yield %add3A_354, %add3A_359, %add3A_366, %add3A_373, %add3A_380, %add3A_387, %add3A_394, %add3A_401 : vector<16xf32>, vector<16xf32>, vector<16xf32>, vector<16xf32>, vector<16xf32>, vector<16xf32>, vector<16xf32>, vector<16xf32>
    }
    %scan3A_267 = arith.constant 50 : i32
    %add3A_268 = arith.addf %scan3A_266#0, %scan3A_266#2 : vector<16xf32>
    %add3A_269 = arith.addf %scan3A_266#4, %scan3A_266#6 : vector<16xf32>
    %add3A_270 = arith.addf %add3A_268, %add3A_269 : vector<16xf32>
    %swap3A_271 = arith.constant 125 : i32
    %swap3A_272 = arith.index_cast %swap3A_271 : i32 to index
    %swap3A_273 = arith.constant 0 : index
    %swap3A_274 = tpu.vector_load %arg8[%swap3A_272, %swap3A_273] {strides = array<i32>} : memref<128x32xf32, #tpu.memory_space<vmem>>, vector<1x16xf32>,
    %swap3A_275 = vector.shape_cast %swap3A_274 : vector<1x16xf32> to vector<16xf32>
    %swap3A_276 = vector.shape_cast %add3A_270 : vector<16xf32> to vector<1x16xf32>
    tpu.vector_store %arg8[%swap3A_272, %swap3A_273], %swap3A_276 {strides = array<i32>} : memref<128x32xf32, #tpu.memory_space<vmem>>, vector<1x16xf32>,
    %add3A_277 = arith.addf %scan3A_266#1, %scan3A_266#3 : vector<16xf32>
    %add3A_278 = arith.addf %scan3A_266#5, %scan3A_266#7 : vector<16xf32>
    %add3A_279 = arith.addf %add3A_277, %add3A_278 : vector<16xf32>
    %swap3A_280 = arith.constant 125 : i32
    %swap3A_281 = arith.index_cast %swap3A_280 : i32 to index
    %swap3A_282 = arith.constant 16 : index
    %swap3A_283 = tpu.vector_load %arg8[%swap3A_281, %swap3A_282] {strides = array<i32>} : memref<128x32xf32, #tpu.memory_space<vmem>>, vector<1x16xf32>,
    %swap3A_284 = vector.shape_cast %swap3A_283 : vector<1x16xf32> to vector<16xf32>
    %swap3A_285 = vector.shape_cast %add3A_279 : vector<16xf32> to vector<1x16xf32>
    tpu.vector_store %arg8[%swap3A_281, %swap3A_282], %swap3A_285 {strides = array<i32>} : memref<128x32xf32, #tpu.memory_space<vmem>>, vector<1x16xf32>,
    %broadcast_in_dim3A_286 = arith.constant 0.000000e+00 : f32
    %broadcast_in_dim3A_287 = vector.broadcast %broadcast_in_dim3A_286 : f32 to vector<16xf32>
    %scan3A_288 = arith.constant 0 : i32
    %scan3A_289 = arith.constant 50 : i32
    %scan3A_290 = arith.addi %scan3A_288, %scan3A_289 : i32
    %scan3A_291 = arith.constant 1 : i32
    %scan3A_292:8 = scf.for %scan3A_338 = %scan3A_288 to %scan3A_290 step %scan3A_291 iter_args(%scan3A_339 = %broadcast_in_dim3A_287, %scan3A_340 = %broadcast_in_dim3A_287, %scan3A_341 = %broadcast_in_dim3A_287, %scan3A_342 = %broadcast_in_dim3A_287, %scan3A_343 = %broadcast_in_dim3A_287, %scan3A_344 = %broadcast_in_dim3A_287, %scan3A_345 = %broadcast_in_dim3A_287, %scan3A_346 = %broadcast_in_dim3A_287) -> (vector<16xf32>, vector<16xf32>, vector<16xf32>, vector<16xf32>, vector<16xf32>, vector<16xf32>, vector<16xf32>, vector<16xf32>)  : i32 {
      %mul3A_347 = arith.constant 4 : i32
      %mul3A_348 = arith.muli %scan3A_338, %mul3A_347 : i32
      %add3A_349 = arith.constant 400 : i32
      %add3A_350 = arith.addi %add3A_349, %mul3A_348 : i32
      %get3A = arith.index_cast %add3A_350 : i32 to index
      %get3A_351 = arith.constant 0 : index
      %get3A_352 = tpu.vector_load %arg7[%get3A, %get3A_351] {strides = array<i32>} : memref<800x32xf32, #tpu.memory_space<vmem>>, vector<1x16xf32>,
      %get3A_353 = vector.shape_cast %get3A_352 : vector<1x16xf32> to vector<16xf32>
      %add3A_354 = arith.addf %scan3A_339, %get3A_353 : vector<16xf32>
      %get3A_355 = arith.index_cast %add3A_350 : i32 to index
      %get3A_356 = arith.constant 16 : index
      %get3A_357 = tpu.vector_load %arg7[%get3A_355, %get3A_356] {strides = array<i32>} : memref<800x32xf32, #tpu.memory_space<vmem>>, vector<1x16xf32>,
      %get3A_358 = vector.shape_cast %get3A_357 : vector<1x16xf32> to vector<16xf32>
      %add3A_359 = arith.addf %scan3A_340, %get3A_358 : vector<16xf32>
      %add3A_360 = arith.constant 1 : i32
      %add3A_361 = arith.addi %add3A_350, %add3A_360 : i32
      %get3A_362 = arith.index_cast %add3A_361 : i32 to index
      %get3A_363 = arith.constant 0 : index
      %get3A_364 = tpu.vector_load %arg7[%get3A_362, %get3A_363] {strides = array<i32>} : memref<800x32xf32, #tpu.memory_space<vmem>>, vector<1x16xf32>,
      %get3A_365 = vector.shape_cast %get3A_364 : vector<1x16xf32> to vector<16xf32>
      %add3A_366 = arith.addf %scan3A_341, %get3A_365 : vector<16xf32>
      %add3A_367 = arith.constant 1 : i32
      %add3A_368 = arith.addi %add3A_350, %add3A_367 : i32
      %get3A_369 = arith.index_cast %add3A_368 : i32 to index
      %get3A_370 = arith.constant 16 : index
      %get3A_371 = tpu.vector_load %arg7[%get3A_369, %get3A_370] {strides = array<i32>} : memref<800x32xf32, #tpu.memory_space<vmem>>, vector<1x16xf32>,
      %get3A_372 = vector.shape_cast %get3A_371 : vector<1x16xf32> to vector<16xf32>
      %add3A_373 = arith.addf %scan3A_342, %get3A_372 : vector<16xf32>
      %add3A_374 = arith.constant 2 : i32
      %add3A_375 = arith.addi %add3A_350, %add3A_374 : i32
      %get3A_376 = arith.index_cast %add3A_375 : i32 to index
      %get3A_377 = arith.constant 0 : index
      %get3A_378 = tpu.vector_load %arg7[%get3A_376, %get3A_377] {strides = array<i32>} : memref<800x32xf32, #tpu.memory_space<vmem>>, vector<1x16xf32>,
      %get3A_379 = vector.shape_cast %get3A_378 : vector<1x16xf32> to vector<16xf32>
      %add3A_380 = arith.addf %scan3A_343, %get3A_379 : vector<16xf32>
      %add3A_381 = arith.constant 2 : i32
      %add3A_382 = arith.addi %add3A_350, %add3A_381 : i32
      %get3A_383 = arith.index_cast %add3A_382 : i32 to index
      %get3A_384 = arith.constant 16 : index
      %get3A_385 = tpu.vector_load %arg7[%get3A_383, %get3A_384] {strides = array<i32>} : memref<800x32xf32, #tpu.memory_space<vmem>>, vector<1x16xf32>,
      %get3A_386 = vector.shape_cast %get3A_385 : vector<1x16xf32> to vector<16xf32>
      %add3A_387 = arith.addf %scan3A_344, %get3A_386 : vector<16xf32>
      %add3A_388 = arith.constant 3 : i32
      %add3A_389 = arith.addi %add3A_350, %add3A_388 : i32
      %get3A_390 = arith.index_cast %add3A_389 : i32 to index
      %get3A_391 = arith.constant 0 : index
      %get3A_392 = tpu.vector_load %arg7[%get3A_390, %get3A_391] {strides = array<i32>} : memref<800x32xf32, #tpu.memory_space<vmem>>, vector<1x16xf32>,
      %get3A_393 = vector.shape_cast %get3A_392 : vector<1x16xf32> to vector<16xf32>
      %add3A_394 = arith.addf %scan3A_345, %get3A_393 : vector<16xf32>
      %add3A_395 = arith.constant 3 : i32
      %add3A_396 = arith.addi %add3A_350, %add3A_395 : i32
      %get3A_397 = arith.index_cast %add3A_396 : i32 to index
      %get3A_398 = arith.constant 16 : index
      %get3A_399 = tpu.vector_load %arg7[%get3A_397, %get3A_398] {strides = array<i32>} : memref<800x32xf32, #tpu.memory_space<vmem>>, vector<1x16xf32>,
      %get3A_400 = vector.shape_cast %get3A_399 : vector<1x16xf32> to vector<16xf32>
      %add3A_401 = arith.addf %scan3A_346, %get3A_400 : vector<16xf32>
      scf.yield %add3A_354, %add3A_359, %add3A_366, %add3A_373, %add3A_380, %add3A_387, %add3A_394, %add3A_401 : vector<16xf32>, vector<16xf32>, vector<16xf32>, vector<16xf32>, vector<16xf32>, vector<16xf32>, vector<16xf32>, vector<16xf32>
    }
    %scan3A_293 = arith.constant 50 : i32
    %add3A_294 = arith.addf %scan3A_292#0, %scan3A_292#2 : vector<16xf32>
    %add3A_295 = arith.addf %scan3A_292#4, %scan3A_292#6 : vector<16xf32>
    %add3A_296 = arith.addf %add3A_294, %add3A_295 : vector<16xf32>
    %swap3A_297 = arith.constant 126 : i32
    %swap3A_298 = arith.index_cast %swap3A_297 : i32 to index
    %swap3A_299 = arith.constant 0 : index
    %swap3A_300 = tpu.vector_load %arg8[%swap3A_298, %swap3A_299] {strides = array<i32>} : memref<128x32xf32, #tpu.memory_space<vmem>>, vector<1x16xf32>,
    %swap3A_301 = vector.shape_cast %swap3A_300 : vector<1x16xf32> to vector<16xf32>
    %swap3A_302 = vector.shape_cast %add3A_296 : vector<16xf32> to vector<1x16xf32>
    tpu.vector_store %arg8[%swap3A_298, %swap3A_299], %swap3A_302 {strides = array<i32>} : memref<128x32xf32, #tpu.memory_space<vmem>>, vector<1x16xf32>,
    %add3A_303 = arith.addf %scan3A_292#1, %scan3A_292#3 : vector<16xf32>
    %add3A_304 = arith.addf %scan3A_292#5, %scan3A_292#7 : vector<16xf32>
    %add3A_305 = arith.addf %add3A_303, %add3A_304 : vector<16xf32>
    %swap3A_306 = arith.constant 126 : i32
    %swap3A_307 = arith.index_cast %swap3A_306 : i32 to index
    %swap3A_308 = arith.constant 16 : index
    %swap3A_309 = tpu.vector_load %arg8[%swap3A_307, %swap3A_308] {strides = array<i32>} : memref<128x32xf32, #tpu.memory_space<vmem>>, vector<1x16xf32>,
    %swap3A_310 = vector.shape_cast %swap3A_309 : vector<1x16xf32> to vector<16xf32>
    %swap3A_311 = vector.shape_cast %add3A_305 : vector<16xf32> to vector<1x16xf32>
    tpu.vector_store %arg8[%swap3A_307, %swap3A_308], %swap3A_311 {strides = array<i32>} : memref<128x32xf32, #tpu.memory_space<vmem>>, vector<1x16xf32>,
    %broadcast_in_dim3A_312 = arith.constant 0.000000e+00 : f32
    %broadcast_in_dim3A_313 = vector.broadcast %broadcast_in_dim3A_312 : f32 to vector<16xf32>
    %scan3A_314 = arith.constant 0 : i32
    %scan3A_315 = arith.constant 50 : i32
    %scan3A_316 = arith.addi %scan3A_314, %scan3A_315 : i32
    %scan3A_317 = arith.constant 1 : i32
    %scan3A_318:8 = scf.for %scan3A_338 = %scan3A_314 to %scan3A_316 step %scan3A_317 iter_args(%scan3A_339 = %broadcast_in_dim3A_313, %scan3A_340 = %broadcast_in_dim3A_313, %scan3A_341 = %broadcast_in_dim3A_313, %scan3A_342 = %broadcast_in_dim3A_313, %scan3A_343 = %broadcast_in_dim3A_313, %scan3A_344 = %broadcast_in_dim3A_313, %scan3A_345 = %broadcast_in_dim3A_313, %scan3A_346 = %broadcast_in_dim3A_313) -> (vector<16xf32>, vector<16xf32>, vector<16xf32>, vector<16xf32>, vector<16xf32>, vector<16xf32>, vector<16xf32>, vector<16xf32>)  : i32 {
      %mul3A_347 = arith.constant 4 : i32
      %mul3A_348 = arith.muli %scan3A_338, %mul3A_347 : i32
      %add3A_349 = arith.constant 600 : i32
      %add3A_350 = arith.addi %add3A_349, %mul3A_348 : i32
      %get3A = arith.index_cast %add3A_350 : i32 to index
      %get3A_351 = arith.constant 0 : index
      %get3A_352 = tpu.vector_load %arg7[%get3A, %get3A_351] {strides = array<i32>} : memref<800x32xf32, #tpu.memory_space<vmem>>, vector<1x16xf32>,
      %get3A_353 = vector.shape_cast %get3A_352 : vector<1x16xf32> to vector<16xf32>
      %add3A_354 = arith.addf %scan3A_339, %get3A_353 : vector<16xf32>
      %get3A_355 = arith.index_cast %add3A_350 : i32 to index
      %get3A_356 = arith.constant 16 : index
      %get3A_357 = tpu.vector_load %arg7[%get3A_355, %get3A_356] {strides = array<i32>} : memref<800x32xf32, #tpu.memory_space<vmem>>, vector<1x16xf32>,
      %get3A_358 = vector.shape_cast %get3A_357 : vector<1x16xf32> to vector<16xf32>
      %add3A_359 = arith.addf %scan3A_340, %get3A_358 : vector<16xf32>
      %add3A_360 = arith.constant 1 : i32
      %add3A_361 = arith.addi %add3A_350, %add3A_360 : i32
      %get3A_362 = arith.index_cast %add3A_361 : i32 to index
      %get3A_363 = arith.constant 0 : index
      %get3A_364 = tpu.vector_load %arg7[%get3A_362, %get3A_363] {strides = array<i32>} : memref<800x32xf32, #tpu.memory_space<vmem>>, vector<1x16xf32>,
      %get3A_365 = vector.shape_cast %get3A_364 : vector<1x16xf32> to vector<16xf32>
      %add3A_366 = arith.addf %scan3A_341, %get3A_365 : vector<16xf32>
      %add3A_367 = arith.constant 1 : i32
      %add3A_368 = arith.addi %add3A_350, %add3A_367 : i32
      %get3A_369 = arith.index_cast %add3A_368 : i32 to index
      %get3A_370 = arith.constant 16 : index
      %get3A_371 = tpu.vector_load %arg7[%get3A_369, %get3A_370] {strides = array<i32>} : memref<800x32xf32, #tpu.memory_space<vmem>>, vector<1x16xf32>,
      %get3A_372 = vector.shape_cast %get3A_371 : vector<1x16xf32> to vector<16xf32>
      %add3A_373 = arith.addf %scan3A_342, %get3A_372 : vector<16xf32>
      %add3A_374 = arith.constant 2 : i32
      %add3A_375 = arith.addi %add3A_350, %add3A_374 : i32
      %get3A_376 = arith.index_cast %add3A_375 : i32 to index
      %get3A_377 = arith.constant 0 : index
      %get3A_378 = tpu.vector_load %arg7[%get3A_376, %get3A_377] {strides = array<i32>} : memref<800x32xf32, #tpu.memory_space<vmem>>, vector<1x16xf32>,
      %get3A_379 = vector.shape_cast %get3A_378 : vector<1x16xf32> to vector<16xf32>
      %add3A_380 = arith.addf %scan3A_343, %get3A_379 : vector<16xf32>
      %add3A_381 = arith.constant 2 : i32
      %add3A_382 = arith.addi %add3A_350, %add3A_381 : i32
      %get3A_383 = arith.index_cast %add3A_382 : i32 to index
      %get3A_384 = arith.constant 16 : index
      %get3A_385 = tpu.vector_load %arg7[%get3A_383, %get3A_384] {strides = array<i32>} : memref<800x32xf32, #tpu.memory_space<vmem>>, vector<1x16xf32>,
      %get3A_386 = vector.shape_cast %get3A_385 : vector<1x16xf32> to vector<16xf32>
      %add3A_387 = arith.addf %scan3A_344, %get3A_386 : vector<16xf32>
      %add3A_388 = arith.constant 3 : i32
      %add3A_389 = arith.addi %add3A_350, %add3A_388 : i32
      %get3A_390 = arith.index_cast %add3A_389 : i32 to index
      %get3A_391 = arith.constant 0 : index
      %get3A_392 = tpu.vector_load %arg7[%get3A_390, %get3A_391] {strides = array<i32>} : memref<800x32xf32, #tpu.memory_space<vmem>>, vector<1x16xf32>,
      %get3A_393 = vector.shape_cast %get3A_392 : vector<1x16xf32> to vector<16xf32>
      %add3A_394 = arith.addf %scan3A_345, %get3A_393 : vector<16xf32>
      %add3A_395 = arith.constant 3 : i32
      %add3A_396 = arith.addi %add3A_350, %add3A_395 : i32
      %get3A_397 = arith.index_cast %add3A_396 : i32 to index
      %get3A_398 = arith.constant 16 : index
      %get3A_399 = tpu.vector_load %arg7[%get3A_397, %get3A_398] {strides = array<i32>} : memref<800x32xf32, #tpu.memory_space<vmem>>, vector<1x16xf32>,
      %get3A_400 = vector.shape_cast %get3A_399 : vector<1x16xf32> to vector<16xf32>
      %add3A_401 = arith.addf %scan3A_346, %get3A_400 : vector<16xf32>
      scf.yield %add3A_354, %add3A_359, %add3A_366, %add3A_373, %add3A_380, %add3A_387, %add3A_394, %add3A_401 : vector<16xf32>, vector<16xf32>, vector<16xf32>, vector<16xf32>, vector<16xf32>, vector<16xf32>, vector<16xf32>, vector<16xf32>
    }
    %scan3A_319 = arith.constant 50 : i32
    %add3A_320 = arith.addf %scan3A_318#0, %scan3A_318#2 : vector<16xf32>
    %add3A_321 = arith.addf %scan3A_318#4, %scan3A_318#6 : vector<16xf32>
    %add3A_322 = arith.addf %add3A_320, %add3A_321 : vector<16xf32>
    %swap3A_323 = arith.constant 127 : i32
    %swap3A_324 = arith.index_cast %swap3A_323 : i32 to index
    %swap3A_325 = arith.constant 0 : index
    %swap3A_326 = tpu.vector_load %arg8[%swap3A_324, %swap3A_325] {strides = array<i32>} : memref<128x32xf32, #tpu.memory_space<vmem>>, vector<1x16xf32>,
    %swap3A_327 = vector.shape_cast %swap3A_326 : vector<1x16xf32> to vector<16xf32>
    %swap3A_328 = vector.shape_cast %add3A_322 : vector<16xf32> to vector<1x16xf32>
    tpu.vector_store %arg8[%swap3A_324, %swap3A_325], %swap3A_328 {strides = array<i32>} : memref<128x32xf32, #tpu.memory_space<vmem>>, vector<1x16xf32>,
    %add3A_329 = arith.addf %scan3A_318#1, %scan3A_318#3 : vector<16xf32>
    %add3A_330 = arith.addf %scan3A_318#5, %scan3A_318#7 : vector<16xf32>
    %add3A_331 = arith.addf %add3A_329, %add3A_330 : vector<16xf32>
    %swap3A_332 = arith.constant 127 : i32
    %swap3A_333 = arith.index_cast %swap3A_332 : i32 to index
    %swap3A_334 = arith.constant 16 : index
    %swap3A_335 = tpu.vector_load %arg8[%swap3A_333, %swap3A_334] {strides = array<i32>} : memref<128x32xf32, #tpu.memory_space<vmem>>, vector<1x16xf32>,
    %swap3A_336 = vector.shape_cast %swap3A_335 : vector<1x16xf32> to vector<16xf32>
    %swap3A_337 = vector.shape_cast %add3A_331 : vector<16xf32> to vector<1x16xf32>
    tpu.vector_store %arg8[%swap3A_333, %swap3A_334], %swap3A_337 {strides = array<i32>} : memref<128x32xf32, #tpu.memory_space<vmem>>, vector<1x16xf32>,
    "tpu.region"() ({
      %run_scoped3A = tpu.sem_alloc : memref<!tpu.dma_semaphore, #tpu.memory_space<semaphore_mem>>
      %dma_start3A_338 = arith.constant 0 : i32
      %dma_start3A_339 = tpu.memref_slice %arg4[%mul3A_2, %dma_start3A_338] : memref<4096x32xf32, #tpu.memory_space<hbm>> -> memref<128x32xf32, #tpu.memory_space<hbm>>
      %dma_start3A_340 = arith.constant 0 : i32
      %dma_start3A_341 = tpu.memref_slice %arg4[%mul3A_2, %dma_start3A_340] : memref<4096x32xf32, #tpu.memory_space<hbm>> -> memref<128x32xf32, #tpu.memory_space<hbm>>
      tpu.enqueue_dma source(%arg8 : memref<128x32xf32, #tpu.memory_space<vmem>>) target(%dma_start3A_341 : memref<128x32xf32, #tpu.memory_space<hbm>>) target_semaphore(%run_scoped3A : memref<!tpu.dma_semaphore, #tpu.memory_space<semaphore_mem>>)
      %dma_wait3A_342 = arith.constant 0 : i32
      %dma_wait3A_343 = tpu.memref_slice %arg4[%mul3A_2, %dma_wait3A_342] : memref<4096x32xf32, #tpu.memory_space<hbm>> -> memref<128x32xf32, #tpu.memory_space<hbm>>
      %dma_wait3A_344 = arith.constant 0 : i32
      %dma_wait3A_345 = tpu.memref_slice %arg4[%mul3A_2, %dma_wait3A_344] : memref<4096x32xf32, #tpu.memory_space<hbm>> -> memref<128x32xf32, #tpu.memory_space<hbm>>
      tpu.wait_dma2 semaphore(%run_scoped3A : memref<!tpu.dma_semaphore, #tpu.memory_space<semaphore_mem>>) src(%arg8 : memref<128x32xf32, #tpu.memory_space<vmem>>) dst(%dma_wait3A_345 : memref<128x32xf32, #tpu.memory_space<hbm>>)
      tpu.yield
    }) : () -> ()
    return
  }
}

module attributes {stable_mosaic.version = 14 : i64} {
  func.func @_proj_body(%arg0: memref<4096x32xf32, #tpu.memory_space<vmem>>, %arg1: memref<32x2xf32, #tpu.memory_space<vmem>>, %arg2: memref<1x2xf32, #tpu.memory_space<vmem>>, %arg3: memref<4096x2xf32, #tpu.memory_space<vmem>>) attributes {dimension_semantics = [], scalar_prefetch = 0 : i64, scratch_operands = 0 : i64, tpu.core_type = #tpu.core_type<tc>} {
    %get3A = arith.constant 0 : index
    %get3A_0 = arith.constant 0 : index
    %get3A_1 = vector.load %arg0[%get3A, %get3A_0] : memref<4096x32xf32, #tpu.memory_space<vmem>>, vector<4096x32xf32>
    %get3A_2 = arith.constant 0 : index
    %get3A_3 = arith.constant 0 : index
    %get3A_4 = vector.load %arg1[%get3A_2, %get3A_3] : memref<32x2xf32, #tpu.memory_space<vmem>>, vector<32x2xf32>
    %dot_general3A = arith.constant dense<0.000000e+00> : vector<4096x2xf32>
    %dot_general3A_5 = tpu.matmul %get3A_1, %get3A_4, %dot_general3A {dimension_numbers = #tpu.dot_dimension_numbers<[1], [0], [0], [1], [0, 0, 1, 1], [], []>, transpose_lhs_hint = false} : vector<4096x32xf32>, vector<32x2xf32>, vector<4096x2xf32> -> vector<4096x2xf32>
    %get3A_6 = arith.constant 0 : index
    %get3A_7 = arith.constant 0 : index
    %get3A_8 = vector.load %arg2[%get3A_6, %get3A_7] : memref<1x2xf32, #tpu.memory_space<vmem>>, vector<1x2xf32>
    %add3A = vector.broadcast %get3A_8 : vector<1x2xf32> to vector<4096x2xf32>
    %add3A_9 = arith.addf %dot_general3A_5, %add3A : vector<4096x2xf32>
    %swap3A = arith.constant 0 : index
    %swap3A_10 = arith.constant 0 : index
    %swap3A_11 = vector.load %arg3[%swap3A, %swap3A_10] : memref<4096x2xf32, #tpu.memory_space<vmem>>, vector<4096x2xf32>
    tpu.vector_store %arg3[%swap3A, %swap3A_10], %add3A_9 {strides = array<i32>} : memref<4096x2xf32, #tpu.memory_space<vmem>>, vector<4096x2xf32>,
    return
  }
}

</mosaic_0001>

<sc_bundles>
// kernel: kernel.4.cloned.1.call-start
scs
__scs_entry_jumppad:
0x0: {  	(pc) =	sbr.rel $0x88, $3  }
0x1: {  	(tag) =	ssettag $0x0;
	lr =	simm.s32 $0x1  }
0x2: {  	[smem:$0x3F9D] =	sst lr;
	_ =	strace $0xD0000000  }
0x3: {  	_ = 	snop  }
0x4: {  	_ = 	snop  }
0x5: {  	_ = 	snop  }
0x6: {  	_ = 	snop  }
0x7: {  	_ = 	snop  }
__scs_overlays_trampoline_lowered:
0x8: {  	[smem:$0x3FAC] =	sst s0  }
0x9: {  	[smem:$0x3FAD] =	sst s1  }
0xa: {  	[smem:$0x3FAE] =	sst s2  }
0xb: {  	[smem:$0x3FAF] =	sst s3  }
0xc: {  	[smem:$0x3FB0] =	sst s4  }
0xd: {  	[smem:$0x3FB1] =	sst s5  }
0xe: {  	[smem:$0x3FB2] =	sst s6  }
0xf: {  	[smem:$0x3FB3] =	sst s7  }
0x10: {  	[smem:$0x3FB4] =	sst s8  }
0x11: {  	[smem:$0x3FB5] =	sst s9;
	s0 =	simm.s32 @!p0 $0x0  }
0x12: {  	s1 =	sld [smem:$0x3F9B];
	s0 =	simm.s32 @p0 $0x1  }
0x13: {  	[smem:$0x3FB6] =	sst s0;
	s0 =	simm.s32 @!p1 $0x0  }
0x14: {  	s2 =	sld [smem:$0x3F9A];
	s0 =	simm.s32 @p1 $0x1  }
0x15: {  	[smem:$0x3FB7] =	sst s0;
	s0 =	simm.s32 @!p2 $0x0  }
0x16: {  	s3 =	sld [smem:$0x3FDB];
	s0 =	simm.s32 @p2 $0x1  }
0x17: {  	s4 =	simm.s32 $0x1BF5;
	[smem:$0x3FB9] =	sst s0  }
0x18: {  	s0 =	sld [smem:$0x3F9C];
	_ =	swait.ge [sflag:s4], $0x0  }
0x19: {  	s7 =	sld [smem:$0x3F9D]  }
0x1a: {  	s8 =	sadd.s32 $0xFFFFE003, lr  }
0x1b: {  	s9 =	sadd.s32 $0xFFFFFEF7, lr;
	s5 =	simm.s32 $0xFFFFFFFF;
	p2 =	slt.u32 s8, $0xFFFFF086  }
0x1c: {  	p1 =	slt.u32 s9, $0xF7A;
	s5 =	simm.s32 @!p2 $0x0  }
0x1d: {  	s5 =	simm.s32 @p1 $0x1;
	p0 =	seq.s32 s7, s2  }
0x1e: {  	s7 =	smul.u32 @!p0 $0xF7A, s2;
	p2 =	seq.s32 @!p0 s5, $0x0  }
0x1f: {  	s9 =	smul.u32 $0xF7A, s1;
	s8 =	simm.s32 @!p0 $0x1BF5;
	p2 =	por !p2, p0  }
0x20: {  	[sflag:s8] =	ssyncset.s32 @!p0 $0xFFFFF086;
	s6 =	sadd.s32 @!p0 s3, s7;
	s7 =	simm.s32 @!p0 $0x108  }
0x21: {  	s3 =	sadd.s32 s3, s9;
	s6 =	sadd.s32 @!p0 $0x88, s6;
	s7 =	simm.s32 @p2 $0x1082  }
0x22: {  	[simem:s7], [sflag:s8] =	dma.local @!p0 [hbm:s6], $0xF7A  }
0x23: {  	s9 =	sor.u32 $0xD0000000, s2;
	s6 =	simm.s32 $0x108;
	_ =	swait.ge @!p0 [sflag:s8], $0x0  }
0x24: {  	s3 =	sadd.s32 $0x88, s3;
	s6 =	simm.s32 @!p1 $0x1082;
	[sflag:s4] =	ssyncset.s32 $0xFFFFF086  }
0x25: {  	[simem:s6], [sflag:s4] =	dma.local [hbm:s3], $0xF7A  }
0x26: {  	[smem:$0x3F9D] =	sst s1;
	(tag) =	ssettag s2;
	_ =	strace s9  }
0x27: {  	s1 =	sld [smem:$0x3FAD]  }
0x28: {  	s2 =	sld [smem:$0x3FAE]  }
0x29: {  	s4 =	sld [smem:$0x3FB0]  }
0x2a: {  	p0 =	seq.s32 s5, $0x0;
	s5 =	sld [smem:$0x3FB1]  }
0x2b: {  	s6 =	sld [smem:$0x3FB2]  }
0x2c: {  	s7 =	sld [smem:$0x3FB3]  }
0x2d: {  	s3 =	simm.s32 $0x108;
	s8 =	sld [smem:$0x3FB4]  }
0x2e: {  	s3 =	simm.s32 @!p0 $0x1082;
	s9 =	sld [smem:$0x3FB5]  }
0x2f: {  	lr =	sadd.s32 s0, s3;
	s0 =	sld [smem:$0x3FAC]  }
0x30: {  	s3 =	sld [smem:$0x3FAF]  }
0x31: {  	[smem:$0x3FB8] =	sst s10  }
0x32: {  	s10 =	sld [smem:$0x3FB6];
	_ =	sdelay $0x3  }
0x33: {  	p0 =	seq.s32 s10, $0x1;
	s10 =	sld [smem:$0x3FB8];
	_ =	sdelay $0x3  }
0x34: {  	[smem:$0x3FB8] =	sst s10  }
0x35: {  	s10 =	sld [smem:$0x3FB7];
	_ =	sdelay $0x3  }
0x36: {  	p1 =	seq.s32 s10, $0x1;
	s10 =	sld [smem:$0x3FB8];
	_ =	sdelay $0x3  }
0x37: {  	[smem:$0x3FB8] =	sst s10  }
0x38: {  	s10 =	sld [smem:$0x3FB9]  }
0x39: {  	_ = 	snop;
	(pc) =	sbr.ind lr, $3  }
0x3a: {  	_ = 	snop  }
0x3b: {  	_ = 	snop  }
0x3c: {  	p2 =	seq.s32 s10, $0x1;
	s10 =	sld [smem:$0x3FB8]  }
0x3d: {  	_ =	shalt  }
0x3e: {  	_ =	shalt  }
0x3f: {  	_ =	shalt  }
0x40: {  	_ =	shalt  }
0x41: {  	_ =	shalt  }
0x42: {  	_ =	shalt  }
0x43: {  	_ =	shalt  }
0x44: {  	_ =	shalt  }
0x45: {  	_ =	shalt  }
0x46: {  	_ =	shalt  }
0x47: {  	_ =	shalt  }
0x48: {  	_ =	shalt  }
0x49: {  	_ =	shalt  }
0x4a: {  	_ =	shalt  }
0x4b: {  	_ =	shalt  }
0x4c: {  	_ =	shalt  }
0x4d: {  	_ =	shalt  }
0x4e: {  	_ =	shalt  }
0x4f: {  	_ =	shalt  }
0x50: {  	_ =	shalt  }
0x51: {  	_ =	shalt  }
0x52: {  	_ =	shalt  }
0x53: {  	_ =	shalt  }
0x54: {  	_ =	shalt  }
0x55: {  	_ =	shalt  }
0x56: {  	_ =	shalt  }
0x57: {  	_ =	shalt  }
0x58: {  	_ =	shalt  }
0x59: {  	_ =	shalt  }
0x5a: {  	_ =	shalt  }
0x5b: {  	_ =	shalt  }
0x5c: {  	_ =	shalt  }
0x5d: {  	_ =	shalt  }
0x5e: {  	_ =	shalt  }
0x5f: {  	_ =	shalt  }
0x60: {  	_ =	shalt  }
0x61: {  	_ =	shalt  }
0x62: {  	_ =	shalt  }
0x63: {  	_ =	shalt  }
0x64: {  	_ =	shalt  }
0x65: {  	_ =	shalt  }
0x66: {  	_ =	shalt  }
0x67: {  	_ =	shalt  }
0x68: {  	_ =	shalt  }
0x69: {  	_ =	shalt  }
0x6a: {  	_ =	shalt  }
0x6b: {  	_ =	shalt  }
0x6c: {  	_ =	shalt  }
0x6d: {  	_ =	shalt  }
0x6e: {  	_ =	shalt  }
0x6f: {  	_ =	shalt  }
0x70: {  	_ =	shalt  }
0x71: {  	_ =	shalt  }
0x72: {  	_ =	shalt  }
0x73: {  	_ =	shalt  }
0x74: {  	_ =	shalt  }
0x75: {  	_ =	shalt  }
0x76: {  	_ =	shalt  }
0x77: {  	_ =	shalt  }
0x78: {  	_ =	shalt  }
0x79: {  	_ =	shalt  }
0x7a: {  	_ =	shalt  }
0x7b: {  	_ =	shalt  }
0x7c: {  	_ =	shalt  }
0x7d: {  	_ =	shalt  }
0x7e: {  	_ =	shalt  }
0x7f: {  	_ =	shalt  }
0x80: {  	_ =	shalt  }
0x81: {  	_ =	shalt  }
0x82: {  	_ =	shalt  }
0x83: {  	_ =	shalt  }
0x84: {  	_ =	shalt  }
0x85: {  	_ =	shalt  }
0x86: {  	_ =	shalt  }
0x87: {  	_ =	shalt  }
.Lfunc_end0:
.L_simem_size_0:
called_computation_lowered:
.L_overlay_start_0:
0x88: {  	s2 =	sld [smem:$0x3FD9]  }
0x89: {  	s3 =	sld [smem:$0x3FFE];
	_ =	sdelay $0x1  }
0x8a: {  	s1 =	srdreg.scid  }
0x8b: {  	s0 =	sand.u32 $0x1, s1  }
0x8c: {  	s16 =	sshll.u32 s0, $0xA;
	s2 =	sadd.s32 s3, s2  }
0x8d: {  	s2 =	sadd.s32 s2, s16  }
0x8e: {  	[smem:$0x3FC4] =	sst s2  }
0x8f: {  	_ = 	snop  }
0x90: {  	(tm) =	ssettm $0x1  }
0x91: {  	s17 =	sld [smem:$0x3FFB];
	_ =	sdelay $0x3  }
0x92: {  	_ =	strace s17  }
0x93: {  	s2 =	sld [smem:$0x3FFC];
	_ =	sdelay $0x3  }
0x94: {  	_ =	strace s2  }
0x95: {  	s2 =	sld [smem:$0x3FFD];
	_ =	sdelay $0x3  }
0x96: {  	_ =	strace s2  }
0x97: {  	_ =	strace $0x8FFFFFFF  }
0x98: {  	s18 =	sld [smem:$0x3FDB];
	_ =	sdelay $0x1  }
0x99: {  	s19 =	simm.s32 $_scs_section_size  }
0x9a: {  	s4 =	simm.s32 $_size__tile_overlayer_lowered;
	s5 =	simm.s32 $_tile_overlayer_lowered  }
0x9b: {  	s22 =	simm.s32 $0x1BFF;
	s21 =	sshll.u32 s5, $0x1;
	s2 =	sadd.s32 s19, s18  }
0x9c: {  	s6 =	simm.s32 $0x0;
	s20 =	sshll.u32 s4, $0x1;
	s4 =	sadd.s32 s21, s2  }
0x9d: {  	[timem:s6], [sflag:s22] =	dma.local [hbm:s4], s20  }
0x9e: {  	_ =	swait.ge [sflag:s22], s20  }
0x9f: {  	s3 =	ssub.s32 $0x0, s20;
	[sflag:s22] =	ssyncset.done $0x0  }
0xa0: {  	[sflag:s22] =	ssyncadd.s32 s3;
	_ =	sdelay $0x1  }
0xa1: {  	s23 =	simm.s32 $0x1B8B  }
0xa2: {  	_ =	swait.ge [sflag:s23], $0x1  }
0xa3: {  	[sflag:s23] =	ssyncset.done $0x0  }
0xa4: {  	s25 =	simm.s32 $0x1B8E;
	s24 =	sld [smem:$0x3FFE];
	[sflag:s23] =	ssyncadd.s32 $0xFFFFFFFF  }
0xa5: {  	s26 =	simm.s32 $execute0_lowered;
	[smem:$0x3FD2] =	sst s25  }
0xa6: {  	s4 =	sshll.u32 s26, $0x1;
	_ =	strace $0x80000046;
	[dreg:$0x1] =	wrdreg $0xFFFFFFFF  }
0xa7: {  	s28 =	simm.s32 $_size_execute0_lowered;
	s2 =	sadd.s32 s2, s4;
	[dreg:$0x0] =	wrdreg $0x0  }
0xa8: {  	s4 =	sshll.u32 s28, $0x1;
	[dreg:$0x2] =	wrdreg s2  }
0xa9: {  	[dreg:$0x3] =	wrdreg s4  }
0xaa: {  	[dreg:$0x4] =	wrdreg $0xC0  }
0xab: {  	_ =	task [dreg:s6], $0x5FFFF  }
0xac: {  	[dreg:$0x1] =	wrdreg $0xFFFFFFFF  }
0xad: {  	[dreg:$0x0] =	wrdreg $0x60  }
0xae: {  	[dreg:$0x2] =	wrdreg s24  }
0xaf: {  	[dreg:$0x3] =	wrdreg $0x9  }
0xb0: {  	_ =	task.clear_ibuf [dreg:s6], $0x4FFFF;
	_ =	strace $0x90000046  }
0xb1: {  	s29 =	simm.s32 $0x9;
	_ =	strace $0x80000048  }
0xb2: {  	_ =	swait.ge [sflag:s29], $0x1  }
0xb3: {  	[sflag:s29] =	ssyncadd.s32 $0xFFFFFFFF  }
0xb4: {  	_ =	strace $0x90000048  }
0xb5: {  	_ =	sfence  }
0xb6: {  	s30 =	sld [smem:$0x0];
	_ =	sdelay $0x2  }
0xb7: {  	s31 =	sshll.u32 s1, $0xD;
	s1 =	sshrl.u32 s1, $0x2  }
0xb8: {  	s3 =	sand.u32 $0x4000, s31;
	s1 =	sadd.s32 s1, s30  }
0xb9: {  	s0 =	sor.u32 s3, s0;
	s1 =	sshll.u32 s1, $0x11  }
0xba: {  	s0 =	sor.u32 s1, s0  }
0xbb: {  	s0 =	sadd.s32 $0x8F2B, s0  }
0xbc: {  	[sflag:s0] =	ssyncadd.remote.s32 $0x1  }
0xbd: {  	_ =	sfence.sel $0xFFFF  }
0xbe: {  	[dreg:$0x0] =	wrdreg $0xFFFFFFFF;
	(pc) =	sbr.abs _section_cstart, $3  }
0xbf: {  	[dreg:$0x1] =	wrdreg $0xFFFFFFFF  }
0xc0: {  	_ =	task.clear_ibuf [dreg:s6], $0x2FFFF;
	_ =	strace $0x9FFFFFFF  }
0xc1: {  	(tm) =	ssettm $0x7FFFFFFF  }
tec
execute0_lowered:
.L_overlay_start_1:
0x0: {  	(tag) =	ssettag $0x1  }
0x1: {  	s0 =	rddreg [dreg:$0x0]  }
0x2: {  	s1 =	srdreg.scid;
	s3 =	stileid.u32;
	s2 =	simm.s32 $0x0  }
0x3: {  	s7 =	simm.s32 $0x3;
	s8 =	simm.s32 $0x80;
	s9 =	simm.s32 $0x6400  }
0x4: {  	s10 =	simm.s32 $0x7400;
	s12 =	simm.s32 $0x8400;
	s14 =	simm.s32 $0x9400  }
0x5: {  	s16 =	simm.s32 $0xA400;
	s18 =	simm.s32 $0xB400;
	s19 =	simm.s32 $0x20  }
0x6: {  	s21 =	simm.s32 $0xC400;
	s23 =	simm.s32 $0xC800;
	s25 =	simm.s32 $0xD800  }
0x7: {  	s28 =	simm.s32 $0xE800;
	s30 =	simm.s32 $0xF800;
	s11 =	simm.s32 $0x11800  }
0x8: {  	s15 =	simm.s32 $0x12800;
	s17 =	simm.s32 $0x1;
	s20 =	simm.s32 $0x2  }
0x9: {  	s24 =	simm.s32 $0x0;
	s1 =	sand.u32 $0x1, s1;
	s3 =	sshll.u32 s3, $0x1  }
0xa: {  	[smem:$0x7FF] =	sst s2;
	s4 =	sor.u32 s1, s3;
	s1 =	ssub.s32 $0x2, s1  }
0xb: {  	_ =	strace $0x80000047;
	s5 =	smul.u32 $0xC80, s4;
	s6 =	sshrl.u32 s1, $0x1  }
0xc: {  	s3 =	sadd.s32 $0xF42E00, s0;
	s4 =	sshll.u32 s4, $0x9;
	s1 =	ssub.s32 s1, s6  }
0xd: {  	s5 =	sadd.s32 s5, s0;
	s0 =	sadd.s32 s4, s0;
	s6 =	smax.u32 s1, $0x1  }
0xe: {  	s4 =	sadd.s32 $0xA00, s5;
	s5 =	sadd.s32 $0x19A00, s0;
	s0 =	simm.s32 $0x10800  }
.LBB2_1:
0xf: {  	[tilespmem:s2], [sflag:$0x3] =	stream.linear.gather [hbm4b:s4+s2], $0x6400, $0x38;
	[tilespmem:$0x13C00] =	vst v63  }
0x10: {  	_ =	swait.ge [sflag:s7], $0x6400  }
0x11: {  	[sflag:s7] =	ssyncset.done $0x0  }
0x12: {  	[sflag:s7] =	ssyncadd.s32 $0xFFFF9C00  }
0x13: {  	[tilespmem:s9], [sflag:$0x1] =	stream.indirect.gather [hbm4b:s3+s8], $0x20, s2, s8, $0xb8;
	[tilespmem:$0x13C00] =	vst v63  }
0x14: {  	_ = 	snop  }
0x15: {  	[tilespmem:s10], [sflag:$0x1] =	stream.indirect.gather [hbm4b:s3+s8], $0x20, s8, s8, $0xb8;
	[tilespmem:$0x13C00] =	vst v63  }
0x16: {  	s1 =	simm.s32 $0x100  }
0x17: {  	[tilespmem:s12], [sflag:$0x1] =	stream.indirect.gather [hbm4b:s3+s8], $0x20, s1, s8, $0xb8;
	[tilespmem:$0x13C00] =	vst v63  }
0x18: {  	s31 =	simm.s32 $0x180  }
0x19: {  	[tilespmem:s14], [sflag:$0x1] =	stream.indirect.gather [hbm4b:s3+s8], $0x20, s31, s8, $0xb8;
	[tilespmem:$0x13C00] =	vst v63  }
0x1a: {  	s13 =	simm.s32 $0x200  }
0x1b: {  	[tilespmem:s16], [sflag:$0x1] =	stream.indirect.gather [hbm4b:s3+s8], $0x20, s13, s8, $0xb8;
	[tilespmem:$0x13C00] =	vst v63  }
0x1c: {  	s22 =	simm.s32 $0x280  }
0x1d: {  	[tilespmem:s18], [sflag:$0x1] =	stream.indirect.gather [hbm4b:s3+s8], $0x20, s22, s8, $0xb8;
	[tilespmem:$0x13C00] =	vst v63  }
0x1e: {  	s26 =	simm.s32 $0x300  }
0x1f: {  	[tilespmem:s21], [sflag:$0x1] =	stream.indirect.gather [hbm4b:s3+s19], $0x20, s26, s19, $0xb8;
	[tilespmem:$0x13C00] =	vst v63  }
0x20: {  	s29 =	simm.s32 $0x320  }
0x21: {  	[tilespmem:s23], [sflag:$0x2] =	stream.indirect.gather [hbm4b:s3+s8], $0x20, s29, s8, $0xb8;
	[tilespmem:$0x13C00] =	vst v63  }
0x22: {  	s31 =	simm.s32 $0x3A0  }
0x23: {  	[tilespmem:s25], [sflag:$0x2] =	stream.indirect.gather [hbm4b:s3+s8], $0x20, s31, s8, $0xb8;
	[tilespmem:$0x13C00] =	vst v63  }
0x24: {  	s13 =	simm.s32 $0x420  }
0x25: {  	[tilespmem:s28], [sflag:$0x2] =	stream.indirect.gather [hbm4b:s3+s8], $0x20, s13, s8, $0xb8;
	[tilespmem:$0x13C00] =	vst v63  }
0x26: {  	s22 =	simm.s32 $0x4A0  }
0x27: {  	[tilespmem:s30], [sflag:$0x2] =	stream.indirect.gather [hbm4b:s3+s8], $0x20, s22, s8, $0xb8;
	[tilespmem:$0x13C00] =	vst v63  }
0x28: {  	s26 =	simm.s32 $0x520  }
0x29: {  	[tilespmem:s0], [sflag:$0x2] =	stream.indirect.gather [hbm4b:s3+s8], $0x20, s26, s8, $0xb8;
	[tilespmem:$0x13C00] =	vst v63  }
0x2a: {  	s29 =	simm.s32 $0x5A0  }
0x2b: {  	[tilespmem:s11], [sflag:$0x2] =	stream.indirect.gather [hbm4b:s3+s8], $0x20, s29, s8, $0xb8;
	[tilespmem:$0x13C00] =	vst v63  }
0x2c: {  	s31 =	simm.s32 $0x620;
	s26 =	simm.s32 $0x0  }
0x2d: {  	[tilespmem:s15], [sflag:$0x2] =	stream.indirect.gather [hbm4b:s3+s19], $0x20, s31, s19, $0xb8;
	[tilespmem:$0x13C00] =	vst v63  }
.LBB2_2:
0x2e: {  	_ =	swait.ge [sflag:s17], $0x6400  }
0x2f: {  	[sflag:s17] =	ssyncset.done $0x0  }
0x30: {  	s13 =	simm.s32 $0x0;
	[sflag:s17] =	ssyncadd.s32 $0xFFFF9C00  }
0x31: {  	v0 =	vld [tilespmem:s13+$0x6470]  }
0x32: {  	v1 =	vld [tilespmem:s13+$0x6400]  }
0x33: {  	v2 =	vld [tilespmem:s13+$0x6410]  }
0x34: {  	v5 =	vld [tilespmem:s13+$0x6420]  }
0x35: {  	v6 =	vld [tilespmem:s13+$0x6430]  }
0x36: {  	v3 =	vimm.f32 $0.0e+00;
	v4 =	vimm.f32 $0.0e+00;
	v7 =	vld [tilespmem:s13+$0x6440]  }
0x37: {  	v10 =	vimm.f32 $0.0e+00;
	v8 =	vimm.f32 $0.0e+00;
	v11 =	vld [tilespmem:s13+$0x6450];
	v0 =	vadd.f32 v0, v3  }
0x38: {  	s29 =	simm.s32 $0x80;
	s1 =	simm.s32 $0x400;
	v9 =	vimm.f32 $0.0e+00;
	v12 =	vld [tilespmem:s13+$0x6460];
	v1 =	vadd.f32 v1, v3;
	v2 =	vadd.f32 v2, v3  }
.LBB2_3:
0x39: {  	p0 =	sne.s32 s1, $0x6200;
	v13 =	vld [tilespmem:s29+$0x6470];
	v3 =	vadd.f32 v5, v3  }
0x3a: {  	v14 =	vld [tilespmem:s29+$0x6400];
	v4 =	vadd.f32 v6, v4  }
0x3b: {  	v15 =	vld [tilespmem:s29+$0x6410];
	v10 =	vadd.f32 v7, v10  }
.Ltmp0:
0x3c: {  	v5 =	vld [tilespmem:s29+$0x6420];
	v8 =	vadd.f32 v11, v8;
	(pc) =	sbr.rel @p0 .LBB2_3-.Ltmp0, $4  }
0x3d: {  	v6 =	vld [tilespmem:s29+$0x6430];
	v9 =	vadd.f32 v12, v9  }
0x3e: {  	v7 =	vld [tilespmem:s29+$0x6440];
	v0 =	vadd.f32 v13, v0  }
0x3f: {  	v1 =	vadd.f32 v14, v1;
	v11 =	vld [tilespmem:s29+$0x6450]  }
0x40: {  	v2 =	vadd.f32 v15, v2;
	v12 =	vld [tilespmem:s29+$0x6460];
	s29 =	sshra.s32 s1, $0x2;
	s1 =	sadd.s32 $0x200, s1  }
0x41: {  	v13 =	vld [tilespmem:s29+$0x6470]  }
0x42: {  	v14 =	vld [tilespmem:s29+$0x6400]  }
0x43: {  	v15 =	vld [tilespmem:s29+$0x6410]  }
0x44: {  	v16 =	vld [tilespmem:s29+$0x6420]  }
0x45: {  	v17 =	vld [tilespmem:s29+$0x6430]  }
0x46: {  	v18 =	vld [tilespmem:s29+$0x6440]  }
0x47: {  	v3 =	vadd.f32 v5, v3;
	v5 =	vld [tilespmem:s29+$0x6460]  }
0x48: {  	v4 =	vadd.f32 v6, v4;
	v6 =	vadd.f32 v7, v10;
	v7 =	vld [tilespmem:s29+$0x6450]  }
0x49: {  	v8 =	vadd.f32 v11, v8;
	v9 =	vadd.f32 v12, v9  }
0x4a: {  	v0 =	vadd.f32 v13, v0;
	v1 =	vadd.f32 v14, v1  }
0x4b: {  	v2 =	vadd.f32 v15, v2;
	v3 =	vadd.f32 v16, v3  }
0x4c: {  	v6 =	vadd.f32 v18, v6;
	v5 =	vadd.f32 v5, v9  }
0x4d: {  	v4 =	vadd.f32 v17, v4;
	v7 =	vadd.f32 v7, v8  }
0x4e: {  	v1 =	vadd.f32 v3, v1;
	v3 =	vadd.f32 v5, v6  }
0x4f: {  	v2 =	vadd.f32 v4, v2;
	v0 =	vadd.f32 v0, v7  }
0x50: {  	s1 =	sshll.u32 s26, $0xA;
	v1 =	vadd.f32 v3, v1  }
0x51: {  	s29 =	sshra.s32 s1, $0x2;
	v0 =	vadd.f32 v0, v2  }
0x52: {  	[tilespmem:s29+$0x12C00] =	vst v1  }
0x53: {  	s13 =	simm.s32 $0x0;
	[tilespmem:s29+$0x12C10] =	vst v0  }
0x54: {  	v0 =	vld [tilespmem:s13+$0x7D70]  }
0x55: {  	v1 =	vld [tilespmem:s13+$0x7D00]  }
0x56: {  	v2 =	vld [tilespmem:s13+$0x7D10]  }
0x57: {  	v5 =	vld [tilespmem:s13+$0x7D20]  }
0x58: {  	v6 =	vld [tilespmem:s13+$0x7D30]  }
0x59: {  	v10 =	vimm.f32 $0.0e+00;
	v3 =	vimm.f32 $0.0e+00;
	v7 =	vld [tilespmem:s13+$0x7D40]  }
0x5a: {  	v9 =	vimm.f32 $0.0e+00;
	v4 =	vimm.f32 $0.0e+00;
	v11 =	vld [tilespmem:s13+$0x7D50];
	v0 =	vadd.f32 v0, v3  }
0x5b: {  	s31 =	simm.s32 $0x80;
	s1 =	simm.s32 $0x400;
	v8 =	vimm.f32 $0.0e+00;
	v12 =	vld [tilespmem:s13+$0x7D60];
	v1 =	vadd.f32 v1, v3;
	v2 =	vadd.f32 v2, v3  }
.LBB2_5:
0x5c: {  	p0 =	sne.s32 s1, $0x6200;
	v13 =	vld [tilespmem:s31+$0x7D70];
	v3 =	vadd.f32 v5, v3  }
0x5d: {  	v14 =	vld [tilespmem:s31+$0x7D00];
	v4 =	vadd.f32 v6, v4  }
0x5e: {  	v15 =	vld [tilespmem:s31+$0x7D10];
	v10 =	vadd.f32 v7, v10  }
.Ltmp1:
0x5f: {  	v5 =	vld [tilespmem:s31+$0x7D20];
	v8 =	vadd.f32 v11, v8;
	(pc) =	sbr.rel @p0 .LBB2_5-.Ltmp1, $4  }
0x60: {  	v6 =	vld [tilespmem:s31+$0x7D30];
	v9 =	vadd.f32 v12, v9  }
0x61: {  	v7 =	vld [tilespmem:s31+$0x7D40];
	v0 =	vadd.f32 v13, v0  }
0x62: {  	v1 =	vadd.f32 v14, v1;
	v11 =	vld [tilespmem:s31+$0x7D50]  }
0x63: {  	v2 =	vadd.f32 v15, v2;
	v12 =	vld [tilespmem:s31+$0x7D60];
	s31 =	sshra.s32 s1, $0x2;
	s1 =	sadd.s32 $0x200, s1  }
0x64: {  	v13 =	vld [tilespmem:s31+$0x7D70]  }
0x65: {  	v14 =	vld [tilespmem:s31+$0x7D00]  }
0x66: {  	v15 =	vld [tilespmem:s31+$0x7D10]  }
0x67: {  	v16 =	vld [tilespmem:s31+$0x7D20]  }
0x68: {  	v17 =	vld [tilespmem:s31+$0x7D30]  }
0x69: {  	v18 =	vld [tilespmem:s31+$0x7D40]  }
0x6a: {  	v3 =	vadd.f32 v5, v3;
	v5 =	vld [tilespmem:s31+$0x7D60]  }
0x6b: {  	v4 =	vadd.f32 v6, v4;
	v6 =	vadd.f32 v7, v10;
	v7 =	vld [tilespmem:s31+$0x7D50]  }
0x6c: {  	v8 =	vadd.f32 v11, v8;
	v9 =	vadd.f32 v12, v9  }
0x6d: {  	v0 =	vadd.f32 v13, v0;
	v1 =	vadd.f32 v14, v1  }
0x6e: {  	v2 =	vadd.f32 v15, v2;
	v3 =	vadd.f32 v16, v3  }
0x6f: {  	v6 =	vadd.f32 v18, v6;
	v5 =	vadd.f32 v5, v9  }
0x70: {  	v4 =	vadd.f32 v17, v4;
	v7 =	vadd.f32 v7, v8  }
0x71: {  	v1 =	vadd.f32 v3, v1;
	v3 =	vadd.f32 v5, v6  }
0x72: {  	v2 =	vadd.f32 v4, v2;
	v0 =	vadd.f32 v0, v7  }
0x73: {  	v1 =	vadd.f32 v3, v1  }
0x74: {  	v0 =	vadd.f32 v0, v2  }
0x75: {  	[tilespmem:s29+$0x12C20] =	vst v1  }
0x76: {  	s13 =	simm.s32 $0x0;
	[tilespmem:s29+$0x12C30] =	vst v0  }
0x77: {  	v0 =	vld [tilespmem:s13+$0x9670]  }
0x78: {  	v1 =	vld [tilespmem:s13+$0x9600]  }
0x79: {  	v2 =	vld [tilespmem:s13+$0x9610]  }
0x7a: {  	v5 =	vld [tilespmem:s13+$0x9620]  }
0x7b: {  	v6 =	vld [tilespmem:s13+$0x9630]  }
0x7c: {  	v10 =	vimm.f32 $0.0e+00;
	v3 =	vimm.f32 $0.0e+00;
	v7 =	vld [tilespmem:s13+$0x9640]  }
0x7d: {  	v9 =	vimm.f32 $0.0e+00;
	v4 =	vimm.f32 $0.0e+00;
	v11 =	vld [tilespmem:s13+$0x9650];
	v0 =	vadd.f32 v0, v3  }
0x7e: {  	s1 =	simm.s32 $0x400;
	s31 =	simm.s32 $0x80;
	v8 =	vimm.f32 $0.0e+00;
	v12 =	vld [tilespmem:s13+$0x9660];
	v1 =	vadd.f32 v1, v3;
	v2 =	vadd.f32 v2, v3  }
.LBB2_7:
0x7f: {  	p0 =	sne.s32 s1, $0x6200;
	v13 =	vld [tilespmem:s31+$0x9670];
	v3 =	vadd.f32 v5, v3  }
0x80: {  	v14 =	vld [tilespmem:s31+$0x9600];
	v4 =	vadd.f32 v6, v4  }
0x81: {  	v15 =	vld [tilespmem:s31+$0x9610];
	v10 =	vadd.f32 v7, v10  }
.Ltmp2:
0x82: {  	v5 =	vld [tilespmem:s31+$0x9620];
	v8 =	vadd.f32 v11, v8;
	(pc) =	sbr.rel @p0 .LBB2_7-.Ltmp2, $4  }
0x83: {  	v6 =	vld [tilespmem:s31+$0x9630];
	v9 =	vadd.f32 v12, v9  }
0x84: {  	v7 =	vld [tilespmem:s31+$0x9640];
	v0 =	vadd.f32 v13, v0  }
0x85: {  	v1 =	vadd.f32 v14, v1;
	v11 =	vld [tilespmem:s31+$0x9650]  }
0x86: {  	v2 =	vadd.f32 v15, v2;
	v12 =	vld [tilespmem:s31+$0x9660];
	s31 =	sshra.s32 s1, $0x2;
	s1 =	sadd.s32 $0x200, s1  }
0x87: {  	v13 =	vld [tilespmem:s31+$0x9670]  }
0x88: {  	v14 =	vld [tilespmem:s31+$0x9600]  }
0x89: {  	v15 =	vld [tilespmem:s31+$0x9610]  }
0x8a: {  	v16 =	vld [tilespmem:s31+$0x9620]  }
0x8b: {  	v17 =	vld [tilespmem:s31+$0x9630]  }
0x8c: {  	v18 =	vld [tilespmem:s31+$0x9640]  }
0x8d: {  	v3 =	vadd.f32 v5, v3;
	v5 =	vld [tilespmem:s31+$0x9660]  }
0x8e: {  	v4 =	vadd.f32 v6, v4;
	v6 =	vadd.f32 v7, v10;
	v7 =	vld [tilespmem:s31+$0x9650]  }
0x8f: {  	v8 =	vadd.f32 v11, v8;
	v9 =	vadd.f32 v12, v9  }
0x90: {  	v0 =	vadd.f32 v13, v0;
	v1 =	vadd.f32 v14, v1  }
0x91: {  	v2 =	vadd.f32 v15, v2;
	v3 =	vadd.f32 v16, v3  }
0x92: {  	v6 =	vadd.f32 v18, v6;
	v5 =	vadd.f32 v5, v9  }
0x93: {  	v4 =	vadd.f32 v17, v4;
	v7 =	vadd.f32 v7, v8  }
0x94: {  	v1 =	vadd.f32 v3, v1;
	v3 =	vadd.f32 v5, v6  }
0x95: {  	v2 =	vadd.f32 v4, v2;
	v0 =	vadd.f32 v0, v7  }
0x96: {  	v1 =	vadd.f32 v3, v1  }
0x97: {  	v0 =	vadd.f32 v0, v2  }
0x98: {  	[tilespmem:s29+$0x12C40] =	vst v1  }
0x99: {  	s13 =	simm.s32 $0x0;
	[tilespmem:s29+$0x12C50] =	vst v0  }
0x9a: {  	v0 =	vld [tilespmem:s13+$0xAF70]  }
0x9b: {  	v1 =	vld [tilespmem:s13+$0xAF00]  }
0x9c: {  	v2 =	vld [tilespmem:s13+$0xAF10]  }
0x9d: {  	v5 =	vld [tilespmem:s13+$0xAF20]  }
0x9e: {  	v6 =	vld [tilespmem:s13+$0xAF30]  }
0x9f: {  	v10 =	vimm.f32 $0.0e+00;
	v3 =	vimm.f32 $0.0e+00;
	v7 =	vld [tilespmem:s13+$0xAF40]  }
0xa0: {  	v9 =	vimm.f32 $0.0e+00;
	v4 =	vimm.f32 $0.0e+00;
	v11 =	vld [tilespmem:s13+$0xAF50];
	v0 =	vadd.f32 v0, v3  }
0xa1: {  	s1 =	simm.s32 $0x400;
	s31 =	simm.s32 $0x80;
	v8 =	vimm.f32 $0.0e+00;
	v12 =	vld [tilespmem:s13+$0xAF60];
	v1 =	vadd.f32 v1, v3;
	v2 =	vadd.f32 v2, v3  }
.LBB2_9:
0xa2: {  	p0 =	sne.s32 s1, $0x6200;
	v13 =	vld [tilespmem:s31+$0xAF70];
	v3 =	vadd.f32 v5, v3  }
0xa3: {  	v14 =	vld [tilespmem:s31+$0xAF00];
	v4 =	vadd.f32 v6, v4  }
0xa4: {  	v15 =	vld [tilespmem:s31+$0xAF10];
	v10 =	vadd.f32 v7, v10  }
.Ltmp3:
0xa5: {  	v5 =	vld [tilespmem:s31+$0xAF20];
	v8 =	vadd.f32 v11, v8;
	(pc) =	sbr.rel @p0 .LBB2_9-.Ltmp3, $4  }
0xa6: {  	v6 =	vld [tilespmem:s31+$0xAF30];
	v9 =	vadd.f32 v12, v9  }
0xa7: {  	v7 =	vld [tilespmem:s31+$0xAF40];
	v0 =	vadd.f32 v13, v0  }
0xa8: {  	v1 =	vadd.f32 v14, v1;
	v11 =	vld [tilespmem:s31+$0xAF50]  }
0xa9: {  	v2 =	vadd.f32 v15, v2;
	v12 =	vld [tilespmem:s31+$0xAF60];
	s31 =	sshra.s32 s1, $0x2;
	s1 =	sadd.s32 $0x200, s1  }
0xaa: {  	v13 =	vld [tilespmem:s31+$0xAF70]  }
0xab: {  	v14 =	vld [tilespmem:s31+$0xAF00]  }
0xac: {  	v15 =	vld [tilespmem:s31+$0xAF10]  }
0xad: {  	v16 =	vld [tilespmem:s31+$0xAF20]  }
0xae: {  	v17 =	vld [tilespmem:s31+$0xAF30]  }
0xaf: {  	v18 =	vld [tilespmem:s31+$0xAF40]  }
0xb0: {  	v3 =	vadd.f32 v5, v3;
	v5 =	vld [tilespmem:s31+$0xAF60]  }
0xb1: {  	v4 =	vadd.f32 v6, v4;
	v6 =	vadd.f32 v7, v10;
	v7 =	vld [tilespmem:s31+$0xAF50]  }
0xb2: {  	v8 =	vadd.f32 v11, v8;
	v9 =	vadd.f32 v12, v9  }
0xb3: {  	v0 =	vadd.f32 v13, v0;
	v1 =	vadd.f32 v14, v1  }
0xb4: {  	v2 =	vadd.f32 v15, v2;
	v3 =	vadd.f32 v16, v3  }
0xb5: {  	v6 =	vadd.f32 v18, v6;
	v5 =	vadd.f32 v5, v9  }
0xb6: {  	v4 =	vadd.f32 v17, v4;
	v7 =	vadd.f32 v7, v8  }
0xb7: {  	v1 =	vadd.f32 v3, v1;
	v3 =	vadd.f32 v5, v6  }
0xb8: {  	v2 =	vadd.f32 v4, v2;
	v0 =	vadd.f32 v0, v7  }
0xb9: {  	s1 =	smul.u32 $0x1900, s26;
	v1 =	vadd.f32 v3, v1  }
0xba: {  	v0 =	vadd.f32 v0, v2  }
0xbb: {  	s31 =	sshra.s32 s1, $0x2;
	[tilespmem:s29+$0x12C60] =	vst v1  }
0xbc: {  	s1 =	sadd.s32 $0x640, s31;
	[tilespmem:s29+$0x12C70] =	vst v0  }
0xbd: {  	[tilespmem:s9], [sflag:$0x1] =	stream.indirect.gather [hbm4b:s3+s8], $0x20, s1, s8, $0xb8;
	[tilespmem:$0x13C00] =	vst v63  }
0xbe: {  	s13 =	sadd.s32 $0x6C0, s31  }
0xbf: {  	[tilespmem:s10], [sflag:$0x1] =	stream.indirect.gather [hbm4b:s3+s8], $0x20, s13, s8, $0xb8;
	[tilespmem:$0x13C00] =	vst v63  }
0xc0: {  	s22 =	sadd.s32 $0x740, s31  }
0xc1: {  	[tilespmem:s12], [sflag:$0x1] =	stream.indirect.gather [hbm4b:s3+s8], $0x20, s22, s8, $0xb8;
	[tilespmem:$0x13C00] =	vst v63  }
0xc2: {  	s13 =	sadd.s32 $0x7C0, s31  }
0xc3: {  	[tilespmem:s14], [sflag:$0x1] =	stream.indirect.gather [hbm4b:s3+s8], $0x20, s13, s8, $0xb8;
	[tilespmem:$0x13C00] =	vst v63  }
0xc4: {  	s22 =	sadd.s32 $0x840, s31  }
0xc5: {  	[tilespmem:s16], [sflag:$0x1] =	stream.indirect.gather [hbm4b:s3+s8], $0x20, s22, s8, $0xb8;
	[tilespmem:$0x13C00] =	vst v63  }
0xc6: {  	s13 =	sadd.s32 $0x8C0, s31  }
0xc7: {  	[tilespmem:s18], [sflag:$0x1] =	stream.indirect.gather [hbm4b:s3+s8], $0x20, s13, s8, $0xb8;
	[tilespmem:$0x13C00] =	vst v63  }
0xc8: {  	s22 =	sadd.s32 $0x940, s31  }
0xc9: {  	[tilespmem:s21], [sflag:$0x1] =	stream.indirect.gather [hbm4b:s3+s19], $0x20, s22, s19, $0xb8;
	[tilespmem:$0x13C00] =	vst v63  }
0xca: {  	_ =	swait.ge [sflag:s20], $0x6400  }
0xcb: {  	[sflag:s20] =	ssyncset.done $0x0  }
0xcc: {  	s22 =	simm.s32 $0x0;
	[sflag:s20] =	ssyncadd.s32 $0xFFFF9C00  }
0xcd: {  	v0 =	vld [tilespmem:s22+$0xC870]  }
0xce: {  	v1 =	vld [tilespmem:s22+$0xC800]  }
0xcf: {  	v2 =	vld [tilespmem:s22+$0xC810]  }
0xd0: {  	v5 =	vld [tilespmem:s22+$0xC820]  }
0xd1: {  	v6 =	vld [tilespmem:s22+$0xC830]  }
0xd2: {  	v10 =	vimm.f32 $0.0e+00;
	v3 =	vimm.f32 $0.0e+00;
	v7 =	vld [tilespmem:s22+$0xC840]  }
0xd3: {  	v9 =	vimm.f32 $0.0e+00;
	v4 =	vimm.f32 $0.0e+00;
	v11 =	vld [tilespmem:s22+$0xC850];
	v0 =	vadd.f32 v0, v3  }
0xd4: {  	v8 =	vimm.f32 $0.0e+00;
	s1 =	simm.s32 $0x80;
	s13 =	simm.s32 $0x400;
	v12 =	vld [tilespmem:s22+$0xC860];
	v1 =	vadd.f32 v1, v3;
	v2 =	vadd.f32 v2, v3  }
.LBB2_11:
0xd5: {  	p0 =	sne.s32 s13, $0x6200;
	v13 =	vld [tilespmem:s1+$0xC870];
	v3 =	vadd.f32 v5, v3  }
0xd6: {  	v14 =	vld [tilespmem:s1+$0xC800];
	v4 =	vadd.f32 v6, v4  }
0xd7: {  	v15 =	vld [tilespmem:s1+$0xC810];
	v10 =	vadd.f32 v7, v10  }
.Ltmp4:
0xd8: {  	v5 =	vld [tilespmem:s1+$0xC820];
	v8 =	vadd.f32 v11, v8;
	(pc) =	sbr.rel @p0 .LBB2_11-.Ltmp4, $4  }
0xd9: {  	v6 =	vld [tilespmem:s1+$0xC830];
	v9 =	vadd.f32 v12, v9  }
0xda: {  	v7 =	vld [tilespmem:s1+$0xC840];
	v0 =	vadd.f32 v13, v0  }
0xdb: {  	v1 =	vadd.f32 v14, v1;
	v11 =	vld [tilespmem:s1+$0xC850]  }
0xdc: {  	v2 =	vadd.f32 v15, v2;
	v12 =	vld [tilespmem:s1+$0xC860];
	s1 =	sshra.s32 s13, $0x2;
	s13 =	sadd.s32 $0x200, s13  }
0xdd: {  	v13 =	vld [tilespmem:s1+$0xC870]  }
0xde: {  	v14 =	vld [tilespmem:s1+$0xC800]  }
0xdf: {  	v15 =	vld [tilespmem:s1+$0xC810]  }
0xe0: {  	v16 =	vld [tilespmem:s1+$0xC820]  }
0xe1: {  	v17 =	vld [tilespmem:s1+$0xC830]  }
0xe2: {  	v18 =	vld [tilespmem:s1+$0xC840]  }
0xe3: {  	v3 =	vadd.f32 v5, v3;
	v5 =	vld [tilespmem:s1+$0xC860]  }
0xe4: {  	v4 =	vadd.f32 v6, v4;
	v6 =	vadd.f32 v7, v10;
	v7 =	vld [tilespmem:s1+$0xC850]  }
0xe5: {  	v8 =	vadd.f32 v11, v8;
	v9 =	vadd.f32 v12, v9  }
0xe6: {  	v0 =	vadd.f32 v13, v0;
	v1 =	vadd.f32 v14, v1  }
0xe7: {  	v2 =	vadd.f32 v15, v2;
	v3 =	vadd.f32 v16, v3  }
0xe8: {  	v6 =	vadd.f32 v18, v6;
	v5 =	vadd.f32 v5, v9  }
0xe9: {  	v4 =	vadd.f32 v17, v4;
	v7 =	vadd.f32 v7, v8  }
0xea: {  	v1 =	vadd.f32 v3, v1;
	v3 =	vadd.f32 v5, v6  }
0xeb: {  	v2 =	vadd.f32 v4, v2;
	v0 =	vadd.f32 v0, v7  }
0xec: {  	v1 =	vadd.f32 v3, v1  }
0xed: {  	v0 =	vadd.f32 v0, v2  }
0xee: {  	[tilespmem:s29+$0x12C80] =	vst v1  }
0xef: {  	s22 =	simm.s32 $0x0;
	[tilespmem:s29+$0x12C90] =	vst v0  }
0xf0: {  	v0 =	vld [tilespmem:s22+$0xE170]  }
0xf1: {  	v1 =	vld [tilespmem:s22+$0xE100]  }
0xf2: {  	v2 =	vld [tilespmem:s22+$0xE110]  }
0xf3: {  	v5 =	vld [tilespmem:s22+$0xE120]  }
0xf4: {  	v6 =	vld [tilespmem:s22+$0xE130]  }
0xf5: {  	v10 =	vimm.f32 $0.0e+00;
	v3 =	vimm.f32 $0.0e+00;
	v7 =	vld [tilespmem:s22+$0xE140]  }
0xf6: {  	v9 =	vimm.f32 $0.0e+00;
	v4 =	vimm.f32 $0.0e+00;
	v11 =	vld [tilespmem:s22+$0xE150];
	v0 =	vadd.f32 v0, v3  }
0xf7: {  	s13 =	simm.s32 $0x400;
	s1 =	simm.s32 $0x80;
	v8 =	vimm.f32 $0.0e+00;
	v12 =	vld [tilespmem:s22+$0xE160];
	v1 =	vadd.f32 v1, v3;
	v2 =	vadd.f32 v2, v3  }
.LBB2_13:
0xf8: {  	p0 =	sne.s32 s13, $0x6200;
	v13 =	vld [tilespmem:s1+$0xE170];
	v3 =	vadd.f32 v5, v3  }
0xf9: {  	v14 =	vld [tilespmem:s1+$0xE100];
	v4 =	vadd.f32 v6, v4  }
0xfa: {  	v15 =	vld [tilespmem:s1+$0xE110];
	v10 =	vadd.f32 v7, v10  }
.Ltmp5:
0xfb: {  	v5 =	vld [tilespmem:s1+$0xE120];
	v8 =	vadd.f32 v11, v8;
	(pc) =	sbr.rel @p0 .LBB2_13-.Ltmp5, $4  }
0xfc: {  	v6 =	vld [tilespmem:s1+$0xE130];
	v9 =	vadd.f32 v12, v9  }
0xfd: {  	v7 =	vld [tilespmem:s1+$0xE140];
	v0 =	vadd.f32 v13, v0  }
0xfe: {  	v1 =	vadd.f32 v14, v1;
	v11 =	vld [tilespmem:s1+$0xE150]  }
0xff: {  	v2 =	vadd.f32 v15, v2;
	v12 =	vld [tilespmem:s1+$0xE160];
	s1 =	sshra.s32 s13, $0x2;
	s13 =	sadd.s32 $0x200, s13  }
0x100: {  	v13 =	vld [tilespmem:s1+$0xE170]  }
0x101: {  	v14 =	vld [tilespmem:s1+$0xE100]  }
0x102: {  	v15 =	vld [tilespmem:s1+$0xE110]  }
0x103: {  	v16 =	vld [tilespmem:s1+$0xE120]  }
0x104: {  	v17 =	vld [tilespmem:s1+$0xE130]  }
0x105: {  	v18 =	vld [tilespmem:s1+$0xE140]  }
0x106: {  	v3 =	vadd.f32 v5, v3;
	v5 =	vld [tilespmem:s1+$0xE160]  }
0x107: {  	v4 =	vadd.f32 v6, v4;
	v6 =	vadd.f32 v7, v10;
	v7 =	vld [tilespmem:s1+$0xE150]  }
0x108: {  	v8 =	vadd.f32 v11, v8;
	v9 =	vadd.f32 v12, v9  }
0x109: {  	v0 =	vadd.f32 v13, v0;
	v1 =	vadd.f32 v14, v1  }
0x10a: {  	v2 =	vadd.f32 v15, v2;
	v3 =	vadd.f32 v16, v3  }
0x10b: {  	v6 =	vadd.f32 v18, v6;
	v5 =	vadd.f32 v5, v9  }
0x10c: {  	v4 =	vadd.f32 v17, v4;
	v7 =	vadd.f32 v7, v8  }
0x10d: {  	v1 =	vadd.f32 v3, v1;
	v3 =	vadd.f32 v5, v6  }
0x10e: {  	v2 =	vadd.f32 v4, v2;
	v0 =	vadd.f32 v0, v7  }
0x10f: {  	v1 =	vadd.f32 v3, v1  }
0x110: {  	v0 =	vadd.f32 v0, v2  }
0x111: {  	[tilespmem:s29+$0x12CA0] =	vst v1  }
0x112: {  	s22 =	simm.s32 $0x0;
	[tilespmem:s29+$0x12CB0] =	vst v0  }
0x113: {  	v0 =	vld [tilespmem:s22+$0xFA70]  }
0x114: {  	v1 =	vld [tilespmem:s22+$0xFA00]  }
0x115: {  	v2 =	vld [tilespmem:s22+$0xFA10]  }
0x116: {  	v5 =	vld [tilespmem:s22+$0xFA20]  }
0x117: {  	v6 =	vld [tilespmem:s22+$0xFA30]  }
0x118: {  	v10 =	vimm.f32 $0.0e+00;
	v3 =	vimm.f32 $0.0e+00;
	v7 =	vld [tilespmem:s22+$0xFA40]  }
0x119: {  	v9 =	vimm.f32 $0.0e+00;
	v4 =	vimm.f32 $0.0e+00;
	v11 =	vld [tilespmem:s22+$0xFA50];
	v0 =	vadd.f32 v0, v3  }
0x11a: {  	s13 =	simm.s32 $0x400;
	s1 =	simm.s32 $0x80;
	v8 =	vimm.f32 $0.0e+00;
	v12 =	vld [tilespmem:s22+$0xFA60];
	v1 =	vadd.f32 v1, v3;
	v2 =	vadd.f32 v2, v3  }
.LBB2_15:
0x11b: {  	p0 =	sne.s32 s13, $0x6200;
	v13 =	vld [tilespmem:s1+$0xFA70];
	v3 =	vadd.f32 v5, v3  }
0x11c: {  	v14 =	vld [tilespmem:s1+$0xFA00];
	v4 =	vadd.f32 v6, v4  }
0x11d: {  	v15 =	vld [tilespmem:s1+$0xFA10];
	v10 =	vadd.f32 v7, v10  }
.Ltmp6:
0x11e: {  	v5 =	vld [tilespmem:s1+$0xFA20];
	v8 =	vadd.f32 v11, v8;
	(pc) =	sbr.rel @p0 .LBB2_15-.Ltmp6, $4  }
0x11f: {  	v6 =	vld [tilespmem:s1+$0xFA30];
	v9 =	vadd.f32 v12, v9  }
0x120: {  	v7 =	vld [tilespmem:s1+$0xFA40];
	v0 =	vadd.f32 v13, v0  }
0x121: {  	v1 =	vadd.f32 v14, v1;
	v11 =	vld [tilespmem:s1+$0xFA50]  }
0x122: {  	v2 =	vadd.f32 v15, v2;
	v12 =	vld [tilespmem:s1+$0xFA60];
	s1 =	sshra.s32 s13, $0x2;
	s13 =	sadd.s32 $0x200, s13  }
0x123: {  	v13 =	vld [tilespmem:s1+$0xFA70]  }
0x124: {  	v14 =	vld [tilespmem:s1+$0xFA00]  }
0x125: {  	v15 =	vld [tilespmem:s1+$0xFA10]  }
0x126: {  	v16 =	vld [tilespmem:s1+$0xFA20]  }
0x127: {  	v17 =	vld [tilespmem:s1+$0xFA30]  }
0x128: {  	v18 =	vld [tilespmem:s1+$0xFA40]  }
0x129: {  	v3 =	vadd.f32 v5, v3;
	v5 =	vld [tilespmem:s1+$0xFA60]  }
0x12a: {  	v4 =	vadd.f32 v6, v4;
	v6 =	vadd.f32 v7, v10;
	v7 =	vld [tilespmem:s1+$0xFA50]  }
0x12b: {  	v8 =	vadd.f32 v11, v8;
	v9 =	vadd.f32 v12, v9  }
0x12c: {  	v0 =	vadd.f32 v13, v0;
	v1 =	vadd.f32 v14, v1  }
0x12d: {  	v2 =	vadd.f32 v15, v2;
	v3 =	vadd.f32 v16, v3  }
0x12e: {  	v6 =	vadd.f32 v18, v6;
	v5 =	vadd.f32 v5, v9  }
0x12f: {  	v4 =	vadd.f32 v17, v4;
	v7 =	vadd.f32 v7, v8  }
0x130: {  	v1 =	vadd.f32 v3, v1;
	v3 =	vadd.f32 v5, v6  }
0x131: {  	v2 =	vadd.f32 v4, v2;
	v0 =	vadd.f32 v0, v7  }
0x132: {  	v1 =	vadd.f32 v3, v1  }
0x133: {  	v0 =	vadd.f32 v0, v2  }
0x134: {  	[tilespmem:s29+$0x12CC0] =	vst v1  }
0x135: {  	s22 =	simm.s32 $0x0;
	[tilespmem:s29+$0x12CD0] =	vst v0  }
0x136: {  	v0 =	vld [tilespmem:s22+$0x11370]  }
0x137: {  	v1 =	vld [tilespmem:s22+$0x11300]  }
0x138: {  	v2 =	vld [tilespmem:s22+$0x11310]  }
0x139: {  	v5 =	vld [tilespmem:s22+$0x11320]  }
0x13a: {  	v6 =	vld [tilespmem:s22+$0x11330]  }
0x13b: {  	v10 =	vimm.f32 $0.0e+00;
	v3 =	vimm.f32 $0.0e+00;
	v7 =	vld [tilespmem:s22+$0x11340]  }
0x13c: {  	v9 =	vimm.f32 $0.0e+00;
	v4 =	vimm.f32 $0.0e+00;
	v11 =	vld [tilespmem:s22+$0x11350];
	v0 =	vadd.f32 v0, v3  }
0x13d: {  	s13 =	simm.s32 $0x400;
	s1 =	simm.s32 $0x80;
	v8 =	vimm.f32 $0.0e+00;
	v12 =	vld [tilespmem:s22+$0x11360];
	v1 =	vadd.f32 v1, v3;
	v2 =	vadd.f32 v2, v3  }
.LBB2_17:
0x13e: {  	p0 =	sne.s32 s13, $0x6200;
	v13 =	vld [tilespmem:s1+$0x11370];
	v3 =	vadd.f32 v5, v3  }
0x13f: {  	v14 =	vld [tilespmem:s1+$0x11300];
	v4 =	vadd.f32 v6, v4  }
0x140: {  	v15 =	vld [tilespmem:s1+$0x11310];
	v10 =	vadd.f32 v7, v10  }
.Ltmp7:
0x141: {  	v5 =	vld [tilespmem:s1+$0x11320];
	v8 =	vadd.f32 v11, v8;
	(pc) =	sbr.rel @p0 .LBB2_17-.Ltmp7, $4  }
0x142: {  	v6 =	vld [tilespmem:s1+$0x11330];
	v9 =	vadd.f32 v12, v9  }
0x143: {  	v7 =	vld [tilespmem:s1+$0x11340];
	v0 =	vadd.f32 v13, v0  }
0x144: {  	v1 =	vadd.f32 v14, v1;
	v11 =	vld [tilespmem:s1+$0x11350]  }
0x145: {  	v2 =	vadd.f32 v15, v2;
	v12 =	vld [tilespmem:s1+$0x11360];
	s1 =	sshra.s32 s13, $0x2;
	s13 =	sadd.s32 $0x200, s13  }
0x146: {  	v13 =	vld [tilespmem:s1+$0x11370]  }
0x147: {  	v14 =	vld [tilespmem:s1+$0x11300]  }
0x148: {  	v15 =	vld [tilespmem:s1+$0x11310]  }
0x149: {  	v16 =	vld [tilespmem:s1+$0x11320]  }
0x14a: {  	v17 =	vld [tilespmem:s1+$0x11330]  }
0x14b: {  	v18 =	vld [tilespmem:s1+$0x11340]  }
0x14c: {  	v3 =	vadd.f32 v5, v3;
	v62 =	vld [tilespmem:s1+$0x11350]  }
0x14d: {  	v60 =	vld [tilespmem:s1+$0x11360];
	v4 =	vadd.f32 v6, v4;
	v61 =	vadd.f32 v7, v10  }
0x14e: {  	v8 =	vadd.f32 v11, v8;
	v9 =	vadd.f32 v12, v9  }
0x14f: {  	v0 =	vadd.f32 v13, v0;
	v1 =	vadd.f32 v14, v1  }
0x150: {  	v2 =	vadd.f32 v15, v2;
	v3 =	vadd.f32 v16, v3  }
0x151: {  	v4 =	vadd.f32 v17, v4;
	v7 =	vadd.f32 v62, v8  }
0x152: {  	v6 =	vadd.f32 v18, v61;
	v5 =	vadd.f32 v60, v9  }
0x153: {  	v2 =	vadd.f32 v4, v2;
	v0 =	vadd.f32 v0, v7  }
0x154: {  	v1 =	vadd.f32 v3, v1;
	v63 =	vadd.f32 v5, v6  }
0x155: {  	v0 =	vadd.f32 v0, v2  }
0x156: {  	v1 =	vadd.f32 v63, v1  }
0x157: {  	[tilespmem:s29+$0x12CF0] =	vst v0  }
0x158: {  	s13 =	sadd.s32 $0x960, s31;
	[tilespmem:s29+$0x12CE0] =	vst v1  }
0x159: {  	[tilespmem:s23], [sflag:$0x2] =	stream.indirect.gather [hbm4b:s3+s8], $0x20, s13, s8, $0xb8;
	[tilespmem:$0x13C00] =	vst v63  }
0x15a: {  	s22 =	sadd.s32 $0x9E0, s31  }
0x15b: {  	[tilespmem:s25], [sflag:$0x2] =	stream.indirect.gather [hbm4b:s3+s8], $0x20, s22, s8, $0xb8;
	[tilespmem:$0x13C00] =	vst v63  }
0x15c: {  	s29 =	sadd.s32 $0xA60, s31  }
0x15d: {  	[tilespmem:s28], [sflag:$0x2] =	stream.indirect.gather [hbm4b:s3+s8], $0x20, s29, s8, $0xb8;
	[tilespmem:$0x13C00] =	vst v63  }
0x15e: {  	s26 =	sadd.s32 $0x1, s26;
	s13 =	sadd.s32 $0xAE0, s31  }
0x15f: {  	[tilespmem:s30], [sflag:$0x2] =	stream.indirect.gather [hbm4b:s3+s8], $0x20, s13, s8, $0xb8;
	[tilespmem:$0x13C00] =	vst v63  }
0x160: {  	p0 =	sne.s32 s26, $0xF;
	s22 =	sadd.s32 $0xB60, s31  }
0x161: {  	[tilespmem:s0], [sflag:$0x2] =	stream.indirect.gather [hbm4b:s3+s8], $0x20, s22, s8, $0xb8;
	[tilespmem:$0x13C00] =	vst v63  }
.Ltmp8:
0x162: {  	_ = 	snop;
	(pc) =	sbr.rel @p0 .LBB2_2-.Ltmp8, $4  }
0x163: {  	s29 =	sadd.s32 $0xBE0, s31  }
0x164: {  	[tilespmem:s11], [sflag:$0x2] =	stream.indirect.gather [hbm4b:s3+s8], $0x20, s29, s8, $0xb8;
	[tilespmem:$0x13C00] =	vst v63  }
0x165: {  	s31 =	sadd.s32 $0xC60, s31  }
0x166: {  	[tilespmem:s15], [sflag:$0x2] =	stream.indirect.gather [hbm4b:s3+s19], $0x20, s31, s19, $0xb8;
	[tilespmem:$0x13C00] =	vst v63  }
0x167: {  	_ =	swait.ge [sflag:s17], $0x6400  }
0x168: {  	[sflag:s17] =	ssyncset.done $0x0  }
0x169: {  	s22 =	simm.s32 $0x0;
	[sflag:s17] =	ssyncadd.s32 $0xFFFF9C00  }
0x16a: {  	v0 =	vld [tilespmem:s22+$0x6470]  }
0x16b: {  	v1 =	vld [tilespmem:s22+$0x6400]  }
0x16c: {  	v2 =	vld [tilespmem:s22+$0x6410]  }
0x16d: {  	v5 =	vld [tilespmem:s22+$0x6420]  }
0x16e: {  	v6 =	vld [tilespmem:s22+$0x6430]  }
0x16f: {  	v3 =	vimm.f32 $0.0e+00;
	v4 =	vimm.f32 $0.0e+00;
	v7 =	vld [tilespmem:s22+$0x6440]  }
0x170: {  	v10 =	vimm.f32 $0.0e+00;
	v8 =	vimm.f32 $0.0e+00;
	v11 =	vld [tilespmem:s22+$0x6450];
	v0 =	vadd.f32 v0, v3  }
0x171: {  	s1 =	simm.s32 $0x80;
	s13 =	simm.s32 $0x400;
	v9 =	vimm.f32 $0.0e+00;
	v12 =	vld [tilespmem:s22+$0x6460];
	v1 =	vadd.f32 v1, v3;
	v2 =	vadd.f32 v2, v3  }
.LBB2_20:
0x172: {  	p0 =	sne.s32 s13, $0x6200;
	v13 =	vld [tilespmem:s1+$0x6470];
	v3 =	vadd.f32 v5, v3  }
0x173: {  	v14 =	vld [tilespmem:s1+$0x6400];
	v4 =	vadd.f32 v6, v4  }
0x174: {  	v15 =	vld [tilespmem:s1+$0x6410];
	v10 =	vadd.f32 v7, v10  }
.Ltmp9:
0x175: {  	v5 =	vld [tilespmem:s1+$0x6420];
	v8 =	vadd.f32 v11, v8;
	(pc) =	sbr.rel @p0 .LBB2_20-.Ltmp9, $4  }
0x176: {  	v6 =	vld [tilespmem:s1+$0x6430];
	v9 =	vadd.f32 v12, v9  }
0x177: {  	v7 =	vld [tilespmem:s1+$0x6440];
	v0 =	vadd.f32 v13, v0  }
0x178: {  	v1 =	vadd.f32 v14, v1;
	v11 =	vld [tilespmem:s1+$0x6450]  }
0x179: {  	v2 =	vadd.f32 v15, v2;
	v12 =	vld [tilespmem:s1+$0x6460];
	s1 =	sshra.s32 s13, $0x2;
	s13 =	sadd.s32 $0x200, s13  }
0x17a: {  	v13 =	vld [tilespmem:s1+$0x6470]  }
0x17b: {  	v14 =	vld [tilespmem:s1+$0x6400]  }
0x17c: {  	v15 =	vld [tilespmem:s1+$0x6410]  }
0x17d: {  	v16 =	vld [tilespmem:s1+$0x6420]  }
0x17e: {  	v17 =	vld [tilespmem:s1+$0x6430]  }
0x17f: {  	v18 =	vld [tilespmem:s1+$0x6440]  }
0x180: {  	v3 =	vadd.f32 v5, v3;
	v5 =	vld [tilespmem:s1+$0x6460]  }
0x181: {  	v4 =	vadd.f32 v6, v4;
	v6 =	vadd.f32 v7, v10;
	v7 =	vld [tilespmem:s1+$0x6450]  }
0x182: {  	v8 =	vadd.f32 v11, v8;
	v9 =	vadd.f32 v12, v9  }
0x183: {  	v0 =	vadd.f32 v13, v0;
	v1 =	vadd.f32 v14, v1  }
0x184: {  	v2 =	vadd.f32 v15, v2;
	v3 =	vadd.f32 v16, v3  }
0x185: {  	v6 =	vadd.f32 v18, v6;
	v5 =	vadd.f32 v5, v9  }
0x186: {  	v4 =	vadd.f32 v17, v4;
	v7 =	vadd.f32 v7, v8  }
0x187: {  	v1 =	vadd.f32 v3, v1;
	v3 =	vadd.f32 v5, v6  }
0x188: {  	v2 =	vadd.f32 v4, v2;
	v0 =	vadd.f32 v0, v7  }
0x189: {  	v1 =	vadd.f32 v3, v1  }
0x18a: {  	v0 =	vadd.f32 v0, v2  }
0x18b: {  	[tilespmem:$0x13B00] =	vst v1  }
0x18c: {  	s22 =	simm.s32 $0x0;
	[tilespmem:$0x13B10] =	vst v0  }
0x18d: {  	v0 =	vld [tilespmem:s22+$0x7D70]  }
0x18e: {  	v1 =	vld [tilespmem:s22+$0x7D00]  }
0x18f: {  	v2 =	vld [tilespmem:s22+$0x7D10]  }
0x190: {  	v5 =	vld [tilespmem:s22+$0x7D20]  }
0x191: {  	v6 =	vld [tilespmem:s22+$0x7D30]  }
0x192: {  	v10 =	vimm.f32 $0.0e+00;
	v3 =	vimm.f32 $0.0e+00;
	v7 =	vld [tilespmem:s22+$0x7D40]  }
0x193: {  	v9 =	vimm.f32 $0.0e+00;
	v4 =	vimm.f32 $0.0e+00;
	v11 =	vld [tilespmem:s22+$0x7D50];
	v0 =	vadd.f32 v0, v3  }
0x194: {  	s13 =	simm.s32 $0x400;
	s1 =	simm.s32 $0x80;
	v8 =	vimm.f32 $0.0e+00;
	v12 =	vld [tilespmem:s22+$0x7D60];
	v1 =	vadd.f32 v1, v3;
	v2 =	vadd.f32 v2, v3  }
.LBB2_22:
0x195: {  	p0 =	sne.s32 s13, $0x6200;
	v13 =	vld [tilespmem:s1+$0x7D70];
	v3 =	vadd.f32 v5, v3  }
0x196: {  	v14 =	vld [tilespmem:s1+$0x7D00];
	v4 =	vadd.f32 v6, v4  }
0x197: {  	v15 =	vld [tilespmem:s1+$0x7D10];
	v10 =	vadd.f32 v7, v10  }
.Ltmp10:
0x198: {  	v5 =	vld [tilespmem:s1+$0x7D20];
	v8 =	vadd.f32 v11, v8;
	(pc) =	sbr.rel @p0 .LBB2_22-.Ltmp10, $4  }
0x199: {  	v6 =	vld [tilespmem:s1+$0x7D30];
	v9 =	vadd.f32 v12, v9  }
0x19a: {  	v7 =	vld [tilespmem:s1+$0x7D40];
	v0 =	vadd.f32 v13, v0  }
0x19b: {  	v1 =	vadd.f32 v14, v1;
	v11 =	vld [tilespmem:s1+$0x7D50]  }
0x19c: {  	v2 =	vadd.f32 v15, v2;
	v12 =	vld [tilespmem:s1+$0x7D60];
	s1 =	sshra.s32 s13, $0x2;
	s13 =	sadd.s32 $0x200, s13  }
0x19d: {  	v13 =	vld [tilespmem:s1+$0x7D70]  }
0x19e: {  	v14 =	vld [tilespmem:s1+$0x7D00]  }
0x19f: {  	v15 =	vld [tilespmem:s1+$0x7D10]  }
0x1a0: {  	v16 =	vld [tilespmem:s1+$0x7D20]  }
0x1a1: {  	v17 =	vld [tilespmem:s1+$0x7D30]  }
0x1a2: {  	v18 =	vld [tilespmem:s1+$0x7D40]  }
0x1a3: {  	v3 =	vadd.f32 v5, v3;
	v5 =	vld [tilespmem:s1+$0x7D60]  }
0x1a4: {  	v4 =	vadd.f32 v6, v4;
	v6 =	vadd.f32 v7, v10;
	v7 =	vld [tilespmem:s1+$0x7D50]  }
0x1a5: {  	v8 =	vadd.f32 v11, v8;
	v9 =	vadd.f32 v12, v9  }
0x1a6: {  	v0 =	vadd.f32 v13, v0;
	v1 =	vadd.f32 v14, v1  }
0x1a7: {  	v2 =	vadd.f32 v15, v2;
	v3 =	vadd.f32 v16, v3  }
0x1a8: {  	v6 =	vadd.f32 v18, v6;
	v5 =	vadd.f32 v5, v9  }
0x1a9: {  	v4 =	vadd.f32 v17, v4;
	v7 =	vadd.f32 v7, v8  }
0x1aa: {  	v1 =	vadd.f32 v3, v1;
	v3 =	vadd.f32 v5, v6  }
0x1ab: {  	v2 =	vadd.f32 v4, v2;
	v0 =	vadd.f32 v0, v7  }
0x1ac: {  	v1 =	vadd.f32 v3, v1  }
0x1ad: {  	v0 =	vadd.f32 v0, v2  }
0x1ae: {  	[tilespmem:$0x13B20] =	vst v1  }
0x1af: {  	s22 =	simm.s32 $0x0;
	[tilespmem:$0x13B30] =	vst v0  }
0x1b0: {  	v0 =	vld [tilespmem:s22+$0x9670]  }
0x1b1: {  	v1 =	vld [tilespmem:s22+$0x9600]  }
0x1b2: {  	v2 =	vld [tilespmem:s22+$0x9610]  }
0x1b3: {  	v5 =	vld [tilespmem:s22+$0x9620]  }
0x1b4: {  	v6 =	vld [tilespmem:s22+$0x9630]  }
0x1b5: {  	v10 =	vimm.f32 $0.0e+00;
	v3 =	vimm.f32 $0.0e+00;
	v7 =	vld [tilespmem:s22+$0x9640]  }
0x1b6: {  	v9 =	vimm.f32 $0.0e+00;
	v4 =	vimm.f32 $0.0e+00;
	v11 =	vld [tilespmem:s22+$0x9650];
	v0 =	vadd.f32 v0, v3  }
0x1b7: {  	s13 =	simm.s32 $0x400;
	s1 =	simm.s32 $0x80;
	v8 =	vimm.f32 $0.0e+00;
	v12 =	vld [tilespmem:s22+$0x9660];
	v1 =	vadd.f32 v1, v3;
	v2 =	vadd.f32 v2, v3  }
.LBB2_24:
0x1b8: {  	p0 =	sne.s32 s13, $0x6200;
	v13 =	vld [tilespmem:s1+$0x9670];
	v3 =	vadd.f32 v5, v3  }
0x1b9: {  	v14 =	vld [tilespmem:s1+$0x9600];
	v4 =	vadd.f32 v6, v4  }
0x1ba: {  	v15 =	vld [tilespmem:s1+$0x9610];
	v10 =	vadd.f32 v7, v10  }
.Ltmp11:
0x1bb: {  	v5 =	vld [tilespmem:s1+$0x9620];
	v8 =	vadd.f32 v11, v8;
	(pc) =	sbr.rel @p0 .LBB2_24-.Ltmp11, $4  }
0x1bc: {  	v6 =	vld [tilespmem:s1+$0x9630];
	v9 =	vadd.f32 v12, v9  }
0x1bd: {  	v7 =	vld [tilespmem:s1+$0x9640];
	v0 =	vadd.f32 v13, v0  }
0x1be: {  	v1 =	vadd.f32 v14, v1;
	v11 =	vld [tilespmem:s1+$0x9650]  }
0x1bf: {  	v2 =	vadd.f32 v15, v2;
	v12 =	vld [tilespmem:s1+$0x9660];
	s1 =	sshra.s32 s13, $0x2;
	s13 =	sadd.s32 $0x200, s13  }
0x1c0: {  	v13 =	vld [tilespmem:s1+$0x9670]  }
0x1c1: {  	v14 =	vld [tilespmem:s1+$0x9600]  }
0x1c2: {  	v15 =	vld [tilespmem:s1+$0x9610]  }
0x1c3: {  	v16 =	vld [tilespmem:s1+$0x9620]  }
0x1c4: {  	v17 =	vld [tilespmem:s1+$0x9630]  }
0x1c5: {  	v18 =	vld [tilespmem:s1+$0x9640]  }
0x1c6: {  	v3 =	vadd.f32 v5, v3;
	v5 =	vld [tilespmem:s1+$0x9660]  }
0x1c7: {  	v4 =	vadd.f32 v6, v4;
	v6 =	vadd.f32 v7, v10;
	v7 =	vld [tilespmem:s1+$0x9650]  }
0x1c8: {  	v8 =	vadd.f32 v11, v8;
	v9 =	vadd.f32 v12, v9  }
0x1c9: {  	v0 =	vadd.f32 v13, v0;
	v1 =	vadd.f32 v14, v1  }
0x1ca: {  	v2 =	vadd.f32 v15, v2;
	v3 =	vadd.f32 v16, v3  }
0x1cb: {  	v6 =	vadd.f32 v18, v6;
	v5 =	vadd.f32 v5, v9  }
0x1cc: {  	v4 =	vadd.f32 v17, v4;
	v7 =	vadd.f32 v7, v8  }
0x1cd: {  	v1 =	vadd.f32 v3, v1;
	v3 =	vadd.f32 v5, v6  }
0x1ce: {  	v2 =	vadd.f32 v4, v2;
	v0 =	vadd.f32 v0, v7  }
0x1cf: {  	v1 =	vadd.f32 v3, v1  }
0x1d0: {  	v0 =	vadd.f32 v0, v2  }
0x1d1: {  	[tilespmem:$0x13B40] =	vst v1  }
0x1d2: {  	s22 =	simm.s32 $0x0;
	[tilespmem:$0x13B50] =	vst v0  }
0x1d3: {  	v0 =	vld [tilespmem:s22+$0xAF70]  }
0x1d4: {  	v1 =	vld [tilespmem:s22+$0xAF00]  }
0x1d5: {  	v2 =	vld [tilespmem:s22+$0xAF10]  }
0x1d6: {  	v5 =	vld [tilespmem:s22+$0xAF20]  }
0x1d7: {  	v6 =	vld [tilespmem:s22+$0xAF30]  }
0x1d8: {  	v10 =	vimm.f32 $0.0e+00;
	v3 =	vimm.f32 $0.0e+00;
	v7 =	vld [tilespmem:s22+$0xAF40]  }
0x1d9: {  	v9 =	vimm.f32 $0.0e+00;
	v4 =	vimm.f32 $0.0e+00;
	v11 =	vld [tilespmem:s22+$0xAF50];
	v0 =	vadd.f32 v0, v3  }
0x1da: {  	s13 =	simm.s32 $0x400;
	s1 =	simm.s32 $0x80;
	v8 =	vimm.f32 $0.0e+00;
	v12 =	vld [tilespmem:s22+$0xAF60];
	v1 =	vadd.f32 v1, v3;
	v2 =	vadd.f32 v2, v3  }
.LBB2_26:
0x1db: {  	p0 =	sne.s32 s13, $0x6200;
	v13 =	vld [tilespmem:s1+$0xAF70];
	v3 =	vadd.f32 v5, v3  }
0x1dc: {  	v14 =	vld [tilespmem:s1+$0xAF00];
	v4 =	vadd.f32 v6, v4  }
0x1dd: {  	v15 =	vld [tilespmem:s1+$0xAF10];
	v10 =	vadd.f32 v7, v10  }
.Ltmp12:
0x1de: {  	v5 =	vld [tilespmem:s1+$0xAF20];
	v8 =	vadd.f32 v11, v8;
	(pc) =	sbr.rel @p0 .LBB2_26-.Ltmp12, $4  }
0x1df: {  	v6 =	vld [tilespmem:s1+$0xAF30];
	v9 =	vadd.f32 v12, v9  }
0x1e0: {  	v7 =	vld [tilespmem:s1+$0xAF40];
	v0 =	vadd.f32 v13, v0  }
0x1e1: {  	v1 =	vadd.f32 v14, v1;
	v11 =	vld [tilespmem:s1+$0xAF50]  }
0x1e2: {  	v2 =	vadd.f32 v15, v2;
	v12 =	vld [tilespmem:s1+$0xAF60];
	s1 =	sshra.s32 s13, $0x2;
	s13 =	sadd.s32 $0x200, s13  }
0x1e3: {  	v13 =	vld [tilespmem:s1+$0xAF70]  }
0x1e4: {  	v14 =	vld [tilespmem:s1+$0xAF00]  }
0x1e5: {  	v15 =	vld [tilespmem:s1+$0xAF10]  }
0x1e6: {  	v16 =	vld [tilespmem:s1+$0xAF20]  }
0x1e7: {  	v17 =	vld [tilespmem:s1+$0xAF30]  }
0x1e8: {  	v18 =	vld [tilespmem:s1+$0xAF40]  }
0x1e9: {  	v3 =	vadd.f32 v5, v3;
	v5 =	vld [tilespmem:s1+$0xAF60]  }
0x1ea: {  	v4 =	vadd.f32 v6, v4;
	v6 =	vadd.f32 v7, v10;
	v7 =	vld [tilespmem:s1+$0xAF50]  }
0x1eb: {  	v8 =	vadd.f32 v11, v8;
	v9 =	vadd.f32 v12, v9  }
0x1ec: {  	v0 =	vadd.f32 v13, v0;
	v1 =	vadd.f32 v14, v1  }
0x1ed: {  	v2 =	vadd.f32 v15, v2;
	v3 =	vadd.f32 v16, v3  }
0x1ee: {  	v6 =	vadd.f32 v18, v6;
	v5 =	vadd.f32 v5, v9  }
0x1ef: {  	v4 =	vadd.f32 v17, v4;
	v7 =	vadd.f32 v7, v8  }
0x1f0: {  	v1 =	vadd.f32 v3, v1;
	v3 =	vadd.f32 v5, v6  }
0x1f1: {  	v2 =	vadd.f32 v4, v2;
	v0 =	vadd.f32 v0, v7  }
0x1f2: {  	v1 =	vadd.f32 v3, v1  }
0x1f3: {  	v0 =	vadd.f32 v0, v2  }
0x1f4: {  	[tilespmem:$0x13B60] =	vst v1  }
0x1f5: {  	[tilespmem:$0x13B70] =	vst v0  }
0x1f6: {  	_ =	swait.ge [sflag:s20], $0x6400  }
0x1f7: {  	[sflag:s20] =	ssyncset.done $0x0  }
0x1f8: {  	s22 =	simm.s32 $0x0;
	[sflag:s20] =	ssyncadd.s32 $0xFFFF9C00  }
0x1f9: {  	v0 =	vld [tilespmem:s22+$0xC870]  }
0x1fa: {  	v1 =	vld [tilespmem:s22+$0xC800]  }
0x1fb: {  	v2 =	vld [tilespmem:s22+$0xC810]  }
0x1fc: {  	v5 =	vld [tilespmem:s22+$0xC820]  }
0x1fd: {  	v6 =	vld [tilespmem:s22+$0xC830]  }
0x1fe: {  	v10 =	vimm.f32 $0.0e+00;
	v3 =	vimm.f32 $0.0e+00;
	v7 =	vld [tilespmem:s22+$0xC840]  }
0x1ff: {  	v9 =	vimm.f32 $0.0e+00;
	v4 =	vimm.f32 $0.0e+00;
	v11 =	vld [tilespmem:s22+$0xC850];
	v0 =	vadd.f32 v0, v3  }
0x200: {  	s13 =	simm.s32 $0x400;
	s1 =	simm.s32 $0x80;
	v8 =	vimm.f32 $0.0e+00;
	v12 =	vld [tilespmem:s22+$0xC860];
	v1 =	vadd.f32 v1, v3;
	v2 =	vadd.f32 v2, v3  }
.LBB2_28:
0x201: {  	p0 =	sne.s32 s13, $0x6200;
	v13 =	vld [tilespmem:s1+$0xC870];
	v3 =	vadd.f32 v5, v3  }
0x202: {  	v14 =	vld [tilespmem:s1+$0xC800];
	v4 =	vadd.f32 v6, v4  }
0x203: {  	v15 =	vld [tilespmem:s1+$0xC810];
	v10 =	vadd.f32 v7, v10  }
.Ltmp13:
0x204: {  	v5 =	vld [tilespmem:s1+$0xC820];
	v8 =	vadd.f32 v11, v8;
	(pc) =	sbr.rel @p0 .LBB2_28-.Ltmp13, $4  }
0x205: {  	v6 =	vld [tilespmem:s1+$0xC830];
	v9 =	vadd.f32 v12, v9  }
0x206: {  	v7 =	vld [tilespmem:s1+$0xC840];
	v0 =	vadd.f32 v13, v0  }
0x207: {  	v1 =	vadd.f32 v14, v1;
	v11 =	vld [tilespmem:s1+$0xC850]  }
0x208: {  	v2 =	vadd.f32 v15, v2;
	v12 =	vld [tilespmem:s1+$0xC860];
	s1 =	sshra.s32 s13, $0x2;
	s13 =	sadd.s32 $0x200, s13  }
0x209: {  	v13 =	vld [tilespmem:s1+$0xC870]  }
0x20a: {  	v14 =	vld [tilespmem:s1+$0xC800]  }
0x20b: {  	v15 =	vld [tilespmem:s1+$0xC810]  }
0x20c: {  	v16 =	vld [tilespmem:s1+$0xC820]  }
0x20d: {  	v17 =	vld [tilespmem:s1+$0xC830]  }
0x20e: {  	v18 =	vld [tilespmem:s1+$0xC840]  }
0x20f: {  	v3 =	vadd.f32 v5, v3;
	v5 =	vld [tilespmem:s1+$0xC860]  }
0x210: {  	v4 =	vadd.f32 v6, v4;
	v6 =	vadd.f32 v7, v10;
	v7 =	vld [tilespmem:s1+$0xC850]  }
0x211: {  	v8 =	vadd.f32 v11, v8;
	v9 =	vadd.f32 v12, v9  }
0x212: {  	v0 =	vadd.f32 v13, v0;
	v1 =	vadd.f32 v14, v1  }
0x213: {  	v2 =	vadd.f32 v15, v2;
	v3 =	vadd.f32 v16, v3  }
0x214: {  	v6 =	vadd.f32 v18, v6;
	v5 =	vadd.f32 v5, v9  }
0x215: {  	v4 =	vadd.f32 v17, v4;
	v7 =	vadd.f32 v7, v8  }
0x216: {  	v1 =	vadd.f32 v3, v1;
	v3 =	vadd.f32 v5, v6  }
0x217: {  	v2 =	vadd.f32 v4, v2;
	v0 =	vadd.f32 v0, v7  }
0x218: {  	v1 =	vadd.f32 v3, v1  }
0x219: {  	v0 =	vadd.f32 v0, v2  }
0x21a: {  	[tilespmem:$0x13B80] =	vst v1  }
0x21b: {  	s22 =	simm.s32 $0x0;
	[tilespmem:$0x13B90] =	vst v0  }
0x21c: {  	v0 =	vld [tilespmem:s22+$0xE170]  }
0x21d: {  	v1 =	vld [tilespmem:s22+$0xE100]  }
0x21e: {  	v2 =	vld [tilespmem:s22+$0xE110]  }
0x21f: {  	v5 =	vld [tilespmem:s22+$0xE120]  }
0x220: {  	v6 =	vld [tilespmem:s22+$0xE130]  }
0x221: {  	v10 =	vimm.f32 $0.0e+00;
	v3 =	vimm.f32 $0.0e+00;
	v7 =	vld [tilespmem:s22+$0xE140]  }
0x222: {  	v9 =	vimm.f32 $0.0e+00;
	v4 =	vimm.f32 $0.0e+00;
	v11 =	vld [tilespmem:s22+$0xE150];
	v0 =	vadd.f32 v0, v3  }
0x223: {  	s13 =	simm.s32 $0x400;
	s1 =	simm.s32 $0x80;
	v8 =	vimm.f32 $0.0e+00;
	v12 =	vld [tilespmem:s22+$0xE160];
	v1 =	vadd.f32 v1, v3;
	v2 =	vadd.f32 v2, v3  }
.LBB2_30:
0x224: {  	p0 =	sne.s32 s13, $0x6200;
	v13 =	vld [tilespmem:s1+$0xE170];
	v3 =	vadd.f32 v5, v3  }
0x225: {  	v14 =	vld [tilespmem:s1+$0xE100];
	v4 =	vadd.f32 v6, v4  }
0x226: {  	v15 =	vld [tilespmem:s1+$0xE110];
	v10 =	vadd.f32 v7, v10  }
.Ltmp14:
0x227: {  	v5 =	vld [tilespmem:s1+$0xE120];
	v8 =	vadd.f32 v11, v8;
	(pc) =	sbr.rel @p0 .LBB2_30-.Ltmp14, $4  }
0x228: {  	v6 =	vld [tilespmem:s1+$0xE130];
	v9 =	vadd.f32 v12, v9  }
0x229: {  	v7 =	vld [tilespmem:s1+$0xE140];
	v0 =	vadd.f32 v13, v0  }
0x22a: {  	v1 =	vadd.f32 v14, v1;
	v11 =	vld [tilespmem:s1+$0xE150]  }
0x22b: {  	v2 =	vadd.f32 v15, v2;
	v12 =	vld [tilespmem:s1+$0xE160];
	s1 =	sshra.s32 s13, $0x2;
	s13 =	sadd.s32 $0x200, s13  }
0x22c: {  	v13 =	vld [tilespmem:s1+$0xE170]  }
0x22d: {  	v14 =	vld [tilespmem:s1+$0xE100]  }
0x22e: {  	v15 =	vld [tilespmem:s1+$0xE110]  }
0x22f: {  	v16 =	vld [tilespmem:s1+$0xE120]  }
0x230: {  	v17 =	vld [tilespmem:s1+$0xE130]  }
0x231: {  	v18 =	vld [tilespmem:s1+$0xE140]  }
0x232: {  	v3 =	vadd.f32 v5, v3;
	v5 =	vld [tilespmem:s1+$0xE160]  }
0x233: {  	v4 =	vadd.f32 v6, v4;
	v6 =	vadd.f32 v7, v10;
	v7 =	vld [tilespmem:s1+$0xE150]  }
0x234: {  	v8 =	vadd.f32 v11, v8;
	v9 =	vadd.f32 v12, v9  }
0x235: {  	v0 =	vadd.f32 v13, v0;
	v1 =	vadd.f32 v14, v1  }
0x236: {  	v2 =	vadd.f32 v15, v2;
	v3 =	vadd.f32 v16, v3  }
0x237: {  	v6 =	vadd.f32 v18, v6;
	v5 =	vadd.f32 v5, v9  }
0x238: {  	v4 =	vadd.f32 v17, v4;
	v7 =	vadd.f32 v7, v8  }
0x239: {  	v1 =	vadd.f32 v3, v1;
	v3 =	vadd.f32 v5, v6  }
0x23a: {  	v2 =	vadd.f32 v4, v2;
	v0 =	vadd.f32 v0, v7  }
0x23b: {  	v1 =	vadd.f32 v3, v1  }
0x23c: {  	v0 =	vadd.f32 v0, v2  }
0x23d: {  	[tilespmem:$0x13BA0] =	vst v1  }
0x23e: {  	s22 =	simm.s32 $0x0;
	[tilespmem:$0x13BB0] =	vst v0  }
0x23f: {  	v0 =	vld [tilespmem:s22+$0xFA70]  }
0x240: {  	v1 =	vld [tilespmem:s22+$0xFA00]  }
0x241: {  	v2 =	vld [tilespmem:s22+$0xFA10]  }
0x242: {  	v5 =	vld [tilespmem:s22+$0xFA20]  }
0x243: {  	v6 =	vld [tilespmem:s22+$0xFA30]  }
0x244: {  	v10 =	vimm.f32 $0.0e+00;
	v3 =	vimm.f32 $0.0e+00;
	v7 =	vld [tilespmem:s22+$0xFA40]  }
0x245: {  	v9 =	vimm.f32 $0.0e+00;
	v4 =	vimm.f32 $0.0e+00;
	v11 =	vld [tilespmem:s22+$0xFA50];
	v0 =	vadd.f32 v0, v3  }
0x246: {  	s13 =	simm.s32 $0x400;
	s1 =	simm.s32 $0x80;
	v8 =	vimm.f32 $0.0e+00;
	v12 =	vld [tilespmem:s22+$0xFA60];
	v1 =	vadd.f32 v1, v3;
	v2 =	vadd.f32 v2, v3  }
.LBB2_32:
0x247: {  	p0 =	sne.s32 s13, $0x6200;
	v13 =	vld [tilespmem:s1+$0xFA70];
	v3 =	vadd.f32 v5, v3  }
0x248: {  	v14 =	vld [tilespmem:s1+$0xFA00];
	v4 =	vadd.f32 v6, v4  }
0x249: {  	v15 =	vld [tilespmem:s1+$0xFA10];
	v10 =	vadd.f32 v7, v10  }
.Ltmp15:
0x24a: {  	v5 =	vld [tilespmem:s1+$0xFA20];
	v8 =	vadd.f32 v11, v8;
	(pc) =	sbr.rel @p0 .LBB2_32-.Ltmp15, $4  }
0x24b: {  	v6 =	vld [tilespmem:s1+$0xFA30];
	v9 =	vadd.f32 v12, v9  }
0x24c: {  	v7 =	vld [tilespmem:s1+$0xFA40];
	v0 =	vadd.f32 v13, v0  }
0x24d: {  	v1 =	vadd.f32 v14, v1;
	v11 =	vld [tilespmem:s1+$0xFA50]  }
0x24e: {  	v2 =	vadd.f32 v15, v2;
	v12 =	vld [tilespmem:s1+$0xFA60];
	s1 =	sshra.s32 s13, $0x2;
	s13 =	sadd.s32 $0x200, s13  }
0x24f: {  	v13 =	vld [tilespmem:s1+$0xFA70]  }
0x250: {  	v14 =	vld [tilespmem:s1+$0xFA00]  }
0x251: {  	v15 =	vld [tilespmem:s1+$0xFA10]  }
0x252: {  	v16 =	vld [tilespmem:s1+$0xFA20]  }
0x253: {  	v17 =	vld [tilespmem:s1+$0xFA30]  }
0x254: {  	v18 =	vld [tilespmem:s1+$0xFA40]  }
0x255: {  	v3 =	vadd.f32 v5, v3;
	v5 =	vld [tilespmem:s1+$0xFA60]  }
0x256: {  	v4 =	vadd.f32 v6, v4;
	v6 =	vadd.f32 v7, v10;
	v7 =	vld [tilespmem:s1+$0xFA50]  }
0x257: {  	v8 =	vadd.f32 v11, v8;
	v9 =	vadd.f32 v12, v9  }
0x258: {  	v0 =	vadd.f32 v13, v0;
	v1 =	vadd.f32 v14, v1  }
0x259: {  	v2 =	vadd.f32 v15, v2;
	v3 =	vadd.f32 v16, v3  }
0x25a: {  	v6 =	vadd.f32 v18, v6;
	v5 =	vadd.f32 v5, v9  }
0x25b: {  	v4 =	vadd.f32 v17, v4;
	v7 =	vadd.f32 v7, v8  }
0x25c: {  	v1 =	vadd.f32 v3, v1;
	v3 =	vadd.f32 v5, v6  }
0x25d: {  	v2 =	vadd.f32 v4, v2;
	v0 =	vadd.f32 v0, v7  }
0x25e: {  	v1 =	vadd.f32 v3, v1  }
0x25f: {  	v0 =	vadd.f32 v0, v2  }
0x260: {  	[tilespmem:$0x13BC0] =	vst v1  }
0x261: {  	s22 =	simm.s32 $0x0;
	[tilespmem:$0x13BD0] =	vst v0  }
0x262: {  	v0 =	vld [tilespmem:s22+$0x11370]  }
0x263: {  	v1 =	vld [tilespmem:s22+$0x11300]  }
0x264: {  	v2 =	vld [tilespmem:s22+$0x11310]  }
0x265: {  	v5 =	vld [tilespmem:s22+$0x11320]  }
0x266: {  	v6 =	vld [tilespmem:s22+$0x11330]  }
0x267: {  	v10 =	vimm.f32 $0.0e+00;
	v3 =	vimm.f32 $0.0e+00;
	v7 =	vld [tilespmem:s22+$0x11340]  }
0x268: {  	v9 =	vimm.f32 $0.0e+00;
	v4 =	vimm.f32 $0.0e+00;
	v11 =	vld [tilespmem:s22+$0x11350];
	v0 =	vadd.f32 v0, v3  }
0x269: {  	s13 =	simm.s32 $0x400;
	s1 =	simm.s32 $0x80;
	v8 =	vimm.f32 $0.0e+00;
	v12 =	vld [tilespmem:s22+$0x11360];
	v1 =	vadd.f32 v1, v3;
	v2 =	vadd.f32 v2, v3  }
.LBB2_34:
0x26a: {  	p0 =	sne.s32 s13, $0x6200;
	v13 =	vld [tilespmem:s1+$0x11370];
	v3 =	vadd.f32 v5, v3  }
0x26b: {  	v14 =	vld [tilespmem:s1+$0x11300];
	v4 =	vadd.f32 v6, v4  }
0x26c: {  	v15 =	vld [tilespmem:s1+$0x11310];
	v10 =	vadd.f32 v7, v10  }
.Ltmp16:
0x26d: {  	v5 =	vld [tilespmem:s1+$0x11320];
	v8 =	vadd.f32 v11, v8;
	(pc) =	sbr.rel @p0 .LBB2_34-.Ltmp16, $4  }
0x26e: {  	v6 =	vld [tilespmem:s1+$0x11330];
	v9 =	vadd.f32 v12, v9  }
0x26f: {  	v7 =	vld [tilespmem:s1+$0x11340];
	v0 =	vadd.f32 v13, v0  }
0x270: {  	v1 =	vadd.f32 v14, v1;
	v11 =	vld [tilespmem:s1+$0x11350]  }
0x271: {  	v2 =	vadd.f32 v15, v2;
	v12 =	vld [tilespmem:s1+$0x11360];
	s1 =	sshra.s32 s13, $0x2;
	s13 =	sadd.s32 $0x200, s13  }
0x272: {  	v13 =	vld [tilespmem:s1+$0x11370]  }
0x273: {  	v14 =	vld [tilespmem:s1+$0x11300]  }
0x274: {  	v15 =	vld [tilespmem:s1+$0x11310]  }
0x275: {  	v16 =	vld [tilespmem:s1+$0x11320]  }
0x276: {  	v17 =	vld [tilespmem:s1+$0x11330]  }
0x277: {  	v18 =	vld [tilespmem:s1+$0x11340]  }
0x278: {  	v3 =	vadd.f32 v5, v3;
	v62 =	vld [tilespmem:s1+$0x11350]  }
0x279: {  	v60 =	vld [tilespmem:s1+$0x11360];
	v4 =	vadd.f32 v6, v4;
	v61 =	vadd.f32 v7, v10  }
0x27a: {  	v8 =	vadd.f32 v11, v8;
	v9 =	vadd.f32 v12, v9  }
0x27b: {  	v0 =	vadd.f32 v13, v0;
	v1 =	vadd.f32 v14, v1  }
0x27c: {  	v2 =	vadd.f32 v15, v2;
	v3 =	vadd.f32 v16, v3  }
0x27d: {  	v4 =	vadd.f32 v17, v4;
	v7 =	vadd.f32 v62, v8  }
0x27e: {  	v6 =	vadd.f32 v18, v61;
	v5 =	vadd.f32 v60, v9  }
0x27f: {  	v2 =	vadd.f32 v4, v2;
	v0 =	vadd.f32 v0, v7  }
0x280: {  	v1 =	vadd.f32 v3, v1;
	v63 =	vadd.f32 v5, v6  }
0x281: {  	v0 =	vadd.f32 v0, v2  }
0x282: {  	s24 =	sadd.s32 $0x1, s24;
	v1 =	vadd.f32 v63, v1  }
0x283: {  	p0 =	sne.s32 s24, s6;
	[tilespmem:$0x13BF0] =	vst v0  }
.Ltmp17:
0x284: {  	s31 =	simm.s32 $0x12C00;
	[tilespmem:$0x13BE0] =	vst v1;
	(pc) =	sbr.rel @p0 .LBB2_1-.Ltmp17, $4  }
0x285: {  	[hbm4b:s5+s2] =	stream.linear.scatter [tilespmem:s31], [sflag:$0x3], $0x1000, $0x38;
	[tilespmem:$0x13C00] =	vst v63  }
0x286: {  	_ =	swait.ge [sflag:s7], $0x1000  }
0x287: {  	[sflag:s7] =	ssyncset.done $0x0  }
0x288: {  	[sflag:s7] =	ssyncadd.s32 $0xFFFFF000  }
0x289: {  	_ =	sfence.sel $0x180000  }
0x28a: {  	[bflag:$0x0] =	sbarrier.arrive $0xFFFF  }
0x28b: {  	_ =	strace $0x90000047  }
0x28c: {  	s0 =	stileid.u32;
	[bflag:$0x2] =	sbarrier.arrive $0xFFFF  }
0x28d: {  	p0 =	sne.s32 s0, $0x0;
	s0 =	rddreg [dreg:$0x1]  }
0x28e: {  	s0 =	sadd.s32 @!p0 $0x100000, s0  }
0x28f: {  	[sflag:s0] =	ssyncadd.tile.s32 @!p0 $0x1;
	_ =	shalt  }
.Lfunc_end2:
_tile_overlayer_lowered:
.L_overlay_start_2:
0x290: {  	(tag) =	ssettag $0x2  }
0x291: {  	s0 =	rddreg [dreg:$0x0];
	s2 =	stileid.u32  }
0x292: {  	s1 =	rddreg [dreg:$0x1];
	p0 =	sne.s32 s2, $0x0  }
0x293: {  	s3 =	rddreg [dreg:$0x2];
	[bflag:$0x3] =	sbarrier.arrive $0xFFFF;
	s2 =	simm.s32 @!p0 $0x1C03  }
0x294: {  	[timem:s3], [sflag:s2] =	dma.local @!p0 [hbm:s0], s1  }
0x295: {  	s0 =	simm.s32 @!p0 $0x3  }
0x296: {  	_ =	swait.ge @!p0 [sflag:s0], s1  }
0x297: {  	s1 =	ssub.s32 @!p0 $0x0, s1;
	[sflag:s0] =	ssyncset.done @!p0 $0x0  }
0x298: {  	[sflag:s0] =	ssyncadd.s32 @!p0 s1  }
0x299: {  	[bflag:$0x3] =	sbarrier.arrive $0xFFFF  }
0x29a: {  	_ =	shalt  }

</sc_bundles>
